<compile_context>
chip_gen: v7x
topology: tpu7x:2x2x1
jax: 0.10.2.dev20260603
libtpu: 0.0.44.dev20260713+nightly
codegen_flags: <defaults>
</compile_context>

<pallas_src>
import jax
import jax.numpy as jnp
from jax import lax
from jax.experimental import pallas as pl
from jax.experimental.pallas import tpu as pltpu
from jax.experimental.pallas import tpu_sc as plsc

_N = 10000
_E = 160000
_IN = 256
_HID = 512
_OUT = 256
_F = 128
_NC, _NS = 2, 16
_CH = 128
_NP = 10240
_RPS = _NP // _NS
_ZR = 128
_EPS = 10240
_NJ = _EPS // _CH
_NH = 2
_HNJ = _NJ // _NH
_EPAD = _EPS * _NS
_NCHUNK = _EPAD // _CH
_NB = 2
_BM = 400


def _make_sc_agg(with_deg):
  mesh = plsc.VectorSubcoreMesh(core_axis_name="c", subcore_axis_name="s")
  out_type = [jax.ShapeDtypeStruct((_NC, _NP, _F), jnp.float32)]
  scratch = [
      pltpu.VMEM_SHARED((_NP, _F), jnp.float32),
  ] + [pltpu.VMEM((_CH,), jnp.int32) for _ in range(8)] \
    + [pltpu.VMEM((_CH, _F), jnp.float32) for _ in range(2)] \
    + [pltpu.SemaphoreType.DMA for _ in range(8)]
  if with_deg:
    out_type.append(jax.ShapeDtypeStruct((_NC, _NP), jnp.float32))
    scratch += [
        pltpu.VMEM_SHARED((_NP,), jnp.float32),
        pltpu.VMEM((_RPS,), jnp.float32),
        pltpu.VMEM((_CH,), jnp.float32),
        pltpu.SemaphoreType.DMA,
        pltpu.SemaphoreType.DMA,
    ]

  def body(rows2n, srcs2, dst1, *rest):
    if with_deg:
      out, deg_out = rest[0], rest[1]
      deg_sh, zdeg, ones_v, semd0, semd1 = rest[21:]
      rest = rest[2:21]
    else:
      out = rest[0]
      rest = rest[1:20]
    acc_sh = rest[0]
    idxs = rest[1:9:2]
    idxd = rest[2:9:2]
    rows = rest[9:11]
    semi = rest[11:15]
    sem_g = rest[15:17]
    sem_s = rest[17:19]
    if with_deg:
      sem_d = (semd0, semd1)
    c = lax.axis_index("c")
    s = lax.axis_index("s")
    zero16 = jnp.zeros((16,), jnp.float32)
    zbuf = rows[0]

    def zb(i, carry):
      for j in range(_F // 16):
        zbuf[i, pl.ds(j * 16, 16)] = zero16
      return carry
    lax.fori_loop(0, _ZR, zb, 0)

    r0 = s * _RPS
    for k in range(_RPS // _ZR):
      pltpu.sync_copy(zbuf, acc_sh.at[pl.ds(r0 + k * _ZR, _ZR)])

    if with_deg:
      def zd(i, carry):
        zdeg[pl.ds(i * 16, 16)] = zero16
        return carry
      lax.fori_loop(0, _RPS // 16, zd, 0)
      pltpu.sync_copy(zdeg, deg_sh.at[pl.ds(r0, _RPS)])
      one16 = jnp.full((16,), 1.0, jnp.float32)
      for j in range(_CH // 16):
        ones_v[pl.ds(j * 16, 16)] = one16

    plsc.subcore_barrier()

    def idx_start(i, p):
      e0 = (s + i * _NS) * _CH
      pltpu.async_copy(srcs2.at[c, pl.ds(e0, _CH)], idxs[p], semi[p])
      pltpu.async_copy(dst1.at[pl.ds(e0, _CH)], idxd[p], semi[p])

    def idx_wait(i, p):
      e0 = (s + i * _NS) * _CH
      pltpu.make_async_copy(srcs2.at[c, pl.ds(e0, _CH)], idxs[p],
                            semi[p]).wait()
      pltpu.make_async_copy(dst1.at[pl.ds(e0, _CH)], idxd[p],
                            semi[p]).wait()

    def deg_cond(i):
      return ((s + i * _NS) < _NCHUNK // 2) == (c == 0)

    def scat_start(i, p, r):
      pltpu.async_copy(rows[r], acc_sh.at[idxd[p]], sem_s[r], add=True)
      if with_deg:
        @pl.when(deg_cond(i))
        def _deg():
          pltpu.async_copy(ones_v, deg_sh.at[idxd[p]], sem_d[r], add=True)

    def scat_wait(i, p, r):
      pltpu.make_async_copy(rows[r], acc_sh.at[idxd[p]], sem_s[r]).wait()
      if with_deg:
        @pl.when(deg_cond(i))
        def _dw():
          pltpu.make_async_copy(ones_v, deg_sh.at[idxd[p]], sem_d[r]).wait()

    idx_start(0, 0)

    def chunk4(ii, carry):
      for p in range(4):
        i = 4 * ii + p
        r = p % 2
        idx_wait(i, p)

        @pl.when(i + 1 < _NJ)
        def _pf():
          idx_start(i + 1, (p + 1) % 4)

        @pl.when(i >= 2)
        def _sw():
          scat_wait(i - 2, (p + 2) % 4, r)
        pltpu.async_copy(rows2n.at[idxs[p]], rows[r], sem_g[r])

        @pl.when(i >= 1)
        def _sc():
          pltpu.make_async_copy(rows2n.at[idxs[(p + 3) % 4]], rows[1 - r],
                                sem_g[1 - r]).wait()
          scat_start(i - 1, (p + 3) % 4, 1 - r)
      return carry
    lax.fori_loop(0, _NJ // 4, chunk4, 0)

    m = _NJ - 1
    pltpu.make_async_copy(rows2n.at[idxs[3]], rows[1], sem_g[1]).wait()
    scat_start(m, 3, 1)
    scat_wait(m - 1, 2, 0)
    scat_wait(m, 3, 1)

    plsc.subcore_barrier()

    for k in range(_RPS // _ZR):
      rr = r0 + k * _ZR
      pltpu.sync_copy(acc_sh.at[pl.ds(rr, _ZR)], zbuf)
      pltpu.sync_copy(zbuf, out.at[c, pl.ds(rr, _ZR)])
    if with_deg:
      pltpu.sync_copy(deg_sh.at[pl.ds(r0, _RPS)], zdeg)
      pltpu.sync_copy(zdeg, deg_out.at[c, pl.ds(r0, _RPS)])

  return pl.kernel(body, out_type=tuple(out_type), mesh=mesh,
                   scratch_types=tuple(scratch))


_sc_agg_deg = _make_sc_agg(True)
_sc_agg = _make_sc_agg(False)


def _l0_body(x_ref, agg_ref, deg_ref, ws_ref, wn_ref, b_ref, o_ref):
  inv = 1.0 / jnp.maximum(deg_ref[0] + deg_ref[1], 1.0)
  acc = jnp.dot(x_ref[...], ws_ref[...], preferred_element_type=jnp.float32)
  acc += jnp.dot(agg_ref[0] * inv, wn_ref[0:_F, :],
                 preferred_element_type=jnp.float32)
  acc += jnp.dot(agg_ref[1] * inv, wn_ref[_F:2 * _F, :],
                 preferred_element_type=jnp.float32)
  o_ref[...] = jnp.maximum(acc + b_ref[...], 0.0)


def _l1a_body(h_ref, ws_ref, wn_ref, b_ref, part_ref, p_ref):
  h = h_ref[...]
  part_ref[...] = (
      jnp.dot(h, ws_ref[...], preferred_element_type=jnp.float32) + b_ref[...])
  p = jnp.dot(h, wn_ref[...], preferred_element_type=jnp.float32)
  p_ref[:, 0, :] = p[:, 0:_F]
  p_ref[:, 1, :] = p[:, _F:2 * _F]


def _l1b_body(part_ref, agg_ref, deg_ref, o_ref):
  inv = 1.0 / jnp.maximum(deg_ref[0] + deg_ref[1], 1.0)
  o_ref[:, 0:_F] = part_ref[:, 0:_F] + agg_ref[0] * inv
  o_ref[:, _F:2 * _F] = part_ref[:, _F:2 * _F] + agg_ref[1] * inv


def _l0(x, agg0, deg, ws, wn, b):
  return pl.pallas_call(
      _l0_body,
      grid=(_N // _BM,),
      in_specs=[
          pl.BlockSpec((_BM, _IN), lambda i: (i, 0)),
          pl.BlockSpec((_NC, _BM, _F), lambda i: (0, i, 0)),
          pl.BlockSpec((_NC, _BM, 1), lambda i: (0, i, 0)),
          pl.BlockSpec((_IN, _HID), lambda i: (0, 0)),
          pl.BlockSpec((_IN, _HID), lambda i: (0, 0)),
          pl.BlockSpec((1, _HID), lambda i: (0, 0)),
      ],
      out_specs=pl.BlockSpec((_BM, _HID), lambda i: (i, 0)),
      out_shape=jax.ShapeDtypeStruct((_N, _HID), jnp.float32),
  )(x, agg0, deg, ws, wn, b)


def _l1a(h, ws, wn, b):
  return pl.pallas_call(
      _l1a_body,
      grid=(_N // _BM,),
      in_specs=[
          pl.BlockSpec((_BM, _HID), lambda i: (i, 0)),
          pl.BlockSpec((_HID, _OUT), lambda i: (0, 0)),
          pl.BlockSpec((_HID, _OUT), lambda i: (0, 0)),
          pl.BlockSpec((1, _OUT), lambda i: (0, 0)),
      ],
      out_specs=[
          pl.BlockSpec((_BM, _OUT), lambda i: (i, 0)),
          pl.BlockSpec((_BM, _NC, _F), lambda i: (i, 0, 0)),
      ],
      out_shape=[
          jax.ShapeDtypeStruct((_N, _OUT), jnp.float32),
          jax.ShapeDtypeStruct((_N, _NC, _F), jnp.float32),
      ],
  )(h, ws, wn, b)


def _l1b(part, agg1, deg):
  return pl.pallas_call(
      _l1b_body,
      grid=(_N // _BM,),
      in_specs=[
          pl.BlockSpec((_BM, _OUT), lambda i: (i, 0)),
          pl.BlockSpec((_NC, _BM, _F), lambda i: (0, i, 0)),
          pl.BlockSpec((_NC, _BM, 1), lambda i: (0, i, 0)),
      ],
      out_specs=pl.BlockSpec((_BM, _OUT), lambda i: (i, 0)),
      out_shape=jax.ShapeDtypeStruct((_N, _OUT), jnp.float32),
  )(part, agg1, deg)


def kernel(x, edge_index, W_self0, W_neigh0, b0, W_self1, W_neigh1, b1):
  ei = edge_index.astype(jnp.int32)
  npad = _EPAD - _E
  filler = jnp.arange(npad, dtype=jnp.int32)
  src = jnp.concatenate([ei[0], filler % _N])
  dst = jnp.concatenate([ei[1], _N + (filler % (_NP - _N))])
  srcs2 = jnp.stack([2 * src, 2 * src + 1])
  agg0, deg1 = _sc_agg_deg(x.reshape(2 * _N, _F), srcs2, dst)
  deg = deg1.reshape(_NC, _NP, 1)
  h = _l0(x, agg0, deg, W_self0, W_neigh0, b0.reshape(1, _HID))
  part, p2 = _l1a(h, W_self1, W_neigh1, b1.reshape(1, _OUT))
  (agg1,) = _sc_agg(p2.reshape(2 * _N, _F), srcs2, dst)
  out = _l1b(part, agg1, deg)
  return out

# --- scband reference (transcript-rebuilt; emitter-appended) ---
"""Pipeline reference for scband-sage-36696200577766 (READ-ONLY COPY).

The authoritative reference and input builder live on the scoring server;
editing this copy changes nothing except your own understanding.
"""

import jax, jax.numpy as jnp
import numpy as np

N = 10000
IN_FEATS = 256
HID_FEATS = 512
OUT_FEATS = 256
E = 160000


def setup_inputs(seed: int = 0) -> dict:
    key = jax.random.key(seed)
    ks = jax.random.split(key, 8)
    x = jax.random.normal(ks[0], (N, IN_FEATS), dtype=jnp.float32)
    edge_index = jax.random.randint(ks[1], (2, E), 0, N, dtype=jnp.int64)
    s0 = 1.0 / np.sqrt(IN_FEATS)
    s1 = 1.0 / np.sqrt(HID_FEATS)
    W_self0 = jax.random.uniform(ks[2], (IN_FEATS, HID_FEATS), jnp.float32, -s0, s0)
    W_neigh0 = jax.random.uniform(ks[3], (IN_FEATS, HID_FEATS), jnp.float32, -s0, s0)
    b0 = jnp.zeros((HID_FEATS,), jnp.float32)
    W_self1 = jax.random.uniform(ks[4], (HID_FEATS, OUT_FEATS), jnp.float32, -s1, s1)
    W_neigh1 = jax.random.uniform(ks[5], (HID_FEATS, OUT_FEATS), jnp.float32, -s1, s1)
    b1 = jnp.zeros((OUT_FEATS,), jnp.float32)
    return {"x": x, "edge_index": edge_index, "W_self0": W_self0, "W_neigh0": W_neigh0,
            "b0": b0, "W_self1": W_self1, "W_neigh1": W_neigh1, "b1": b1}


def _sage_conv_mean(h, src, dst, W_self, W_neigh, b):
    # mean aggregation of source-node features onto destination nodes
    msg = jnp.take(h, src, axis=0)
    agg = jax.ops.segment_sum(msg, dst, num_segments=N)
    deg = jax.ops.segment_sum(jnp.ones((src.shape[0],), h.dtype), dst, num_segments=N)
    deg = jnp.clip(deg, 1.0, None)
    h_neigh = agg / deg[:, None]
    return h @ W_self + h_neigh @ W_neigh + b


def reference(x, edge_index, W_self0, W_neigh0, b0, W_self1, W_neigh1, b1):
    src = edge_index[0]
    dst = edge_index[1]
    # layer 0: SAGEConv(mean) with relu activation; dropout is identity in eval
    h = _sage_conv_mean(x, src, dst, W_self0, W_neigh0, b0)
    h = jax.nn.relu(h)
    # layer 1 (last): SAGEConv(mean), no activation
    h = _sage_conv_mean(h, src, dst, W_self1, W_neigh1, b1)
    return h

if __name__ == "__main__":
    import jax
    _d = setup_inputs()
    print(jax.jit(kernel)(*tuple(_d.values())))

</pallas_src>

<mosaic_0001>
#map = affine_map<(d0, d1) -> (0, 0)>
#map1 = affine_map<(d0, d1) -> (0)>
#map2 = affine_map<(d0, d1) -> (0, 0, 0)>
module attributes {stable_mosaic.version = 14 : i64} {
  func.func @body(%arg0: i32, %arg1: i32, %arg2: memref<20000x128xf32, #tpu.memory_space<hbm>>, %arg3: memref<2x163840xi32, #tpu.memory_space<hbm>>, %arg4: memref<163840xi32, #tpu.memory_space<hbm>>, %arg5: memref<2x10240x128xf32, #tpu.memory_space<hbm>>, %arg6: memref<10240x128xf32, #tpu.memory_space<vmem_shared>>, %arg7: memref<128xi32, #tpu.memory_space<vmem>>, %arg8: memref<128xi32, #tpu.memory_space<vmem>>, %arg9: memref<128xi32, #tpu.memory_space<vmem>>, %arg10: memref<128xi32, #tpu.memory_space<vmem>>, %arg11: memref<128xi32, #tpu.memory_space<vmem>>, %arg12: memref<128xi32, #tpu.memory_space<vmem>>, %arg13: memref<128xi32, #tpu.memory_space<vmem>>, %arg14: memref<128xi32, #tpu.memory_space<vmem>>, %arg15: memref<128x128xf32, #tpu.memory_space<vmem>>, %arg16: memref<128x128xf32, #tpu.memory_space<vmem>>, %arg17: memref<!tpu.dma_semaphore, #tpu.memory_space<semaphore_mem>>, %arg18: memref<!tpu.dma_semaphore, #tpu.memory_space<semaphore_mem>>, %arg19: memref<!tpu.dma_semaphore, #tpu.memory_space<semaphore_mem>>, %arg20: memref<!tpu.dma_semaphore, #tpu.memory_space<semaphore_mem>>, %arg21: memref<!tpu.dma_semaphore, #tpu.memory_space<semaphore_mem>>, %arg22: memref<!tpu.dma_semaphore, #tpu.memory_space<semaphore_mem>>, %arg23: memref<!tpu.dma_semaphore, #tpu.memory_space<semaphore_mem>>, %arg24: memref<!tpu.dma_semaphore, #tpu.memory_space<semaphore_mem>>) attributes {dimension_semantics = [#tpu.dimension_semantics<core_parallel>, #tpu.dimension_semantics<subcore_parallel>], iteration_bounds = array<i64: 2, 16>, scalar_prefetch = 0 : i64, scratch_operands = 19 : i64, tpu.core_type = #tpu.core_type<sc_vector_subcore>, window_params = [{transform_indices = #map}, {transform_indices = #map}, {transform_indices = #map1}, {transform_indices = #map2}]} {
    %broadcast_in_dim3A = arith.constant 0.000000e+00 : f32
    %broadcast_in_dim3A_0 = vector.broadcast %broadcast_in_dim3A : f32 to vector<16xf32>
    %scan3A = arith.constant 0 : i32
    %scan3A_1 = arith.constant 0 : i32
    %scan3A_2 = arith.constant 128 : i32
    %scan3A_3 = arith.addi %scan3A_1, %scan3A_2 : i32
    %scan3A_4 = arith.constant 1 : i32
    scf.for %scan3A_53 = %scan3A_1 to %scan3A_3 step %scan3A_4  : i32 {
      %swap3A = arith.index_cast %scan3A_53 : i32 to index
      %swap3A_54 = arith.constant 0 : index
      %swap3A_55 = tpu.vector_load %arg15[%swap3A, %swap3A_54] {strides = array<i32>} : memref<128x128xf32, #tpu.memory_space<vmem>>, vector<1x16xf32>,
      %swap3A_56 = vector.shape_cast %swap3A_55 : vector<1x16xf32> to vector<16xf32>
      %swap3A_57 = vector.shape_cast %broadcast_in_dim3A_0 : vector<16xf32> to vector<1x16xf32>
      tpu.vector_store %arg15[%swap3A, %swap3A_54], %swap3A_57 {strides = array<i32>} : memref<128x128xf32, #tpu.memory_space<vmem>>, vector<1x16xf32>,
      %swap3A_58 = arith.index_cast %scan3A_53 : i32 to index
      %swap3A_59 = arith.constant 16 : index
      %swap3A_60 = tpu.vector_load %arg15[%swap3A_58, %swap3A_59] {strides = array<i32>} : memref<128x128xf32, #tpu.memory_space<vmem>>, vector<1x16xf32>,
      %swap3A_61 = vector.shape_cast %swap3A_60 : vector<1x16xf32> to vector<16xf32>
      %swap3A_62 = vector.shape_cast %broadcast_in_dim3A_0 : vector<16xf32> to vector<1x16xf32>
      tpu.vector_store %arg15[%swap3A_58, %swap3A_59], %swap3A_62 {strides = array<i32>} : memref<128x128xf32, #tpu.memory_space<vmem>>, vector<1x16xf32>,
      %swap3A_63 = arith.index_cast %scan3A_53 : i32 to index
      %swap3A_64 = arith.constant 32 : index
      %swap3A_65 = tpu.vector_load %arg15[%swap3A_63, %swap3A_64] {strides = array<i32>} : memref<128x128xf32, #tpu.memory_space<vmem>>, vector<1x16xf32>,
      %swap3A_66 = vector.shape_cast %swap3A_65 : vector<1x16xf32> to vector<16xf32>
      %swap3A_67 = vector.shape_cast %broadcast_in_dim3A_0 : vector<16xf32> to vector<1x16xf32>
      tpu.vector_store %arg15[%swap3A_63, %swap3A_64], %swap3A_67 {strides = array<i32>} : memref<128x128xf32, #tpu.memory_space<vmem>>, vector<1x16xf32>,
      %swap3A_68 = arith.index_cast %scan3A_53 : i32 to index
      %swap3A_69 = arith.constant 48 : index
      %swap3A_70 = tpu.vector_load %arg15[%swap3A_68, %swap3A_69] {strides = array<i32>} : memref<128x128xf32, #tpu.memory_space<vmem>>, vector<1x16xf32>,
      %swap3A_71 = vector.shape_cast %swap3A_70 : vector<1x16xf32> to vector<16xf32>
      %swap3A_72 = vector.shape_cast %broadcast_in_dim3A_0 : vector<16xf32> to vector<1x16xf32>
      tpu.vector_store %arg15[%swap3A_68, %swap3A_69], %swap3A_72 {strides = array<i32>} : memref<128x128xf32, #tpu.memory_space<vmem>>, vector<1x16xf32>,
      %swap3A_73 = arith.index_cast %scan3A_53 : i32 to index
      %swap3A_74 = arith.constant 64 : index
      %swap3A_75 = tpu.vector_load %arg15[%swap3A_73, %swap3A_74] {strides = array<i32>} : memref<128x128xf32, #tpu.memory_space<vmem>>, vector<1x16xf32>,
      %swap3A_76 = vector.shape_cast %swap3A_75 : vector<1x16xf32> to vector<16xf32>
      %swap3A_77 = vector.shape_cast %broadcast_in_dim3A_0 : vector<16xf32> to vector<1x16xf32>
      tpu.vector_store %arg15[%swap3A_73, %swap3A_74], %swap3A_77 {strides = array<i32>} : memref<128x128xf32, #tpu.memory_space<vmem>>, vector<1x16xf32>,
      %swap3A_78 = arith.index_cast %scan3A_53 : i32 to index
      %swap3A_79 = arith.constant 80 : index
      %swap3A_80 = tpu.vector_load %arg15[%swap3A_78, %swap3A_79] {strides = array<i32>} : memref<128x128xf32, #tpu.memory_space<vmem>>, vector<1x16xf32>,
      %swap3A_81 = vector.shape_cast %swap3A_80 : vector<1x16xf32> to vector<16xf32>
      %swap3A_82 = vector.shape_cast %broadcast_in_dim3A_0 : vector<16xf32> to vector<1x16xf32>
      tpu.vector_store %arg15[%swap3A_78, %swap3A_79], %swap3A_82 {strides = array<i32>} : memref<128x128xf32, #tpu.memory_space<vmem>>, vector<1x16xf32>,
      %swap3A_83 = arith.index_cast %scan3A_53 : i32 to index
      %swap3A_84 = arith.constant 96 : index
      %swap3A_85 = tpu.vector_load %arg15[%swap3A_83, %swap3A_84] {strides = array<i32>} : memref<128x128xf32, #tpu.memory_space<vmem>>, vector<1x16xf32>,
      %swap3A_86 = vector.shape_cast %swap3A_85 : vector<1x16xf32> to vector<16xf32>
      %swap3A_87 = vector.shape_cast %broadcast_in_dim3A_0 : vector<16xf32> to vector<1x16xf32>
      tpu.vector_store %arg15[%swap3A_83, %swap3A_84], %swap3A_87 {strides = array<i32>} : memref<128x128xf32, #tpu.memory_space<vmem>>, vector<1x16xf32>,
      %swap3A_88 = arith.index_cast %scan3A_53 : i32 to index
      %swap3A_89 = arith.constant 112 : index
      %swap3A_90 = tpu.vector_load %arg15[%swap3A_88, %swap3A_89] {strides = array<i32>} : memref<128x128xf32, #tpu.memory_space<vmem>>, vector<1x16xf32>,
      %swap3A_91 = vector.shape_cast %swap3A_90 : vector<1x16xf32> to vector<16xf32>
      %swap3A_92 = vector.shape_cast %broadcast_in_dim3A_0 : vector<16xf32> to vector<1x16xf32>
      tpu.vector_store %arg15[%swap3A_88, %swap3A_89], %swap3A_92 {strides = array<i32>} : memref<128x128xf32, #tpu.memory_space<vmem>>, vector<1x16xf32>,
    }
    %scan3A_5 = arith.constant 128 : i32
    %mul3A = arith.constant 640 : i32
    %mul3A_6 = arith.muli %arg1, %mul3A : i32
    %add3A = arith.constant 0 : i32
    %add3A_7 = arith.addi %mul3A_6, %add3A : i32
    "tpu.region"() ({
      %run_scoped3A = tpu.sem_alloc : memref<!tpu.dma_semaphore, #tpu.memory_space<semaphore_mem>>
      %dma_start3A_53 = arith.constant 0 : i32
      %dma_start3A_54 = tpu.memref_slice %arg6[%add3A_7, %dma_start3A_53] : memref<10240x128xf32, #tpu.memory_space<vmem_shared>> -> memref<128x128xf32, #tpu.memory_space<vmem_shared>>
      %dma_start3A_55 = arith.constant 0 : i32
      %dma_start3A_56 = tpu.memref_slice %arg6[%add3A_7, %dma_start3A_55] : memref<10240x128xf32, #tpu.memory_space<vmem_shared>> -> memref<128x128xf32, #tpu.memory_space<vmem_shared>>
      tpu.enqueue_dma source(%arg15 : memref<128x128xf32, #tpu.memory_space<vmem>>) target(%dma_start3A_56 : memref<128x128xf32, #tpu.memory_space<vmem_shared>>) target_semaphore(%run_scoped3A : memref<!tpu.dma_semaphore, #tpu.memory_space<semaphore_mem>>)
      %dma_wait3A_57 = arith.constant 0 : i32
      %dma_wait3A_58 = tpu.memref_slice %arg6[%add3A_7, %dma_wait3A_57] : memref<10240x128xf32, #tpu.memory_space<vmem_shared>> -> memref<128x128xf32, #tpu.memory_space<vmem_shared>>
      %dma_wait3A_59 = arith.constant 0 : i32
      %dma_wait3A_60 = tpu.memref_slice %arg6[%add3A_7, %dma_wait3A_59] : memref<10240x128xf32, #tpu.memory_space<vmem_shared>> -> memref<128x128xf32, #tpu.memory_space<vmem_shared>>
      tpu.wait_dma2 semaphore(%run_scoped3A : memref<!tpu.dma_semaphore, #tpu.memory_space<semaphore_mem>>) src(%arg15 : memref<128x128xf32, #tpu.memory_space<vmem>>) dst(%dma_wait3A_60 : memref<128x128xf32, #tpu.memory_space<vmem_shared>>)
      tpu.yield
    }) : () -> ()
    %add3A_8 = arith.constant 128 : i32
    %add3A_9 = arith.addi %mul3A_6, %add3A_8 : i32
    "tpu.region"() ({
      %run_scoped3A = tpu.sem_alloc : memref<!tpu.dma_semaphore, #tpu.memory_space<semaphore_mem>>
      %dma_start3A_53 = arith.constant 0 : i32
      %dma_start3A_54 = tpu.memref_slice %arg6[%add3A_9, %dma_start3A_53] : memref<10240x128xf32, #tpu.memory_space<vmem_shared>> -> memref<128x128xf32, #tpu.memory_space<vmem_shared>>
      %dma_start3A_55 = arith.constant 0 : i32
      %dma_start3A_56 = tpu.memref_slice %arg6[%add3A_9, %dma_start3A_55] : memref<10240x128xf32, #tpu.memory_space<vmem_shared>> -> memref<128x128xf32, #tpu.memory_space<vmem_shared>>
      tpu.enqueue_dma source(%arg15 : memref<128x128xf32, #tpu.memory_space<vmem>>) target(%dma_start3A_56 : memref<128x128xf32, #tpu.memory_space<vmem_shared>>) target_semaphore(%run_scoped3A : memref<!tpu.dma_semaphore, #tpu.memory_space<semaphore_mem>>)
      %dma_wait3A_57 = arith.constant 0 : i32
      %dma_wait3A_58 = tpu.memref_slice %arg6[%add3A_9, %dma_wait3A_57] : memref<10240x128xf32, #tpu.memory_space<vmem_shared>> -> memref<128x128xf32, #tpu.memory_space<vmem_shared>>
      %dma_wait3A_59 = arith.constant 0 : i32
      %dma_wait3A_60 = tpu.memref_slice %arg6[%add3A_9, %dma_wait3A_59] : memref<10240x128xf32, #tpu.memory_space<vmem_shared>> -> memref<128x128xf32, #tpu.memory_space<vmem_shared>>
      tpu.wait_dma2 semaphore(%run_scoped3A : memref<!tpu.dma_semaphore, #tpu.memory_space<semaphore_mem>>) src(%arg15 : memref<128x128xf32, #tpu.memory_space<vmem>>) dst(%dma_wait3A_60 : memref<128x128xf32, #tpu.memory_space<vmem_shared>>)
      tpu.yield
    }) : () -> ()
    %add3A_10 = arith.constant 256 : i32
    %add3A_11 = arith.addi %mul3A_6, %add3A_10 : i32
    "tpu.region"() ({
      %run_scoped3A = tpu.sem_alloc : memref<!tpu.dma_semaphore, #tpu.memory_space<semaphore_mem>>
      %dma_start3A_53 = arith.constant 0 : i32
      %dma_start3A_54 = tpu.memref_slice %arg6[%add3A_11, %dma_start3A_53] : memref<10240x128xf32, #tpu.memory_space<vmem_shared>> -> memref<128x128xf32, #tpu.memory_space<vmem_shared>>
      %dma_start3A_55 = arith.constant 0 : i32
      %dma_start3A_56 = tpu.memref_slice %arg6[%add3A_11, %dma_start3A_55] : memref<10240x128xf32, #tpu.memory_space<vmem_shared>> -> memref<128x128xf32, #tpu.memory_space<vmem_shared>>
      tpu.enqueue_dma source(%arg15 : memref<128x128xf32, #tpu.memory_space<vmem>>) target(%dma_start3A_56 : memref<128x128xf32, #tpu.memory_space<vmem_shared>>) target_semaphore(%run_scoped3A : memref<!tpu.dma_semaphore, #tpu.memory_space<semaphore_mem>>)
      %dma_wait3A_57 = arith.constant 0 : i32
      %dma_wait3A_58 = tpu.memref_slice %arg6[%add3A_11, %dma_wait3A_57] : memref<10240x128xf32, #tpu.memory_space<vmem_shared>> -> memref<128x128xf32, #tpu.memory_space<vmem_shared>>
      %dma_wait3A_59 = arith.constant 0 : i32
      %dma_wait3A_60 = tpu.memref_slice %arg6[%add3A_11, %dma_wait3A_59] : memref<10240x128xf32, #tpu.memory_space<vmem_shared>> -> memref<128x128xf32, #tpu.memory_space<vmem_shared>>
      tpu.wait_dma2 semaphore(%run_scoped3A : memref<!tpu.dma_semaphore, #tpu.memory_space<semaphore_mem>>) src(%arg15 : memref<128x128xf32, #tpu.memory_space<vmem>>) dst(%dma_wait3A_60 : memref<128x128xf32, #tpu.memory_space<vmem_shared>>)
      tpu.yield
    }) : () -> ()
    %add3A_12 = arith.constant 384 : i32
    %add3A_13 = arith.addi %mul3A_6, %add3A_12 : i32
    "tpu.region"() ({
      %run_scoped3A = tpu.sem_alloc : memref<!tpu.dma_semaphore, #tpu.memory_space<semaphore_mem>>
      %dma_start3A_53 = arith.constant 0 : i32
      %dma_start3A_54 = tpu.memref_slice %arg6[%add3A_13, %dma_start3A_53] : memref<10240x128xf32, #tpu.memory_space<vmem_shared>> -> memref<128x128xf32, #tpu.memory_space<vmem_shared>>
      %dma_start3A_55 = arith.constant 0 : i32
      %dma_start3A_56 = tpu.memref_slice %arg6[%add3A_13, %dma_start3A_55] : memref<10240x128xf32, #tpu.memory_space<vmem_shared>> -> memref<128x128xf32, #tpu.memory_space<vmem_shared>>
      tpu.enqueue_dma source(%arg15 : memref<128x128xf32, #tpu.memory_space<vmem>>) target(%dma_start3A_56 : memref<128x128xf32, #tpu.memory_space<vmem_shared>>) target_semaphore(%run_scoped3A : memref<!tpu.dma_semaphore, #tpu.memory_space<semaphore_mem>>)
      %dma_wait3A_57 = arith.constant 0 : i32
      %dma_wait3A_58 = tpu.memref_slice %arg6[%add3A_13, %dma_wait3A_57] : memref<10240x128xf32, #tpu.memory_space<vmem_shared>> -> memref<128x128xf32, #tpu.memory_space<vmem_shared>>
      %dma_wait3A_59 = arith.constant 0 : i32
      %dma_wait3A_60 = tpu.memref_slice %arg6[%add3A_13, %dma_wait3A_59] : memref<10240x128xf32, #tpu.memory_space<vmem_shared>> -> memref<128x128xf32, #tpu.memory_space<vmem_shared>>
      tpu.wait_dma2 semaphore(%run_scoped3A : memref<!tpu.dma_semaphore, #tpu.memory_space<semaphore_mem>>) src(%arg15 : memref<128x128xf32, #tpu.memory_space<vmem>>) dst(%dma_wait3A_60 : memref<128x128xf32, #tpu.memory_space<vmem_shared>>)
      tpu.yield
    }) : () -> ()
    %add3A_14 = arith.constant 512 : i32
    %add3A_15 = arith.addi %mul3A_6, %add3A_14 : i32
    "tpu.region"() ({
      %run_scoped3A = tpu.sem_alloc : memref<!tpu.dma_semaphore, #tpu.memory_space<semaphore_mem>>
      %dma_start3A_53 = arith.constant 0 : i32
      %dma_start3A_54 = tpu.memref_slice %arg6[%add3A_15, %dma_start3A_53] : memref<10240x128xf32, #tpu.memory_space<vmem_shared>> -> memref<128x128xf32, #tpu.memory_space<vmem_shared>>
      %dma_start3A_55 = arith.constant 0 : i32
      %dma_start3A_56 = tpu.memref_slice %arg6[%add3A_15, %dma_start3A_55] : memref<10240x128xf32, #tpu.memory_space<vmem_shared>> -> memref<128x128xf32, #tpu.memory_space<vmem_shared>>
      tpu.enqueue_dma source(%arg15 : memref<128x128xf32, #tpu.memory_space<vmem>>) target(%dma_start3A_56 : memref<128x128xf32, #tpu.memory_space<vmem_shared>>) target_semaphore(%run_scoped3A : memref<!tpu.dma_semaphore, #tpu.memory_space<semaphore_mem>>)
      %dma_wait3A_57 = arith.constant 0 : i32
      %dma_wait3A_58 = tpu.memref_slice %arg6[%add3A_15, %dma_wait3A_57] : memref<10240x128xf32, #tpu.memory_space<vmem_shared>> -> memref<128x128xf32, #tpu.memory_space<vmem_shared>>
      %dma_wait3A_59 = arith.constant 0 : i32
      %dma_wait3A_60 = tpu.memref_slice %arg6[%add3A_15, %dma_wait3A_59] : memref<10240x128xf32, #tpu.memory_space<vmem_shared>> -> memref<128x128xf32, #tpu.memory_space<vmem_shared>>
      tpu.wait_dma2 semaphore(%run_scoped3A : memref<!tpu.dma_semaphore, #tpu.memory_space<semaphore_mem>>) src(%arg15 : memref<128x128xf32, #tpu.memory_space<vmem>>) dst(%dma_wait3A_60 : memref<128x128xf32, #tpu.memory_space<vmem_shared>>)
      tpu.yield
    }) : () -> ()
    %barrier3A = arith.constant 0 : index
    tpu.barrier barrier_id(%barrier3A)
    %add3A_16 = arith.constant 0 : i32
    %add3A_17 = arith.addi %arg1, %add3A_16 : i32
    %mul3A_18 = arith.constant 128 : i32
    %mul3A_19 = arith.muli %add3A_17, %mul3A_18 : i32
    %dma_start3A = tpu.memref_slice %arg3[%arg0, %mul3A_19] : memref<2x163840xi32, #tpu.memory_space<hbm>> -> memref<1x128xi32, #tpu.memory_space<hbm>>
    %dma_start3A_20 = tpu.memref_squeeze %dma_start3A : memref<1x128xi32, #tpu.memory_space<hbm>> -> memref<128xi32, #tpu.memory_space<hbm>>
    %dma_start3A_21 = tpu.memref_slice %arg3[%arg0, %mul3A_19] : memref<2x163840xi32, #tpu.memory_space<hbm>> -> memref<1x128xi32, #tpu.memory_space<hbm>>
    %dma_start3A_22 = tpu.memref_squeeze %dma_start3A_21 : memref<1x128xi32, #tpu.memory_space<hbm>> -> memref<128xi32, #tpu.memory_space<hbm>>
    tpu.enqueue_dma source(%dma_start3A_22 : memref<128xi32, #tpu.memory_space<hbm>>) target(%arg7 : memref<128xi32, #tpu.memory_space<vmem>>) target_semaphore(%arg17 : memref<!tpu.dma_semaphore, #tpu.memory_space<semaphore_mem>>)
    %dma_start3A_23 = tpu.memref_slice %arg4[%mul3A_19] : memref<163840xi32, #tpu.memory_space<hbm>> -> memref<128xi32, #tpu.memory_space<hbm>>
    %dma_start3A_24 = tpu.memref_slice %arg4[%mul3A_19] : memref<163840xi32, #tpu.memory_space<hbm>> -> memref<128xi32, #tpu.memory_space<hbm>>
    tpu.enqueue_dma source(%dma_start3A_24 : memref<128xi32, #tpu.memory_space<hbm>>) target(%arg8 : memref<128xi32, #tpu.memory_space<vmem>>) target_semaphore(%arg17 : memref<!tpu.dma_semaphore, #tpu.memory_space<semaphore_mem>>)
    %scan3A_25 = arith.constant 0 : i32
    %scan3A_26 = arith.constant 0 : i32
    %scan3A_27 = arith.constant 20 : i32
    %scan3A_28 = arith.addi %scan3A_26, %scan3A_27 : i32
    %scan3A_29 = arith.constant 1 : i32
    scf.for %scan3A_53 = %scan3A_26 to %scan3A_28 step %scan3A_29  : i32 {
      %mul3A_54 = arith.constant 4 : i32
      %mul3A_55 = arith.muli %mul3A_54, %scan3A_53 : i32
      %add3A_56 = arith.constant 0 : i32
      %add3A_57 = arith.addi %mul3A_55, %add3A_56 : i32
      %mul3A_58 = arith.constant 16 : i32
      %mul3A_59 = arith.muli %add3A_57, %mul3A_58 : i32
      %add3A_60 = arith.addi %arg1, %mul3A_59 : i32
      %mul3A_61 = arith.constant 128 : i32
      %mul3A_62 = arith.muli %add3A_60, %mul3A_61 : i32
      %dma_wait3A_63 = tpu.memref_slice %arg3[%arg0, %mul3A_62] : memref<2x163840xi32, #tpu.memory_space<hbm>> -> memref<1x128xi32, #tpu.memory_space<hbm>>
      %dma_wait3A_64 = tpu.memref_squeeze %dma_wait3A_63 : memref<1x128xi32, #tpu.memory_space<hbm>> -> memref<128xi32, #tpu.memory_space<hbm>>
      %dma_wait3A_65 = tpu.memref_slice %arg3[%arg0, %mul3A_62] : memref<2x163840xi32, #tpu.memory_space<hbm>> -> memref<1x128xi32, #tpu.memory_space<hbm>>
      %dma_wait3A_66 = tpu.memref_squeeze %dma_wait3A_65 : memref<1x128xi32, #tpu.memory_space<hbm>> -> memref<128xi32, #tpu.memory_space<hbm>>
      tpu.wait_dma2 semaphore(%arg17 : memref<!tpu.dma_semaphore, #tpu.memory_space<semaphore_mem>>) src(%dma_wait3A_66 : memref<128xi32, #tpu.memory_space<hbm>>) dst(%arg7 : memref<128xi32, #tpu.memory_space<vmem>>)
      %dma_wait3A_67 = tpu.memref_slice %arg4[%mul3A_62] : memref<163840xi32, #tpu.memory_space<hbm>> -> memref<128xi32, #tpu.memory_space<hbm>>
      %dma_wait3A_68 = tpu.memref_slice %arg4[%mul3A_62] : memref<163840xi32, #tpu.memory_space<hbm>> -> memref<128xi32, #tpu.memory_space<hbm>>
      tpu.wait_dma2 semaphore(%arg17 : memref<!tpu.dma_semaphore, #tpu.memory_space<semaphore_mem>>) src(%dma_wait3A_68 : memref<128xi32, #tpu.memory_space<hbm>>) dst(%arg8 : memref<128xi32, #tpu.memory_space<vmem>>)
      %add3A_69 = arith.constant 1 : i32
      %add3A_70 = arith.addi %add3A_57, %add3A_69 : i32
      %lt3A = arith.constant 80 : i32
      %lt3A_71 = arith.cmpi slt, %add3A_70, %lt3A : i32
      %convert_element_type3A = arith.extui %lt3A_71 : i1 to i32
      %cond3A = arith.constant 0 : i32
      %cond3A_72 = arith.cmpi ne, %convert_element_type3A, %cond3A : i32
      scf.if %cond3A_72 {
        %add3A_190 = arith.constant 1 : i32
        %add3A_191 = arith.addi %add3A_57, %add3A_190 : i32
        %mul3A_192 = arith.constant 16 : i32
        %mul3A_193 = arith.muli %add3A_191, %mul3A_192 : i32
        %add3A_194 = arith.addi %arg1, %mul3A_193 : i32
        %mul3A_195 = arith.constant 128 : i32
        %mul3A_196 = arith.muli %add3A_194, %mul3A_195 : i32
        %dma_start3A_197 = tpu.memref_slice %arg3[%arg0, %mul3A_196] : memref<2x163840xi32, #tpu.memory_space<hbm>> -> memref<1x128xi32, #tpu.memory_space<hbm>>
        %dma_start3A_198 = tpu.memref_squeeze %dma_start3A_197 : memref<1x128xi32, #tpu.memory_space<hbm>> -> memref<128xi32, #tpu.memory_space<hbm>>
        %dma_start3A_199 = tpu.memref_slice %arg3[%arg0, %mul3A_196] : memref<2x163840xi32, #tpu.memory_space<hbm>> -> memref<1x128xi32, #tpu.memory_space<hbm>>
        %dma_start3A_200 = tpu.memref_squeeze %dma_start3A_199 : memref<1x128xi32, #tpu.memory_space<hbm>> -> memref<128xi32, #tpu.memory_space<hbm>>
        tpu.enqueue_dma source(%dma_start3A_200 : memref<128xi32, #tpu.memory_space<hbm>>) target(%arg9 : memref<128xi32, #tpu.memory_space<vmem>>) target_semaphore(%arg18 : memref<!tpu.dma_semaphore, #tpu.memory_space<semaphore_mem>>)
        %dma_start3A_201 = tpu.memref_slice %arg4[%mul3A_196] : memref<163840xi32, #tpu.memory_space<hbm>> -> memref<128xi32, #tpu.memory_space<hbm>>
        %dma_start3A_202 = tpu.memref_slice %arg4[%mul3A_196] : memref<163840xi32, #tpu.memory_space<hbm>> -> memref<128xi32, #tpu.memory_space<hbm>>
        tpu.enqueue_dma source(%dma_start3A_202 : memref<128xi32, #tpu.memory_space<hbm>>) target(%arg10 : memref<128xi32, #tpu.memory_space<vmem>>) target_semaphore(%arg18 : memref<!tpu.dma_semaphore, #tpu.memory_space<semaphore_mem>>)
      } else {
      }
      %ge3A = arith.constant 2 : i32
      %ge3A_73 = arith.cmpi sge, %add3A_57, %ge3A : i32
      %convert_element_type3A_74 = arith.extui %ge3A_73 : i1 to i32
      %cond3A_75 = arith.constant 0 : i32
      %cond3A_76 = arith.cmpi ne, %convert_element_type3A_74, %cond3A_75 : i32
      scf.if %cond3A_76 {
        %sub3A = arith.constant 2 : i32
        %sub3A_190 = arith.subi %add3A_57, %sub3A : i32
        %dma_wait3A_191 = arith.constant 0 : i32
        %dma_wait3A_192 = arith.constant 0 : i32
        %dma_wait3A_193 = tpu.memref_slice %arg6[%dma_wait3A_191, %dma_wait3A_192] : memref<10240x128xf32, #tpu.memory_space<vmem_shared>> -> memref<10240x128xf32, #tpu.memory_space<vmem_shared>>
        tpu.wait_indirect_dma semaphore(%arg23 : memref<!tpu.dma_semaphore, #tpu.memory_space<semaphore_mem>>) src(%arg15 : memref<128x128xf32, #tpu.memory_space<vmem>>) dst(%dma_wait3A_193 : memref<10240x128xf32, #tpu.memory_space<vmem_shared>>)
      } else {
      }
      %dma_start3A_77 = arith.constant 0 : i32
      %dma_start3A_78 = arith.constant 0 : i32
      %dma_start3A_79 = tpu.memref_slice %arg2[%dma_start3A_77, %dma_start3A_78] : memref<20000x128xf32, #tpu.memory_space<hbm>> -> memref<20000x128xf32, #tpu.memory_space<hbm>>
      tpu.enqueue_indirect_dma source(%dma_start3A_79 : memref<20000x128xf32, #tpu.memory_space<hbm>>) target(%arg15 : memref<128x128xf32, #tpu.memory_space<vmem>>) offsets(%arg7 : memref<128xi32, #tpu.memory_space<vmem>>) semaphore(%arg21 : memref<!tpu.dma_semaphore, #tpu.memory_space<semaphore_mem>>)
      %ge3A_80 = arith.constant 1 : i32
      %ge3A_81 = arith.cmpi sge, %add3A_57, %ge3A_80 : i32
      %convert_element_type3A_82 = arith.extui %ge3A_81 : i1 to i32
      %cond3A_83 = arith.constant 0 : i32
      %cond3A_84 = arith.cmpi ne, %convert_element_type3A_82, %cond3A_83 : i32
      scf.if %cond3A_84 {
        %dma_wait3A_190 = arith.constant 0 : i32
        %dma_wait3A_191 = arith.constant 0 : i32
        %dma_wait3A_192 = tpu.memref_slice %arg2[%dma_wait3A_190, %dma_wait3A_191] : memref<20000x128xf32, #tpu.memory_space<hbm>> -> memref<20000x128xf32, #tpu.memory_space<hbm>>
        tpu.wait_indirect_dma semaphore(%arg22 : memref<!tpu.dma_semaphore, #tpu.memory_space<semaphore_mem>>) src(%dma_wait3A_192 : memref<20000x128xf32, #tpu.memory_space<hbm>>) dst(%arg16 : memref<128x128xf32, #tpu.memory_space<vmem>>)
        %sub3A = arith.constant 1 : i32
        %sub3A_193 = arith.subi %add3A_57, %sub3A : i32
        %dma_start3A_194 = arith.constant 0 : i32
        %dma_start3A_195 = arith.constant 0 : i32
        %dma_start3A_196 = tpu.memref_slice %arg6[%dma_start3A_194, %dma_start3A_195] : memref<10240x128xf32, #tpu.memory_space<vmem_shared>> -> memref<10240x128xf32, #tpu.memory_space<vmem_shared>>
        tpu.enqueue_indirect_dma source(%arg16 : memref<128x128xf32, #tpu.memory_space<vmem>>) target(%dma_start3A_196 : memref<10240x128xf32, #tpu.memory_space<vmem_shared>>) offsets(%arg14 : memref<128xi32, #tpu.memory_space<vmem>>) semaphore(%arg24 : memref<!tpu.dma_semaphore, #tpu.memory_space<semaphore_mem>>) {add = true}
      } else {
      }
      %mul3A_85 = arith.constant 4 : i32
      %mul3A_86 = arith.muli %mul3A_85, %scan3A_53 : i32
      %add3A_87 = arith.constant 1 : i32
      %add3A_88 = arith.addi %mul3A_86, %add3A_87 : i32
      %mul3A_89 = arith.constant 16 : i32
      %mul3A_90 = arith.muli %add3A_88, %mul3A_89 : i32
      %add3A_91 = arith.addi %arg1, %mul3A_90 : i32
      %mul3A_92 = arith.constant 128 : i32
      %mul3A_93 = arith.muli %add3A_91, %mul3A_92 : i32
      %dma_wait3A_94 = tpu.memref_slice %arg3[%arg0, %mul3A_93] : memref<2x163840xi32, #tpu.memory_space<hbm>> -> memref<1x128xi32, #tpu.memory_space<hbm>>
      %dma_wait3A_95 = tpu.memref_squeeze %dma_wait3A_94 : memref<1x128xi32, #tpu.memory_space<hbm>> -> memref<128xi32, #tpu.memory_space<hbm>>
      %dma_wait3A_96 = tpu.memref_slice %arg3[%arg0, %mul3A_93] : memref<2x163840xi32, #tpu.memory_space<hbm>> -> memref<1x128xi32, #tpu.memory_space<hbm>>
      %dma_wait3A_97 = tpu.memref_squeeze %dma_wait3A_96 : memref<1x128xi32, #tpu.memory_space<hbm>> -> memref<128xi32, #tpu.memory_space<hbm>>
      tpu.wait_dma2 semaphore(%arg18 : memref<!tpu.dma_semaphore, #tpu.memory_space<semaphore_mem>>) src(%dma_wait3A_97 : memref<128xi32, #tpu.memory_space<hbm>>) dst(%arg9 : memref<128xi32, #tpu.memory_space<vmem>>)
      %dma_wait3A_98 = tpu.memref_slice %arg4[%mul3A_93] : memref<163840xi32, #tpu.memory_space<hbm>> -> memref<128xi32, #tpu.memory_space<hbm>>
      %dma_wait3A_99 = tpu.memref_slice %arg4[%mul3A_93] : memref<163840xi32, #tpu.memory_space<hbm>> -> memref<128xi32, #tpu.memory_space<hbm>>
      tpu.wait_dma2 semaphore(%arg18 : memref<!tpu.dma_semaphore, #tpu.memory_space<semaphore_mem>>) src(%dma_wait3A_99 : memref<128xi32, #tpu.memory_space<hbm>>) dst(%arg10 : memref<128xi32, #tpu.memory_space<vmem>>)
      %add3A_100 = arith.constant 1 : i32
      %add3A_101 = arith.addi %add3A_88, %add3A_100 : i32
      %lt3A_102 = arith.constant 80 : i32
      %lt3A_103 = arith.cmpi slt, %add3A_101, %lt3A_102 : i32
      %convert_element_type3A_104 = arith.extui %lt3A_103 : i1 to i32
      %cond3A_105 = arith.constant 0 : i32
      %cond3A_106 = arith.cmpi ne, %convert_element_type3A_104, %cond3A_105 : i32
      scf.if %cond3A_106 {
        %add3A_190 = arith.constant 1 : i32
        %add3A_191 = arith.addi %add3A_88, %add3A_190 : i32
        %mul3A_192 = arith.constant 16 : i32
        %mul3A_193 = arith.muli %add3A_191, %mul3A_192 : i32
        %add3A_194 = arith.addi %arg1, %mul3A_193 : i32
        %mul3A_195 = arith.constant 128 : i32
        %mul3A_196 = arith.muli %add3A_194, %mul3A_195 : i32
        %dma_start3A_197 = tpu.memref_slice %arg3[%arg0, %mul3A_196] : memref<2x163840xi32, #tpu.memory_space<hbm>> -> memref<1x128xi32, #tpu.memory_space<hbm>>
        %dma_start3A_198 = tpu.memref_squeeze %dma_start3A_197 : memref<1x128xi32, #tpu.memory_space<hbm>> -> memref<128xi32, #tpu.memory_space<hbm>>
        %dma_start3A_199 = tpu.memref_slice %arg3[%arg0, %mul3A_196] : memref<2x163840xi32, #tpu.memory_space<hbm>> -> memref<1x128xi32, #tpu.memory_space<hbm>>
        %dma_start3A_200 = tpu.memref_squeeze %dma_start3A_199 : memref<1x128xi32, #tpu.memory_space<hbm>> -> memref<128xi32, #tpu.memory_space<hbm>>
        tpu.enqueue_dma source(%dma_start3A_200 : memref<128xi32, #tpu.memory_space<hbm>>) target(%arg11 : memref<128xi32, #tpu.memory_space<vmem>>) target_semaphore(%arg19 : memref<!tpu.dma_semaphore, #tpu.memory_space<semaphore_mem>>)
        %dma_start3A_201 = tpu.memref_slice %arg4[%mul3A_196] : memref<163840xi32, #tpu.memory_space<hbm>> -> memref<128xi32, #tpu.memory_space<hbm>>
        %dma_start3A_202 = tpu.memref_slice %arg4[%mul3A_196] : memref<163840xi32, #tpu.memory_space<hbm>> -> memref<128xi32, #tpu.memory_space<hbm>>
        tpu.enqueue_dma source(%dma_start3A_202 : memref<128xi32, #tpu.memory_space<hbm>>) target(%arg12 : memref<128xi32, #tpu.memory_space<vmem>>) target_semaphore(%arg19 : memref<!tpu.dma_semaphore, #tpu.memory_space<semaphore_mem>>)
      } else {
      }
      %ge3A_107 = arith.constant 2 : i32
      %ge3A_108 = arith.cmpi sge, %add3A_88, %ge3A_107 : i32
      %convert_element_type3A_109 = arith.extui %ge3A_108 : i1 to i32
      %cond3A_110 = arith.constant 0 : i32
      %cond3A_111 = arith.cmpi ne, %convert_element_type3A_109, %cond3A_110 : i32
      scf.if %cond3A_111 {
        %sub3A = arith.constant 2 : i32
        %sub3A_190 = arith.subi %add3A_88, %sub3A : i32
        %dma_wait3A_191 = arith.constant 0 : i32
        %dma_wait3A_192 = arith.constant 0 : i32
        %dma_wait3A_193 = tpu.memref_slice %arg6[%dma_wait3A_191, %dma_wait3A_192] : memref<10240x128xf32, #tpu.memory_space<vmem_shared>> -> memref<10240x128xf32, #tpu.memory_space<vmem_shared>>
        tpu.wait_indirect_dma semaphore(%arg24 : memref<!tpu.dma_semaphore, #tpu.memory_space<semaphore_mem>>) src(%arg16 : memref<128x128xf32, #tpu.memory_space<vmem>>) dst(%dma_wait3A_193 : memref<10240x128xf32, #tpu.memory_space<vmem_shared>>)
      } else {
      }
      %dma_start3A_112 = arith.constant 0 : i32
      %dma_start3A_113 = arith.constant 0 : i32
      %dma_start3A_114 = tpu.memref_slice %arg2[%dma_start3A_112, %dma_start3A_113] : memref<20000x128xf32, #tpu.memory_space<hbm>> -> memref<20000x128xf32, #tpu.memory_space<hbm>>
      tpu.enqueue_indirect_dma source(%dma_start3A_114 : memref<20000x128xf32, #tpu.memory_space<hbm>>) target(%arg16 : memref<128x128xf32, #tpu.memory_space<vmem>>) offsets(%arg9 : memref<128xi32, #tpu.memory_space<vmem>>) semaphore(%arg22 : memref<!tpu.dma_semaphore, #tpu.memory_space<semaphore_mem>>)
      %ge3A_115 = arith.constant 1 : i32
      %ge3A_116 = arith.cmpi sge, %add3A_88, %ge3A_115 : i32
      %convert_element_type3A_117 = arith.extui %ge3A_116 : i1 to i32
      %cond3A_118 = arith.constant 0 : i32
      %cond3A_119 = arith.cmpi ne, %convert_element_type3A_117, %cond3A_118 : i32
      scf.if %cond3A_119 {
        %dma_wait3A_190 = arith.constant 0 : i32
        %dma_wait3A_191 = arith.constant 0 : i32
        %dma_wait3A_192 = tpu.memref_slice %arg2[%dma_wait3A_190, %dma_wait3A_191] : memref<20000x128xf32, #tpu.memory_space<hbm>> -> memref<20000x128xf32, #tpu.memory_space<hbm>>
        tpu.wait_indirect_dma semaphore(%arg21 : memref<!tpu.dma_semaphore, #tpu.memory_space<semaphore_mem>>) src(%dma_wait3A_192 : memref<20000x128xf32, #tpu.memory_space<hbm>>) dst(%arg15 : memref<128x128xf32, #tpu.memory_space<vmem>>)
        %sub3A = arith.constant 1 : i32
        %sub3A_193 = arith.subi %add3A_88, %sub3A : i32
        %dma_start3A_194 = arith.constant 0 : i32
        %dma_start3A_195 = arith.constant 0 : i32
        %dma_start3A_196 = tpu.memref_slice %arg6[%dma_start3A_194, %dma_start3A_195] : memref<10240x128xf32, #tpu.memory_space<vmem_shared>> -> memref<10240x128xf32, #tpu.memory_space<vmem_shared>>
        tpu.enqueue_indirect_dma source(%arg15 : memref<128x128xf32, #tpu.memory_space<vmem>>) target(%dma_start3A_196 : memref<10240x128xf32, #tpu.memory_space<vmem_shared>>) offsets(%arg8 : memref<128xi32, #tpu.memory_space<vmem>>) semaphore(%arg23 : memref<!tpu.dma_semaphore, #tpu.memory_space<semaphore_mem>>) {add = true}
      } else {
      }
      %mul3A_120 = arith.constant 4 : i32
      %mul3A_121 = arith.muli %mul3A_120, %scan3A_53 : i32
      %add3A_122 = arith.constant 2 : i32
      %add3A_123 = arith.addi %mul3A_121, %add3A_122 : i32
      %mul3A_124 = arith.constant 16 : i32
      %mul3A_125 = arith.muli %add3A_123, %mul3A_124 : i32
      %add3A_126 = arith.addi %arg1, %mul3A_125 : i32
      %mul3A_127 = arith.constant 128 : i32
      %mul3A_128 = arith.muli %add3A_126, %mul3A_127 : i32
      %dma_wait3A_129 = tpu.memref_slice %arg3[%arg0, %mul3A_128] : memref<2x163840xi32, #tpu.memory_space<hbm>> -> memref<1x128xi32, #tpu.memory_space<hbm>>
      %dma_wait3A_130 = tpu.memref_squeeze %dma_wait3A_129 : memref<1x128xi32, #tpu.memory_space<hbm>> -> memref<128xi32, #tpu.memory_space<hbm>>
      %dma_wait3A_131 = tpu.memref_slice %arg3[%arg0, %mul3A_128] : memref<2x163840xi32, #tpu.memory_space<hbm>> -> memref<1x128xi32, #tpu.memory_space<hbm>>
      %dma_wait3A_132 = tpu.memref_squeeze %dma_wait3A_131 : memref<1x128xi32, #tpu.memory_space<hbm>> -> memref<128xi32, #tpu.memory_space<hbm>>
      tpu.wait_dma2 semaphore(%arg19 : memref<!tpu.dma_semaphore, #tpu.memory_space<semaphore_mem>>) src(%dma_wait3A_132 : memref<128xi32, #tpu.memory_space<hbm>>) dst(%arg11 : memref<128xi32, #tpu.memory_space<vmem>>)
      %dma_wait3A_133 = tpu.memref_slice %arg4[%mul3A_128] : memref<163840xi32, #tpu.memory_space<hbm>> -> memref<128xi32, #tpu.memory_space<hbm>>
      %dma_wait3A_134 = tpu.memref_slice %arg4[%mul3A_128] : memref<163840xi32, #tpu.memory_space<hbm>> -> memref<128xi32, #tpu.memory_space<hbm>>
      tpu.wait_dma2 semaphore(%arg19 : memref<!tpu.dma_semaphore, #tpu.memory_space<semaphore_mem>>) src(%dma_wait3A_134 : memref<128xi32, #tpu.memory_space<hbm>>) dst(%arg12 : memref<128xi32, #tpu.memory_space<vmem>>)
      %add3A_135 = arith.constant 1 : i32
      %add3A_136 = arith.addi %add3A_123, %add3A_135 : i32
      %lt3A_137 = arith.constant 80 : i32
      %lt3A_138 = arith.cmpi slt, %add3A_136, %lt3A_137 : i32
      %convert_element_type3A_139 = arith.extui %lt3A_138 : i1 to i32
      %cond3A_140 = arith.constant 0 : i32
      %cond3A_141 = arith.cmpi ne, %convert_element_type3A_139, %cond3A_140 : i32
      scf.if %cond3A_141 {
        %add3A_190 = arith.constant 1 : i32
        %add3A_191 = arith.addi %add3A_123, %add3A_190 : i32
        %mul3A_192 = arith.constant 16 : i32
        %mul3A_193 = arith.muli %add3A_191, %mul3A_192 : i32
        %add3A_194 = arith.addi %arg1, %mul3A_193 : i32
        %mul3A_195 = arith.constant 128 : i32
        %mul3A_196 = arith.muli %add3A_194, %mul3A_195 : i32
        %dma_start3A_197 = tpu.memref_slice %arg3[%arg0, %mul3A_196] : memref<2x163840xi32, #tpu.memory_space<hbm>> -> memref<1x128xi32, #tpu.memory_space<hbm>>
        %dma_start3A_198 = tpu.memref_squeeze %dma_start3A_197 : memref<1x128xi32, #tpu.memory_space<hbm>> -> memref<128xi32, #tpu.memory_space<hbm>>
        %dma_start3A_199 = tpu.memref_slice %arg3[%arg0, %mul3A_196] : memref<2x163840xi32, #tpu.memory_space<hbm>> -> memref<1x128xi32, #tpu.memory_space<hbm>>
        %dma_start3A_200 = tpu.memref_squeeze %dma_start3A_199 : memref<1x128xi32, #tpu.memory_space<hbm>> -> memref<128xi32, #tpu.memory_space<hbm>>
        tpu.enqueue_dma source(%dma_start3A_200 : memref<128xi32, #tpu.memory_space<hbm>>) target(%arg13 : memref<128xi32, #tpu.memory_space<vmem>>) target_semaphore(%arg20 : memref<!tpu.dma_semaphore, #tpu.memory_space<semaphore_mem>>)
        %dma_start3A_201 = tpu.memref_slice %arg4[%mul3A_196] : memref<163840xi32, #tpu.memory_space<hbm>> -> memref<128xi32, #tpu.memory_space<hbm>>
        %dma_start3A_202 = tpu.memref_slice %arg4[%mul3A_196] : memref<163840xi32, #tpu.memory_space<hbm>> -> memref<128xi32, #tpu.memory_space<hbm>>
        tpu.enqueue_dma source(%dma_start3A_202 : memref<128xi32, #tpu.memory_space<hbm>>) target(%arg14 : memref<128xi32, #tpu.memory_space<vmem>>) target_semaphore(%arg20 : memref<!tpu.dma_semaphore, #tpu.memory_space<semaphore_mem>>)
      } else {
      }
      %ge3A_142 = arith.constant 2 : i32
      %ge3A_143 = arith.cmpi sge, %add3A_123, %ge3A_142 : i32
      %convert_element_type3A_144 = arith.extui %ge3A_143 : i1 to i32
      %cond3A_145 = arith.constant 0 : i32
      %cond3A_146 = arith.cmpi ne, %convert_element_type3A_144, %cond3A_145 : i32
      scf.if %cond3A_146 {
        %sub3A = arith.constant 2 : i32
        %sub3A_190 = arith.subi %add3A_123, %sub3A : i32
        %dma_wait3A_191 = arith.constant 0 : i32
        %dma_wait3A_192 = arith.constant 0 : i32
        %dma_wait3A_193 = tpu.memref_slice %arg6[%dma_wait3A_191, %dma_wait3A_192] : memref<10240x128xf32, #tpu.memory_space<vmem_shared>> -> memref<10240x128xf32, #tpu.memory_space<vmem_shared>>
        tpu.wait_indirect_dma semaphore(%arg23 : memref<!tpu.dma_semaphore, #tpu.memory_space<semaphore_mem>>) src(%arg15 : memref<128x128xf32, #tpu.memory_space<vmem>>) dst(%dma_wait3A_193 : memref<10240x128xf32, #tpu.memory_space<vmem_shared>>)
      } else {
      }
      %dma_start3A_147 = arith.constant 0 : i32
      %dma_start3A_148 = arith.constant 0 : i32
      %dma_start3A_149 = tpu.memref_slice %arg2[%dma_start3A_147, %dma_start3A_148] : memref<20000x128xf32, #tpu.memory_space<hbm>> -> memref<20000x128xf32, #tpu.memory_space<hbm>>
      tpu.enqueue_indirect_dma source(%dma_start3A_149 : memref<20000x128xf32, #tpu.memory_space<hbm>>) target(%arg15 : memref<128x128xf32, #tpu.memory_space<vmem>>) offsets(%arg11 : memref<128xi32, #tpu.memory_space<vmem>>) semaphore(%arg21 : memref<!tpu.dma_semaphore, #tpu.memory_space<semaphore_mem>>)
      %ge3A_150 = arith.constant 1 : i32
      %ge3A_151 = arith.cmpi sge, %add3A_123, %ge3A_150 : i32
      %convert_element_type3A_152 = arith.extui %ge3A_151 : i1 to i32
      %cond3A_153 = arith.constant 0 : i32
      %cond3A_154 = arith.cmpi ne, %convert_element_type3A_152, %cond3A_153 : i32
      scf.if %cond3A_154 {
        %dma_wait3A_190 = arith.constant 0 : i32
        %dma_wait3A_191 = arith.constant 0 : i32
        %dma_wait3A_192 = tpu.memref_slice %arg2[%dma_wait3A_190, %dma_wait3A_191] : memref<20000x128xf32, #tpu.memory_space<hbm>> -> memref<20000x128xf32, #tpu.memory_space<hbm>>
        tpu.wait_indirect_dma semaphore(%arg22 : memref<!tpu.dma_semaphore, #tpu.memory_space<semaphore_mem>>) src(%dma_wait3A_192 : memref<20000x128xf32, #tpu.memory_space<hbm>>) dst(%arg16 : memref<128x128xf32, #tpu.memory_space<vmem>>)
        %sub3A = arith.constant 1 : i32
        %sub3A_193 = arith.subi %add3A_123, %sub3A : i32
        %dma_start3A_194 = arith.constant 0 : i32
        %dma_start3A_195 = arith.constant 0 : i32
        %dma_start3A_196 = tpu.memref_slice %arg6[%dma_start3A_194, %dma_start3A_195] : memref<10240x128xf32, #tpu.memory_space<vmem_shared>> -> memref<10240x128xf32, #tpu.memory_space<vmem_shared>>
        tpu.enqueue_indirect_dma source(%arg16 : memref<128x128xf32, #tpu.memory_space<vmem>>) target(%dma_start3A_196 : memref<10240x128xf32, #tpu.memory_space<vmem_shared>>) offsets(%arg10 : memref<128xi32, #tpu.memory_space<vmem>>) semaphore(%arg24 : memref<!tpu.dma_semaphore, #tpu.memory_space<semaphore_mem>>) {add = true}
      } else {
      }
      %mul3A_155 = arith.constant 4 : i32
      %mul3A_156 = arith.muli %mul3A_155, %scan3A_53 : i32
      %add3A_157 = arith.constant 3 : i32
      %add3A_158 = arith.addi %mul3A_156, %add3A_157 : i32
      %mul3A_159 = arith.constant 16 : i32
      %mul3A_160 = arith.muli %add3A_158, %mul3A_159 : i32
      %add3A_161 = arith.addi %arg1, %mul3A_160 : i32
      %mul3A_162 = arith.constant 128 : i32
      %mul3A_163 = arith.muli %add3A_161, %mul3A_162 : i32
      %dma_wait3A_164 = tpu.memref_slice %arg3[%arg0, %mul3A_163] : memref<2x163840xi32, #tpu.memory_space<hbm>> -> memref<1x128xi32, #tpu.memory_space<hbm>>
      %dma_wait3A_165 = tpu.memref_squeeze %dma_wait3A_164 : memref<1x128xi32, #tpu.memory_space<hbm>> -> memref<128xi32, #tpu.memory_space<hbm>>
      %dma_wait3A_166 = tpu.memref_slice %arg3[%arg0, %mul3A_163] : memref<2x163840xi32, #tpu.memory_space<hbm>> -> memref<1x128xi32, #tpu.memory_space<hbm>>
      %dma_wait3A_167 = tpu.memref_squeeze %dma_wait3A_166 : memref<1x128xi32, #tpu.memory_space<hbm>> -> memref<128xi32, #tpu.memory_space<hbm>>
      tpu.wait_dma2 semaphore(%arg20 : memref<!tpu.dma_semaphore, #tpu.memory_space<semaphore_mem>>) src(%dma_wait3A_167 : memref<128xi32, #tpu.memory_space<hbm>>) dst(%arg13 : memref<128xi32, #tpu.memory_space<vmem>>)
      %dma_wait3A_168 = tpu.memref_slice %arg4[%mul3A_163] : memref<163840xi32, #tpu.memory_space<hbm>> -> memref<128xi32, #tpu.memory_space<hbm>>
      %dma_wait3A_169 = tpu.memref_slice %arg4[%mul3A_163] : memref<163840xi32, #tpu.memory_space<hbm>> -> memref<128xi32, #tpu.memory_space<hbm>>
      tpu.wait_dma2 semaphore(%arg20 : memref<!tpu.dma_semaphore, #tpu.memory_space<semaphore_mem>>) src(%dma_wait3A_169 : memref<128xi32, #tpu.memory_space<hbm>>) dst(%arg14 : memref<128xi32, #tpu.memory_space<vmem>>)
      %add3A_170 = arith.constant 1 : i32
      %add3A_171 = arith.addi %add3A_158, %add3A_170 : i32
      %lt3A_172 = arith.constant 80 : i32
      %lt3A_173 = arith.cmpi slt, %add3A_171, %lt3A_172 : i32
      %convert_element_type3A_174 = arith.extui %lt3A_173 : i1 to i32
      %cond3A_175 = arith.constant 0 : i32
      %cond3A_176 = arith.cmpi ne, %convert_element_type3A_174, %cond3A_175 : i32
      scf.if %cond3A_176 {
        %add3A_190 = arith.constant 1 : i32
        %add3A_191 = arith.addi %add3A_158, %add3A_190 : i32
        %mul3A_192 = arith.constant 16 : i32
        %mul3A_193 = arith.muli %add3A_191, %mul3A_192 : i32
        %add3A_194 = arith.addi %arg1, %mul3A_193 : i32
        %mul3A_195 = arith.constant 128 : i32
        %mul3A_196 = arith.muli %add3A_194, %mul3A_195 : i32
        %dma_start3A_197 = tpu.memref_slice %arg3[%arg0, %mul3A_196] : memref<2x163840xi32, #tpu.memory_space<hbm>> -> memref<1x128xi32, #tpu.memory_space<hbm>>
        %dma_start3A_198 = tpu.memref_squeeze %dma_start3A_197 : memref<1x128xi32, #tpu.memory_space<hbm>> -> memref<128xi32, #tpu.memory_space<hbm>>
        %dma_start3A_199 = tpu.memref_slice %arg3[%arg0, %mul3A_196] : memref<2x163840xi32, #tpu.memory_space<hbm>> -> memref<1x128xi32, #tpu.memory_space<hbm>>
        %dma_start3A_200 = tpu.memref_squeeze %dma_start3A_199 : memref<1x128xi32, #tpu.memory_space<hbm>> -> memref<128xi32, #tpu.memory_space<hbm>>
        tpu.enqueue_dma source(%dma_start3A_200 : memref<128xi32, #tpu.memory_space<hbm>>) target(%arg7 : memref<128xi32, #tpu.memory_space<vmem>>) target_semaphore(%arg17 : memref<!tpu.dma_semaphore, #tpu.memory_space<semaphore_mem>>)
        %dma_start3A_201 = tpu.memref_slice %arg4[%mul3A_196] : memref<163840xi32, #tpu.memory_space<hbm>> -> memref<128xi32, #tpu.memory_space<hbm>>
        %dma_start3A_202 = tpu.memref_slice %arg4[%mul3A_196] : memref<163840xi32, #tpu.memory_space<hbm>> -> memref<128xi32, #tpu.memory_space<hbm>>
        tpu.enqueue_dma source(%dma_start3A_202 : memref<128xi32, #tpu.memory_space<hbm>>) target(%arg8 : memref<128xi32, #tpu.memory_space<vmem>>) target_semaphore(%arg17 : memref<!tpu.dma_semaphore, #tpu.memory_space<semaphore_mem>>)
      } else {
      }
      %ge3A_177 = arith.constant 2 : i32
      %ge3A_178 = arith.cmpi sge, %add3A_158, %ge3A_177 : i32
      %convert_element_type3A_179 = arith.extui %ge3A_178 : i1 to i32
      %cond3A_180 = arith.constant 0 : i32
      %cond3A_181 = arith.cmpi ne, %convert_element_type3A_179, %cond3A_180 : i32
      scf.if %cond3A_181 {
        %sub3A = arith.constant 2 : i32
        %sub3A_190 = arith.subi %add3A_158, %sub3A : i32
        %dma_wait3A_191 = arith.constant 0 : i32
        %dma_wait3A_192 = arith.constant 0 : i32
        %dma_wait3A_193 = tpu.memref_slice %arg6[%dma_wait3A_191, %dma_wait3A_192] : memref<10240x128xf32, #tpu.memory_space<vmem_shared>> -> memref<10240x128xf32, #tpu.memory_space<vmem_shared>>
        tpu.wait_indirect_dma semaphore(%arg24 : memref<!tpu.dma_semaphore, #tpu.memory_space<semaphore_mem>>) src(%arg16 : memref<128x128xf32, #tpu.memory_space<vmem>>) dst(%dma_wait3A_193 : memref<10240x128xf32, #tpu.memory_space<vmem_shared>>)
      } else {
      }
      %dma_start3A_182 = arith.constant 0 : i32
      %dma_start3A_183 = arith.constant 0 : i32
      %dma_start3A_184 = tpu.memref_slice %arg2[%dma_start3A_182, %dma_start3A_183] : memref<20000x128xf32, #tpu.memory_space<hbm>> -> memref<20000x128xf32, #tpu.memory_space<hbm>>
      tpu.enqueue_indirect_dma source(%dma_start3A_184 : memref<20000x128xf32, #tpu.memory_space<hbm>>) target(%arg16 : memref<128x128xf32, #tpu.memory_space<vmem>>) offsets(%arg13 : memref<128xi32, #tpu.memory_space<vmem>>) semaphore(%arg22 : memref<!tpu.dma_semaphore, #tpu.memory_space<semaphore_mem>>)
      %ge3A_185 = arith.constant 1 : i32
      %ge3A_186 = arith.cmpi sge, %add3A_158, %ge3A_185 : i32
      %convert_element_type3A_187 = arith.extui %ge3A_186 : i1 to i32
      %cond3A_188 = arith.constant 0 : i32
      %cond3A_189 = arith.cmpi ne, %convert_element_type3A_187, %cond3A_188 : i32
      scf.if %cond3A_189 {
        %dma_wait3A_190 = arith.constant 0 : i32
        %dma_wait3A_191 = arith.constant 0 : i32
        %dma_wait3A_192 = tpu.memref_slice %arg2[%dma_wait3A_190, %dma_wait3A_191] : memref<20000x128xf32, #tpu.memory_space<hbm>> -> memref<20000x128xf32, #tpu.memory_space<hbm>>
        tpu.wait_indirect_dma semaphore(%arg21 : memref<!tpu.dma_semaphore, #tpu.memory_space<semaphore_mem>>) src(%dma_wait3A_192 : memref<20000x128xf32, #tpu.memory_space<hbm>>) dst(%arg15 : memref<128x128xf32, #tpu.memory_space<vmem>>)
        %sub3A = arith.constant 1 : i32
        %sub3A_193 = arith.subi %add3A_158, %sub3A : i32
        %dma_start3A_194 = arith.constant 0 : i32
        %dma_start3A_195 = arith.constant 0 : i32
        %dma_start3A_196 = tpu.memref_slice %arg6[%dma_start3A_194, %dma_start3A_195] : memref<10240x128xf32, #tpu.memory_space<vmem_shared>> -> memref<10240x128xf32, #tpu.memory_space<vmem_shared>>
        tpu.enqueue_indirect_dma source(%arg15 : memref<128x128xf32, #tpu.memory_space<vmem>>) target(%dma_start3A_196 : memref<10240x128xf32, #tpu.memory_space<vmem_shared>>) offsets(%arg12 : memref<128xi32, #tpu.memory_space<vmem>>) semaphore(%arg23 : memref<!tpu.dma_semaphore, #tpu.memory_space<semaphore_mem>>) {add = true}
      } else {
      }
    }
    %scan3A_30 = arith.constant 20 : i32
    %dma_wait3A = arith.constant 0 : i32
    %dma_wait3A_31 = arith.constant 0 : i32
    %dma_wait3A_32 = tpu.memref_slice %arg2[%dma_wait3A, %dma_wait3A_31] : memref<20000x128xf32, #tpu.memory_space<hbm>> -> memref<20000x128xf32, #tpu.memory_space<hbm>>
    tpu.wait_indirect_dma semaphore(%arg22 : memref<!tpu.dma_semaphore, #tpu.memory_space<semaphore_mem>>) src(%dma_wait3A_32 : memref<20000x128xf32, #tpu.memory_space<hbm>>) dst(%arg16 : memref<128x128xf32, #tpu.memory_space<vmem>>)
    %dma_start3A_33 = arith.constant 0 : i32
    %dma_start3A_34 = arith.constant 0 : i32
    %dma_start3A_35 = tpu.memref_slice %arg6[%dma_start3A_33, %dma_start3A_34] : memref<10240x128xf32, #tpu.memory_space<vmem_shared>> -> memref<10240x128xf32, #tpu.memory_space<vmem_shared>>
    tpu.enqueue_indirect_dma source(%arg16 : memref<128x128xf32, #tpu.memory_space<vmem>>) target(%dma_start3A_35 : memref<10240x128xf32, #tpu.memory_space<vmem_shared>>) offsets(%arg14 : memref<128xi32, #tpu.memory_space<vmem>>) semaphore(%arg24 : memref<!tpu.dma_semaphore, #tpu.memory_space<semaphore_mem>>) {add = true}
    %dma_wait3A_36 = arith.constant 0 : i32
    %dma_wait3A_37 = arith.constant 0 : i32
    %dma_wait3A_38 = tpu.memref_slice %arg6[%dma_wait3A_36, %dma_wait3A_37] : memref<10240x128xf32, #tpu.memory_space<vmem_shared>> -> memref<10240x128xf32, #tpu.memory_space<vmem_shared>>
    tpu.wait_indirect_dma semaphore(%arg23 : memref<!tpu.dma_semaphore, #tpu.memory_space<semaphore_mem>>) src(%arg15 : memref<128x128xf32, #tpu.memory_space<vmem>>) dst(%dma_wait3A_38 : memref<10240x128xf32, #tpu.memory_space<vmem_shared>>)
    %dma_wait3A_39 = arith.constant 0 : i32
    %dma_wait3A_40 = arith.constant 0 : i32
    %dma_wait3A_41 = tpu.memref_slice %arg6[%dma_wait3A_39, %dma_wait3A_40] : memref<10240x128xf32, #tpu.memory_space<vmem_shared>> -> memref<10240x128xf32, #tpu.memory_space<vmem_shared>>
    tpu.wait_indirect_dma semaphore(%arg24 : memref<!tpu.dma_semaphore, #tpu.memory_space<semaphore_mem>>) src(%arg16 : memref<128x128xf32, #tpu.memory_space<vmem>>) dst(%dma_wait3A_41 : memref<10240x128xf32, #tpu.memory_space<vmem_shared>>)
    %barrier3A_42 = arith.constant 0 : index
    tpu.barrier barrier_id(%barrier3A_42)
    %add3A_43 = arith.constant 0 : i32
    %add3A_44 = arith.addi %mul3A_6, %add3A_43 : i32
    "tpu.region"() ({
      %run_scoped3A = tpu.sem_alloc : memref<!tpu.dma_semaphore, #tpu.memory_space<semaphore_mem>>
      %dma_start3A_53 = arith.constant 0 : i32
      %dma_start3A_54 = tpu.memref_slice %arg6[%add3A_44, %dma_start3A_53] : memref<10240x128xf32, #tpu.memory_space<vmem_shared>> -> memref<128x128xf32, #tpu.memory_space<vmem_shared>>
      %dma_start3A_55 = arith.constant 0 : i32
      %dma_start3A_56 = tpu.memref_slice %arg6[%add3A_44, %dma_start3A_55] : memref<10240x128xf32, #tpu.memory_space<vmem_shared>> -> memref<128x128xf32, #tpu.memory_space<vmem_shared>>
      tpu.enqueue_dma source(%dma_start3A_56 : memref<128x128xf32, #tpu.memory_space<vmem_shared>>) target(%arg15 : memref<128x128xf32, #tpu.memory_space<vmem>>) target_semaphore(%run_scoped3A : memref<!tpu.dma_semaphore, #tpu.memory_space<semaphore_mem>>)
      %dma_wait3A_57 = arith.constant 0 : i32
      %dma_wait3A_58 = tpu.memref_slice %arg6[%add3A_44, %dma_wait3A_57] : memref<10240x128xf32, #tpu.memory_space<vmem_shared>> -> memref<128x128xf32, #tpu.memory_space<vmem_shared>>
      %dma_wait3A_59 = arith.constant 0 : i32
      %dma_wait3A_60 = tpu.memref_slice %arg6[%add3A_44, %dma_wait3A_59] : memref<10240x128xf32, #tpu.memory_space<vmem_shared>> -> memref<128x128xf32, #tpu.memory_space<vmem_shared>>
      tpu.wait_dma2 semaphore(%run_scoped3A : memref<!tpu.dma_semaphore, #tpu.memory_space<semaphore_mem>>) src(%dma_wait3A_60 : memref<128x128xf32, #tpu.memory_space<vmem_shared>>) dst(%arg15 : memref<128x128xf32, #tpu.memory_space<vmem>>)
      tpu.yield
    }) : () -> ()
    "tpu.region"() ({
      %run_scoped3A = tpu.sem_alloc : memref<!tpu.dma_semaphore, #tpu.memory_space<semaphore_mem>>
      %dma_start3A_53 = arith.constant 0 : i32
      %dma_start3A_54 = tpu.memref_slice %arg5[%arg0, %add3A_44, %dma_start3A_53] : memref<2x10240x128xf32, #tpu.memory_space<hbm>> -> memref<1x128x128xf32, #tpu.memory_space<hbm>>
      %dma_start3A_55 = tpu.memref_squeeze %dma_start3A_54 : memref<1x128x128xf32, #tpu.memory_space<hbm>> -> memref<128x128xf32, #tpu.memory_space<hbm>>
      %dma_start3A_56 = arith.constant 0 : i32
      %dma_start3A_57 = tpu.memref_slice %arg5[%arg0, %add3A_44, %dma_start3A_56] : memref<2x10240x128xf32, #tpu.memory_space<hbm>> -> memref<1x128x128xf32, #tpu.memory_space<hbm>>
      %dma_start3A_58 = tpu.memref_squeeze %dma_start3A_57 : memref<1x128x128xf32, #tpu.memory_space<hbm>> -> memref<128x128xf32, #tpu.memory_space<hbm>>
      tpu.enqueue_dma source(%arg15 : memref<128x128xf32, #tpu.memory_space<vmem>>) target(%dma_start3A_58 : memref<128x128xf32, #tpu.memory_space<hbm>>) target_semaphore(%run_scoped3A : memref<!tpu.dma_semaphore, #tpu.memory_space<semaphore_mem>>)
      %dma_wait3A_59 = arith.constant 0 : i32
      %dma_wait3A_60 = tpu.memref_slice %arg5[%arg0, %add3A_44, %dma_wait3A_59] : memref<2x10240x128xf32, #tpu.memory_space<hbm>> -> memref<1x128x128xf32, #tpu.memory_space<hbm>>
      %dma_wait3A_61 = tpu.memref_squeeze %dma_wait3A_60 : memref<1x128x128xf32, #tpu.memory_space<hbm>> -> memref<128x128xf32, #tpu.memory_space<hbm>>
      %dma_wait3A_62 = arith.constant 0 : i32
      %dma_wait3A_63 = tpu.memref_slice %arg5[%arg0, %add3A_44, %dma_wait3A_62] : memref<2x10240x128xf32, #tpu.memory_space<hbm>> -> memref<1x128x128xf32, #tpu.memory_space<hbm>>
      %dma_wait3A_64 = tpu.memref_squeeze %dma_wait3A_63 : memref<1x128x128xf32, #tpu.memory_space<hbm>> -> memref<128x128xf32, #tpu.memory_space<hbm>>
      tpu.wait_dma2 semaphore(%run_scoped3A : memref<!tpu.dma_semaphore, #tpu.memory_space<semaphore_mem>>) src(%arg15 : memref<128x128xf32, #tpu.memory_space<vmem>>) dst(%dma_wait3A_64 : memref<128x128xf32, #tpu.memory_space<hbm>>)
      tpu.yield
    }) : () -> ()
    %add3A_45 = arith.constant 128 : i32
    %add3A_46 = arith.addi %mul3A_6, %add3A_45 : i32
    "tpu.region"() ({
      %run_scoped3A = tpu.sem_alloc : memref<!tpu.dma_semaphore, #tpu.memory_space<semaphore_mem>>
      %dma_start3A_53 = arith.constant 0 : i32
      %dma_start3A_54 = tpu.memref_slice %arg6[%add3A_46, %dma_start3A_53] : memref<10240x128xf32, #tpu.memory_space<vmem_shared>> -> memref<128x128xf32, #tpu.memory_space<vmem_shared>>
      %dma_start3A_55 = arith.constant 0 : i32
      %dma_start3A_56 = tpu.memref_slice %arg6[%add3A_46, %dma_start3A_55] : memref<10240x128xf32, #tpu.memory_space<vmem_shared>> -> memref<128x128xf32, #tpu.memory_space<vmem_shared>>
      tpu.enqueue_dma source(%dma_start3A_56 : memref<128x128xf32, #tpu.memory_space<vmem_shared>>) target(%arg15 : memref<128x128xf32, #tpu.memory_space<vmem>>) target_semaphore(%run_scoped3A : memref<!tpu.dma_semaphore, #tpu.memory_space<semaphore_mem>>)
      %dma_wait3A_57 = arith.constant 0 : i32
      %dma_wait3A_58 = tpu.memref_slice %arg6[%add3A_46, %dma_wait3A_57] : memref<10240x128xf32, #tpu.memory_space<vmem_shared>> -> memref<128x128xf32, #tpu.memory_space<vmem_shared>>
      %dma_wait3A_59 = arith.constant 0 : i32
      %dma_wait3A_60 = tpu.memref_slice %arg6[%add3A_46, %dma_wait3A_59] : memref<10240x128xf32, #tpu.memory_space<vmem_shared>> -> memref<128x128xf32, #tpu.memory_space<vmem_shared>>
      tpu.wait_dma2 semaphore(%run_scoped3A : memref<!tpu.dma_semaphore, #tpu.memory_space<semaphore_mem>>) src(%dma_wait3A_60 : memref<128x128xf32, #tpu.memory_space<vmem_shared>>) dst(%arg15 : memref<128x128xf32, #tpu.memory_space<vmem>>)
      tpu.yield
    }) : () -> ()
    "tpu.region"() ({
      %run_scoped3A = tpu.sem_alloc : memref<!tpu.dma_semaphore, #tpu.memory_space<semaphore_mem>>
      %dma_start3A_53 = arith.constant 0 : i32
      %dma_start3A_54 = tpu.memref_slice %arg5[%arg0, %add3A_46, %dma_start3A_53] : memref<2x10240x128xf32, #tpu.memory_space<hbm>> -> memref<1x128x128xf32, #tpu.memory_space<hbm>>
      %dma_start3A_55 = tpu.memref_squeeze %dma_start3A_54 : memref<1x128x128xf32, #tpu.memory_space<hbm>> -> memref<128x128xf32, #tpu.memory_space<hbm>>
      %dma_start3A_56 = arith.constant 0 : i32
      %dma_start3A_57 = tpu.memref_slice %arg5[%arg0, %add3A_46, %dma_start3A_56] : memref<2x10240x128xf32, #tpu.memory_space<hbm>> -> memref<1x128x128xf32, #tpu.memory_space<hbm>>
      %dma_start3A_58 = tpu.memref_squeeze %dma_start3A_57 : memref<1x128x128xf32, #tpu.memory_space<hbm>> -> memref<128x128xf32, #tpu.memory_space<hbm>>
      tpu.enqueue_dma source(%arg15 : memref<128x128xf32, #tpu.memory_space<vmem>>) target(%dma_start3A_58 : memref<128x128xf32, #tpu.memory_space<hbm>>) target_semaphore(%run_scoped3A : memref<!tpu.dma_semaphore, #tpu.memory_space<semaphore_mem>>)
      %dma_wait3A_59 = arith.constant 0 : i32
      %dma_wait3A_60 = tpu.memref_slice %arg5[%arg0, %add3A_46, %dma_wait3A_59] : memref<2x10240x128xf32, #tpu.memory_space<hbm>> -> memref<1x128x128xf32, #tpu.memory_space<hbm>>
      %dma_wait3A_61 = tpu.memref_squeeze %dma_wait3A_60 : memref<1x128x128xf32, #tpu.memory_space<hbm>> -> memref<128x128xf32, #tpu.memory_space<hbm>>
      %dma_wait3A_62 = arith.constant 0 : i32
      %dma_wait3A_63 = tpu.memref_slice %arg5[%arg0, %add3A_46, %dma_wait3A_62] : memref<2x10240x128xf32, #tpu.memory_space<hbm>> -> memref<1x128x128xf32, #tpu.memory_space<hbm>>
      %dma_wait3A_64 = tpu.memref_squeeze %dma_wait3A_63 : memref<1x128x128xf32, #tpu.memory_space<hbm>> -> memref<128x128xf32, #tpu.memory_space<hbm>>
      tpu.wait_dma2 semaphore(%run_scoped3A : memref<!tpu.dma_semaphore, #tpu.memory_space<semaphore_mem>>) src(%arg15 : memref<128x128xf32, #tpu.memory_space<vmem>>) dst(%dma_wait3A_64 : memref<128x128xf32, #tpu.memory_space<hbm>>)
      tpu.yield
    }) : () -> ()
    %add3A_47 = arith.constant 256 : i32
    %add3A_48 = arith.addi %mul3A_6, %add3A_47 : i32
    "tpu.region"() ({
      %run_scoped3A = tpu.sem_alloc : memref<!tpu.dma_semaphore, #tpu.memory_space<semaphore_mem>>
      %dma_start3A_53 = arith.constant 0 : i32
      %dma_start3A_54 = tpu.memref_slice %arg6[%add3A_48, %dma_start3A_53] : memref<10240x128xf32, #tpu.memory_space<vmem_shared>> -> memref<128x128xf32, #tpu.memory_space<vmem_shared>>
      %dma_start3A_55 = arith.constant 0 : i32
      %dma_start3A_56 = tpu.memref_slice %arg6[%add3A_48, %dma_start3A_55] : memref<10240x128xf32, #tpu.memory_space<vmem_shared>> -> memref<128x128xf32, #tpu.memory_space<vmem_shared>>
      tpu.enqueue_dma source(%dma_start3A_56 : memref<128x128xf32, #tpu.memory_space<vmem_shared>>) target(%arg15 : memref<128x128xf32, #tpu.memory_space<vmem>>) target_semaphore(%run_scoped3A : memref<!tpu.dma_semaphore, #tpu.memory_space<semaphore_mem>>)
      %dma_wait3A_57 = arith.constant 0 : i32
      %dma_wait3A_58 = tpu.memref_slice %arg6[%add3A_48, %dma_wait3A_57] : memref<10240x128xf32, #tpu.memory_space<vmem_shared>> -> memref<128x128xf32, #tpu.memory_space<vmem_shared>>
      %dma_wait3A_59 = arith.constant 0 : i32
      %dma_wait3A_60 = tpu.memref_slice %arg6[%add3A_48, %dma_wait3A_59] : memref<10240x128xf32, #tpu.memory_space<vmem_shared>> -> memref<128x128xf32, #tpu.memory_space<vmem_shared>>
      tpu.wait_dma2 semaphore(%run_scoped3A : memref<!tpu.dma_semaphore, #tpu.memory_space<semaphore_mem>>) src(%dma_wait3A_60 : memref<128x128xf32, #tpu.memory_space<vmem_shared>>) dst(%arg15 : memref<128x128xf32, #tpu.memory_space<vmem>>)
      tpu.yield
    }) : () -> ()
    "tpu.region"() ({
      %run_scoped3A = tpu.sem_alloc : memref<!tpu.dma_semaphore, #tpu.memory_space<semaphore_mem>>
      %dma_start3A_53 = arith.constant 0 : i32
      %dma_start3A_54 = tpu.memref_slice %arg5[%arg0, %add3A_48, %dma_start3A_53] : memref<2x10240x128xf32, #tpu.memory_space<hbm>> -> memref<1x128x128xf32, #tpu.memory_space<hbm>>
      %dma_start3A_55 = tpu.memref_squeeze %dma_start3A_54 : memref<1x128x128xf32, #tpu.memory_space<hbm>> -> memref<128x128xf32, #tpu.memory_space<hbm>>
      %dma_start3A_56 = arith.constant 0 : i32
      %dma_start3A_57 = tpu.memref_slice %arg5[%arg0, %add3A_48, %dma_start3A_56] : memref<2x10240x128xf32, #tpu.memory_space<hbm>> -> memref<1x128x128xf32, #tpu.memory_space<hbm>>
      %dma_start3A_58 = tpu.memref_squeeze %dma_start3A_57 : memref<1x128x128xf32, #tpu.memory_space<hbm>> -> memref<128x128xf32, #tpu.memory_space<hbm>>
      tpu.enqueue_dma source(%arg15 : memref<128x128xf32, #tpu.memory_space<vmem>>) target(%dma_start3A_58 : memref<128x128xf32, #tpu.memory_space<hbm>>) target_semaphore(%run_scoped3A : memref<!tpu.dma_semaphore, #tpu.memory_space<semaphore_mem>>)
      %dma_wait3A_59 = arith.constant 0 : i32
      %dma_wait3A_60 = tpu.memref_slice %arg5[%arg0, %add3A_48, %dma_wait3A_59] : memref<2x10240x128xf32, #tpu.memory_space<hbm>> -> memref<1x128x128xf32, #tpu.memory_space<hbm>>
      %dma_wait3A_61 = tpu.memref_squeeze %dma_wait3A_60 : memref<1x128x128xf32, #tpu.memory_space<hbm>> -> memref<128x128xf32, #tpu.memory_space<hbm>>
      %dma_wait3A_62 = arith.constant 0 : i32
      %dma_wait3A_63 = tpu.memref_slice %arg5[%arg0, %add3A_48, %dma_wait3A_62] : memref<2x10240x128xf32, #tpu.memory_space<hbm>> -> memref<1x128x128xf32, #tpu.memory_space<hbm>>
      %dma_wait3A_64 = tpu.memref_squeeze %dma_wait3A_63 : memref<1x128x128xf32, #tpu.memory_space<hbm>> -> memref<128x128xf32, #tpu.memory_space<hbm>>
      tpu.wait_dma2 semaphore(%run_scoped3A : memref<!tpu.dma_semaphore, #tpu.memory_space<semaphore_mem>>) src(%arg15 : memref<128x128xf32, #tpu.memory_space<vmem>>) dst(%dma_wait3A_64 : memref<128x128xf32, #tpu.memory_space<hbm>>)
      tpu.yield
    }) : () -> ()
    %add3A_49 = arith.constant 384 : i32
    %add3A_50 = arith.addi %mul3A_6, %add3A_49 : i32
    "tpu.region"() ({
      %run_scoped3A = tpu.sem_alloc : memref<!tpu.dma_semaphore, #tpu.memory_space<semaphore_mem>>
      %dma_start3A_53 = arith.constant 0 : i32
      %dma_start3A_54 = tpu.memref_slice %arg6[%add3A_50, %dma_start3A_53] : memref<10240x128xf32, #tpu.memory_space<vmem_shared>> -> memref<128x128xf32, #tpu.memory_space<vmem_shared>>
      %dma_start3A_55 = arith.constant 0 : i32
      %dma_start3A_56 = tpu.memref_slice %arg6[%add3A_50, %dma_start3A_55] : memref<10240x128xf32, #tpu.memory_space<vmem_shared>> -> memref<128x128xf32, #tpu.memory_space<vmem_shared>>
      tpu.enqueue_dma source(%dma_start3A_56 : memref<128x128xf32, #tpu.memory_space<vmem_shared>>) target(%arg15 : memref<128x128xf32, #tpu.memory_space<vmem>>) target_semaphore(%run_scoped3A : memref<!tpu.dma_semaphore, #tpu.memory_space<semaphore_mem>>)
      %dma_wait3A_57 = arith.constant 0 : i32
      %dma_wait3A_58 = tpu.memref_slice %arg6[%add3A_50, %dma_wait3A_57] : memref<10240x128xf32, #tpu.memory_space<vmem_shared>> -> memref<128x128xf32, #tpu.memory_space<vmem_shared>>
      %dma_wait3A_59 = arith.constant 0 : i32
      %dma_wait3A_60 = tpu.memref_slice %arg6[%add3A_50, %dma_wait3A_59] : memref<10240x128xf32, #tpu.memory_space<vmem_shared>> -> memref<128x128xf32, #tpu.memory_space<vmem_shared>>
      tpu.wait_dma2 semaphore(%run_scoped3A : memref<!tpu.dma_semaphore, #tpu.memory_space<semaphore_mem>>) src(%dma_wait3A_60 : memref<128x128xf32, #tpu.memory_space<vmem_shared>>) dst(%arg15 : memref<128x128xf32, #tpu.memory_space<vmem>>)
      tpu.yield
    }) : () -> ()
    "tpu.region"() ({
      %run_scoped3A = tpu.sem_alloc : memref<!tpu.dma_semaphore, #tpu.memory_space<semaphore_mem>>
      %dma_start3A_53 = arith.constant 0 : i32
      %dma_start3A_54 = tpu.memref_slice %arg5[%arg0, %add3A_50, %dma_start3A_53] : memref<2x10240x128xf32, #tpu.memory_space<hbm>> -> memref<1x128x128xf32, #tpu.memory_space<hbm>>
      %dma_start3A_55 = tpu.memref_squeeze %dma_start3A_54 : memref<1x128x128xf32, #tpu.memory_space<hbm>> -> memref<128x128xf32, #tpu.memory_space<hbm>>
      %dma_start3A_56 = arith.constant 0 : i32
      %dma_start3A_57 = tpu.memref_slice %arg5[%arg0, %add3A_50, %dma_start3A_56] : memref<2x10240x128xf32, #tpu.memory_space<hbm>> -> memref<1x128x128xf32, #tpu.memory_space<hbm>>
      %dma_start3A_58 = tpu.memref_squeeze %dma_start3A_57 : memref<1x128x128xf32, #tpu.memory_space<hbm>> -> memref<128x128xf32, #tpu.memory_space<hbm>>
      tpu.enqueue_dma source(%arg15 : memref<128x128xf32, #tpu.memory_space<vmem>>) target(%dma_start3A_58 : memref<128x128xf32, #tpu.memory_space<hbm>>) target_semaphore(%run_scoped3A : memref<!tpu.dma_semaphore, #tpu.memory_space<semaphore_mem>>)
      %dma_wait3A_59 = arith.constant 0 : i32
      %dma_wait3A_60 = tpu.memref_slice %arg5[%arg0, %add3A_50, %dma_wait3A_59] : memref<2x10240x128xf32, #tpu.memory_space<hbm>> -> memref<1x128x128xf32, #tpu.memory_space<hbm>>
      %dma_wait3A_61 = tpu.memref_squeeze %dma_wait3A_60 : memref<1x128x128xf32, #tpu.memory_space<hbm>> -> memref<128x128xf32, #tpu.memory_space<hbm>>
      %dma_wait3A_62 = arith.constant 0 : i32
      %dma_wait3A_63 = tpu.memref_slice %arg5[%arg0, %add3A_50, %dma_wait3A_62] : memref<2x10240x128xf32, #tpu.memory_space<hbm>> -> memref<1x128x128xf32, #tpu.memory_space<hbm>>
      %dma_wait3A_64 = tpu.memref_squeeze %dma_wait3A_63 : memref<1x128x128xf32, #tpu.memory_space<hbm>> -> memref<128x128xf32, #tpu.memory_space<hbm>>
      tpu.wait_dma2 semaphore(%run_scoped3A : memref<!tpu.dma_semaphore, #tpu.memory_space<semaphore_mem>>) src(%arg15 : memref<128x128xf32, #tpu.memory_space<vmem>>) dst(%dma_wait3A_64 : memref<128x128xf32, #tpu.memory_space<hbm>>)
      tpu.yield
    }) : () -> ()
    %add3A_51 = arith.constant 512 : i32
    %add3A_52 = arith.addi %mul3A_6, %add3A_51 : i32
    "tpu.region"() ({
      %run_scoped3A = tpu.sem_alloc : memref<!tpu.dma_semaphore, #tpu.memory_space<semaphore_mem>>
      %dma_start3A_53 = arith.constant 0 : i32
      %dma_start3A_54 = tpu.memref_slice %arg6[%add3A_52, %dma_start3A_53] : memref<10240x128xf32, #tpu.memory_space<vmem_shared>> -> memref<128x128xf32, #tpu.memory_space<vmem_shared>>
      %dma_start3A_55 = arith.constant 0 : i32
      %dma_start3A_56 = tpu.memref_slice %arg6[%add3A_52, %dma_start3A_55] : memref<10240x128xf32, #tpu.memory_space<vmem_shared>> -> memref<128x128xf32, #tpu.memory_space<vmem_shared>>
      tpu.enqueue_dma source(%dma_start3A_56 : memref<128x128xf32, #tpu.memory_space<vmem_shared>>) target(%arg15 : memref<128x128xf32, #tpu.memory_space<vmem>>) target_semaphore(%run_scoped3A : memref<!tpu.dma_semaphore, #tpu.memory_space<semaphore_mem>>)
      %dma_wait3A_57 = arith.constant 0 : i32
      %dma_wait3A_58 = tpu.memref_slice %arg6[%add3A_52, %dma_wait3A_57] : memref<10240x128xf32, #tpu.memory_space<vmem_shared>> -> memref<128x128xf32, #tpu.memory_space<vmem_shared>>
      %dma_wait3A_59 = arith.constant 0 : i32
      %dma_wait3A_60 = tpu.memref_slice %arg6[%add3A_52, %dma_wait3A_59] : memref<10240x128xf32, #tpu.memory_space<vmem_shared>> -> memref<128x128xf32, #tpu.memory_space<vmem_shared>>
      tpu.wait_dma2 semaphore(%run_scoped3A : memref<!tpu.dma_semaphore, #tpu.memory_space<semaphore_mem>>) src(%dma_wait3A_60 : memref<128x128xf32, #tpu.memory_space<vmem_shared>>) dst(%arg15 : memref<128x128xf32, #tpu.memory_space<vmem>>)
      tpu.yield
    }) : () -> ()
    "tpu.region"() ({
      %run_scoped3A = tpu.sem_alloc : memref<!tpu.dma_semaphore, #tpu.memory_space<semaphore_mem>>
      %dma_start3A_53 = arith.constant 0 : i32
      %dma_start3A_54 = tpu.memref_slice %arg5[%arg0, %add3A_52, %dma_start3A_53] : memref<2x10240x128xf32, #tpu.memory_space<hbm>> -> memref<1x128x128xf32, #tpu.memory_space<hbm>>
      %dma_start3A_55 = tpu.memref_squeeze %dma_start3A_54 : memref<1x128x128xf32, #tpu.memory_space<hbm>> -> memref<128x128xf32, #tpu.memory_space<hbm>>
      %dma_start3A_56 = arith.constant 0 : i32
      %dma_start3A_57 = tpu.memref_slice %arg5[%arg0, %add3A_52, %dma_start3A_56] : memref<2x10240x128xf32, #tpu.memory_space<hbm>> -> memref<1x128x128xf32, #tpu.memory_space<hbm>>
      %dma_start3A_58 = tpu.memref_squeeze %dma_start3A_57 : memref<1x128x128xf32, #tpu.memory_space<hbm>> -> memref<128x128xf32, #tpu.memory_space<hbm>>
      tpu.enqueue_dma source(%arg15 : memref<128x128xf32, #tpu.memory_space<vmem>>) target(%dma_start3A_58 : memref<128x128xf32, #tpu.memory_space<hbm>>) target_semaphore(%run_scoped3A : memref<!tpu.dma_semaphore, #tpu.memory_space<semaphore_mem>>)
      %dma_wait3A_59 = arith.constant 0 : i32
      %dma_wait3A_60 = tpu.memref_slice %arg5[%arg0, %add3A_52, %dma_wait3A_59] : memref<2x10240x128xf32, #tpu.memory_space<hbm>> -> memref<1x128x128xf32, #tpu.memory_space<hbm>>
      %dma_wait3A_61 = tpu.memref_squeeze %dma_wait3A_60 : memref<1x128x128xf32, #tpu.memory_space<hbm>> -> memref<128x128xf32, #tpu.memory_space<hbm>>
      %dma_wait3A_62 = arith.constant 0 : i32
      %dma_wait3A_63 = tpu.memref_slice %arg5[%arg0, %add3A_52, %dma_wait3A_62] : memref<2x10240x128xf32, #tpu.memory_space<hbm>> -> memref<1x128x128xf32, #tpu.memory_space<hbm>>
      %dma_wait3A_64 = tpu.memref_squeeze %dma_wait3A_63 : memref<1x128x128xf32, #tpu.memory_space<hbm>> -> memref<128x128xf32, #tpu.memory_space<hbm>>
      tpu.wait_dma2 semaphore(%run_scoped3A : memref<!tpu.dma_semaphore, #tpu.memory_space<semaphore_mem>>) src(%arg15 : memref<128x128xf32, #tpu.memory_space<vmem>>) dst(%dma_wait3A_64 : memref<128x128xf32, #tpu.memory_space<hbm>>)
      tpu.yield
    }) : () -> ()
    return
  }
}

#map = affine_map<(d0, d1) -> (0, 0)>
#map1 = affine_map<(d0, d1) -> (0)>
#map2 = affine_map<(d0, d1) -> (0, 0, 0)>
module attributes {stable_mosaic.version = 14 : i64} {
  func.func @body(%arg0: i32, %arg1: i32, %arg2: memref<20000x128xf32, #tpu.memory_space<hbm>>, %arg3: memref<2x163840xi32, #tpu.memory_space<hbm>>, %arg4: memref<163840xi32, #tpu.memory_space<hbm>>, %arg5: memref<2x10240x128xf32, #tpu.memory_space<hbm>>, %arg6: memref<2x10240xf32, #tpu.memory_space<hbm>>, %arg7: memref<10240x128xf32, #tpu.memory_space<vmem_shared>>, %arg8: memref<128xi32, #tpu.memory_space<vmem>>, %arg9: memref<128xi32, #tpu.memory_space<vmem>>, %arg10: memref<128xi32, #tpu.memory_space<vmem>>, %arg11: memref<128xi32, #tpu.memory_space<vmem>>, %arg12: memref<128xi32, #tpu.memory_space<vmem>>, %arg13: memref<128xi32, #tpu.memory_space<vmem>>, %arg14: memref<128xi32, #tpu.memory_space<vmem>>, %arg15: memref<128xi32, #tpu.memory_space<vmem>>, %arg16: memref<128x128xf32, #tpu.memory_space<vmem>>, %arg17: memref<128x128xf32, #tpu.memory_space<vmem>>, %arg18: memref<!tpu.dma_semaphore, #tpu.memory_space<semaphore_mem>>, %arg19: memref<!tpu.dma_semaphore, #tpu.memory_space<semaphore_mem>>, %arg20: memref<!tpu.dma_semaphore, #tpu.memory_space<semaphore_mem>>, %arg21: memref<!tpu.dma_semaphore, #tpu.memory_space<semaphore_mem>>, %arg22: memref<!tpu.dma_semaphore, #tpu.memory_space<semaphore_mem>>, %arg23: memref<!tpu.dma_semaphore, #tpu.memory_space<semaphore_mem>>, %arg24: memref<!tpu.dma_semaphore, #tpu.memory_space<semaphore_mem>>, %arg25: memref<!tpu.dma_semaphore, #tpu.memory_space<semaphore_mem>>, %arg26: memref<10240xf32, #tpu.memory_space<vmem_shared>>, %arg27: memref<640xf32, #tpu.memory_space<vmem>>, %arg28: memref<128xf32, #tpu.memory_space<vmem>>, %arg29: memref<!tpu.dma_semaphore, #tpu.memory_space<semaphore_mem>>, %arg30: memref<!tpu.dma_semaphore, #tpu.memory_space<semaphore_mem>>) attributes {dimension_semantics = [#tpu.dimension_semantics<core_parallel>, #tpu.dimension_semantics<subcore_parallel>], iteration_bounds = array<i64: 2, 16>, scalar_prefetch = 0 : i64, scratch_operands = 24 : i64, tpu.core_type = #tpu.core_type<sc_vector_subcore>, window_params = [{transform_indices = #map}, {transform_indices = #map}, {transform_indices = #map1}, {transform_indices = #map2}, {transform_indices = #map}]} {
    %broadcast_in_dim3A = arith.constant 0.000000e+00 : f32
    %broadcast_in_dim3A_0 = vector.broadcast %broadcast_in_dim3A : f32 to vector<16xf32>
    %scan3A = arith.constant 0 : i32
    %scan3A_1 = arith.constant 0 : i32
    %scan3A_2 = arith.constant 128 : i32
    %scan3A_3 = arith.addi %scan3A_1, %scan3A_2 : i32
    %scan3A_4 = arith.constant 1 : i32
    scf.for %scan3A_124 = %scan3A_1 to %scan3A_3 step %scan3A_4  : i32 {
      %swap3A_125 = arith.index_cast %scan3A_124 : i32 to index
      %swap3A_126 = arith.constant 0 : index
      %swap3A_127 = tpu.vector_load %arg16[%swap3A_125, %swap3A_126] {strides = array<i32>} : memref<128x128xf32, #tpu.memory_space<vmem>>, vector<1x16xf32>,
      %swap3A_128 = vector.shape_cast %swap3A_127 : vector<1x16xf32> to vector<16xf32>
      %swap3A_129 = vector.shape_cast %broadcast_in_dim3A_0 : vector<16xf32> to vector<1x16xf32>
      tpu.vector_store %arg16[%swap3A_125, %swap3A_126], %swap3A_129 {strides = array<i32>} : memref<128x128xf32, #tpu.memory_space<vmem>>, vector<1x16xf32>,
      %swap3A_130 = arith.index_cast %scan3A_124 : i32 to index
      %swap3A_131 = arith.constant 16 : index
      %swap3A_132 = tpu.vector_load %arg16[%swap3A_130, %swap3A_131] {strides = array<i32>} : memref<128x128xf32, #tpu.memory_space<vmem>>, vector<1x16xf32>,
      %swap3A_133 = vector.shape_cast %swap3A_132 : vector<1x16xf32> to vector<16xf32>
      %swap3A_134 = vector.shape_cast %broadcast_in_dim3A_0 : vector<16xf32> to vector<1x16xf32>
      tpu.vector_store %arg16[%swap3A_130, %swap3A_131], %swap3A_134 {strides = array<i32>} : memref<128x128xf32, #tpu.memory_space<vmem>>, vector<1x16xf32>,
      %swap3A_135 = arith.index_cast %scan3A_124 : i32 to index
      %swap3A_136 = arith.constant 32 : index
      %swap3A_137 = tpu.vector_load %arg16[%swap3A_135, %swap3A_136] {strides = array<i32>} : memref<128x128xf32, #tpu.memory_space<vmem>>, vector<1x16xf32>,
      %swap3A_138 = vector.shape_cast %swap3A_137 : vector<1x16xf32> to vector<16xf32>
      %swap3A_139 = vector.shape_cast %broadcast_in_dim3A_0 : vector<16xf32> to vector<1x16xf32>
      tpu.vector_store %arg16[%swap3A_135, %swap3A_136], %swap3A_139 {strides = array<i32>} : memref<128x128xf32, #tpu.memory_space<vmem>>, vector<1x16xf32>,
      %swap3A_140 = arith.index_cast %scan3A_124 : i32 to index
      %swap3A_141 = arith.constant 48 : index
      %swap3A_142 = tpu.vector_load %arg16[%swap3A_140, %swap3A_141] {strides = array<i32>} : memref<128x128xf32, #tpu.memory_space<vmem>>, vector<1x16xf32>,
      %swap3A_143 = vector.shape_cast %swap3A_142 : vector<1x16xf32> to vector<16xf32>
      %swap3A_144 = vector.shape_cast %broadcast_in_dim3A_0 : vector<16xf32> to vector<1x16xf32>
      tpu.vector_store %arg16[%swap3A_140, %swap3A_141], %swap3A_144 {strides = array<i32>} : memref<128x128xf32, #tpu.memory_space<vmem>>, vector<1x16xf32>,
      %swap3A_145 = arith.index_cast %scan3A_124 : i32 to index
      %swap3A_146 = arith.constant 64 : index
      %swap3A_147 = tpu.vector_load %arg16[%swap3A_145, %swap3A_146] {strides = array<i32>} : memref<128x128xf32, #tpu.memory_space<vmem>>, vector<1x16xf32>,
      %swap3A_148 = vector.shape_cast %swap3A_147 : vector<1x16xf32> to vector<16xf32>
      %swap3A_149 = vector.shape_cast %broadcast_in_dim3A_0 : vector<16xf32> to vector<1x16xf32>
      tpu.vector_store %arg16[%swap3A_145, %swap3A_146], %swap3A_149 {strides = array<i32>} : memref<128x128xf32, #tpu.memory_space<vmem>>, vector<1x16xf32>,
      %swap3A_150 = arith.index_cast %scan3A_124 : i32 to index
      %swap3A_151 = arith.constant 80 : index
      %swap3A_152 = tpu.vector_load %arg16[%swap3A_150, %swap3A_151] {strides = array<i32>} : memref<128x128xf32, #tpu.memory_space<vmem>>, vector<1x16xf32>,
      %swap3A_153 = vector.shape_cast %swap3A_152 : vector<1x16xf32> to vector<16xf32>
      %swap3A_154 = vector.shape_cast %broadcast_in_dim3A_0 : vector<16xf32> to vector<1x16xf32>
      tpu.vector_store %arg16[%swap3A_150, %swap3A_151], %swap3A_154 {strides = array<i32>} : memref<128x128xf32, #tpu.memory_space<vmem>>, vector<1x16xf32>,
      %swap3A_155 = arith.index_cast %scan3A_124 : i32 to index
      %swap3A_156 = arith.constant 96 : index
      %swap3A_157 = tpu.vector_load %arg16[%swap3A_155, %swap3A_156] {strides = array<i32>} : memref<128x128xf32, #tpu.memory_space<vmem>>, vector<1x16xf32>,
      %swap3A_158 = vector.shape_cast %swap3A_157 : vector<1x16xf32> to vector<16xf32>
      %swap3A_159 = vector.shape_cast %broadcast_in_dim3A_0 : vector<16xf32> to vector<1x16xf32>
      tpu.vector_store %arg16[%swap3A_155, %swap3A_156], %swap3A_159 {strides = array<i32>} : memref<128x128xf32, #tpu.memory_space<vmem>>, vector<1x16xf32>,
      %swap3A_160 = arith.index_cast %scan3A_124 : i32 to index
      %swap3A_161 = arith.constant 112 : index
      %swap3A_162 = tpu.vector_load %arg16[%swap3A_160, %swap3A_161] {strides = array<i32>} : memref<128x128xf32, #tpu.memory_space<vmem>>, vector<1x16xf32>,
      %swap3A_163 = vector.shape_cast %swap3A_162 : vector<1x16xf32> to vector<16xf32>
      %swap3A_164 = vector.shape_cast %broadcast_in_dim3A_0 : vector<16xf32> to vector<1x16xf32>
      tpu.vector_store %arg16[%swap3A_160, %swap3A_161], %swap3A_164 {strides = array<i32>} : memref<128x128xf32, #tpu.memory_space<vmem>>, vector<1x16xf32>,
    }
    %scan3A_5 = arith.constant 128 : i32
    %mul3A = arith.constant 640 : i32
    %mul3A_6 = arith.muli %arg1, %mul3A : i32
    %add3A = arith.constant 0 : i32
    %add3A_7 = arith.addi %mul3A_6, %add3A : i32
    "tpu.region"() ({
      %run_scoped3A = tpu.sem_alloc : memref<!tpu.dma_semaphore, #tpu.memory_space<semaphore_mem>>
      %dma_start3A_124 = arith.constant 0 : i32
      %dma_start3A_125 = tpu.memref_slice %arg7[%add3A_7, %dma_start3A_124] : memref<10240x128xf32, #tpu.memory_space<vmem_shared>> -> memref<128x128xf32, #tpu.memory_space<vmem_shared>>
      %dma_start3A_126 = arith.constant 0 : i32
      %dma_start3A_127 = tpu.memref_slice %arg7[%add3A_7, %dma_start3A_126] : memref<10240x128xf32, #tpu.memory_space<vmem_shared>> -> memref<128x128xf32, #tpu.memory_space<vmem_shared>>
      tpu.enqueue_dma source(%arg16 : memref<128x128xf32, #tpu.memory_space<vmem>>) target(%dma_start3A_127 : memref<128x128xf32, #tpu.memory_space<vmem_shared>>) target_semaphore(%run_scoped3A : memref<!tpu.dma_semaphore, #tpu.memory_space<semaphore_mem>>)
      %dma_wait3A_128 = arith.constant 0 : i32
      %dma_wait3A_129 = tpu.memref_slice %arg7[%add3A_7, %dma_wait3A_128] : memref<10240x128xf32, #tpu.memory_space<vmem_shared>> -> memref<128x128xf32, #tpu.memory_space<vmem_shared>>
      %dma_wait3A_130 = arith.constant 0 : i32
      %dma_wait3A_131 = tpu.memref_slice %arg7[%add3A_7, %dma_wait3A_130] : memref<10240x128xf32, #tpu.memory_space<vmem_shared>> -> memref<128x128xf32, #tpu.memory_space<vmem_shared>>
      tpu.wait_dma2 semaphore(%run_scoped3A : memref<!tpu.dma_semaphore, #tpu.memory_space<semaphore_mem>>) src(%arg16 : memref<128x128xf32, #tpu.memory_space<vmem>>) dst(%dma_wait3A_131 : memref<128x128xf32, #tpu.memory_space<vmem_shared>>)
      tpu.yield
    }) : () -> ()
    %add3A_8 = arith.constant 128 : i32
    %add3A_9 = arith.addi %mul3A_6, %add3A_8 : i32
    "tpu.region"() ({
      %run_scoped3A = tpu.sem_alloc : memref<!tpu.dma_semaphore, #tpu.memory_space<semaphore_mem>>
      %dma_start3A_124 = arith.constant 0 : i32
      %dma_start3A_125 = tpu.memref_slice %arg7[%add3A_9, %dma_start3A_124] : memref<10240x128xf32, #tpu.memory_space<vmem_shared>> -> memref<128x128xf32, #tpu.memory_space<vmem_shared>>
      %dma_start3A_126 = arith.constant 0 : i32
      %dma_start3A_127 = tpu.memref_slice %arg7[%add3A_9, %dma_start3A_126] : memref<10240x128xf32, #tpu.memory_space<vmem_shared>> -> memref<128x128xf32, #tpu.memory_space<vmem_shared>>
      tpu.enqueue_dma source(%arg16 : memref<128x128xf32, #tpu.memory_space<vmem>>) target(%dma_start3A_127 : memref<128x128xf32, #tpu.memory_space<vmem_shared>>) target_semaphore(%run_scoped3A : memref<!tpu.dma_semaphore, #tpu.memory_space<semaphore_mem>>)
      %dma_wait3A_128 = arith.constant 0 : i32
      %dma_wait3A_129 = tpu.memref_slice %arg7[%add3A_9, %dma_wait3A_128] : memref<10240x128xf32, #tpu.memory_space<vmem_shared>> -> memref<128x128xf32, #tpu.memory_space<vmem_shared>>
      %dma_wait3A_130 = arith.constant 0 : i32
      %dma_wait3A_131 = tpu.memref_slice %arg7[%add3A_9, %dma_wait3A_130] : memref<10240x128xf32, #tpu.memory_space<vmem_shared>> -> memref<128x128xf32, #tpu.memory_space<vmem_shared>>
      tpu.wait_dma2 semaphore(%run_scoped3A : memref<!tpu.dma_semaphore, #tpu.memory_space<semaphore_mem>>) src(%arg16 : memref<128x128xf32, #tpu.memory_space<vmem>>) dst(%dma_wait3A_131 : memref<128x128xf32, #tpu.memory_space<vmem_shared>>)
      tpu.yield
    }) : () -> ()
    %add3A_10 = arith.constant 256 : i32
    %add3A_11 = arith.addi %mul3A_6, %add3A_10 : i32
    "tpu.region"() ({
      %run_scoped3A = tpu.sem_alloc : memref<!tpu.dma_semaphore, #tpu.memory_space<semaphore_mem>>
      %dma_start3A_124 = arith.constant 0 : i32
      %dma_start3A_125 = tpu.memref_slice %arg7[%add3A_11, %dma_start3A_124] : memref<10240x128xf32, #tpu.memory_space<vmem_shared>> -> memref<128x128xf32, #tpu.memory_space<vmem_shared>>
      %dma_start3A_126 = arith.constant 0 : i32
      %dma_start3A_127 = tpu.memref_slice %arg7[%add3A_11, %dma_start3A_126] : memref<10240x128xf32, #tpu.memory_space<vmem_shared>> -> memref<128x128xf32, #tpu.memory_space<vmem_shared>>
      tpu.enqueue_dma source(%arg16 : memref<128x128xf32, #tpu.memory_space<vmem>>) target(%dma_start3A_127 : memref<128x128xf32, #tpu.memory_space<vmem_shared>>) target_semaphore(%run_scoped3A : memref<!tpu.dma_semaphore, #tpu.memory_space<semaphore_mem>>)
      %dma_wait3A_128 = arith.constant 0 : i32
      %dma_wait3A_129 = tpu.memref_slice %arg7[%add3A_11, %dma_wait3A_128] : memref<10240x128xf32, #tpu.memory_space<vmem_shared>> -> memref<128x128xf32, #tpu.memory_space<vmem_shared>>
      %dma_wait3A_130 = arith.constant 0 : i32
      %dma_wait3A_131 = tpu.memref_slice %arg7[%add3A_11, %dma_wait3A_130] : memref<10240x128xf32, #tpu.memory_space<vmem_shared>> -> memref<128x128xf32, #tpu.memory_space<vmem_shared>>
      tpu.wait_dma2 semaphore(%run_scoped3A : memref<!tpu.dma_semaphore, #tpu.memory_space<semaphore_mem>>) src(%arg16 : memref<128x128xf32, #tpu.memory_space<vmem>>) dst(%dma_wait3A_131 : memref<128x128xf32, #tpu.memory_space<vmem_shared>>)
      tpu.yield
    }) : () -> ()
    %add3A_12 = arith.constant 384 : i32
    %add3A_13 = arith.addi %mul3A_6, %add3A_12 : i32
    "tpu.region"() ({
      %run_scoped3A = tpu.sem_alloc : memref<!tpu.dma_semaphore, #tpu.memory_space<semaphore_mem>>
      %dma_start3A_124 = arith.constant 0 : i32
      %dma_start3A_125 = tpu.memref_slice %arg7[%add3A_13, %dma_start3A_124] : memref<10240x128xf32, #tpu.memory_space<vmem_shared>> -> memref<128x128xf32, #tpu.memory_space<vmem_shared>>
      %dma_start3A_126 = arith.constant 0 : i32
      %dma_start3A_127 = tpu.memref_slice %arg7[%add3A_13, %dma_start3A_126] : memref<10240x128xf32, #tpu.memory_space<vmem_shared>> -> memref<128x128xf32, #tpu.memory_space<vmem_shared>>
      tpu.enqueue_dma source(%arg16 : memref<128x128xf32, #tpu.memory_space<vmem>>) target(%dma_start3A_127 : memref<128x128xf32, #tpu.memory_space<vmem_shared>>) target_semaphore(%run_scoped3A : memref<!tpu.dma_semaphore, #tpu.memory_space<semaphore_mem>>)
      %dma_wait3A_128 = arith.constant 0 : i32
      %dma_wait3A_129 = tpu.memref_slice %arg7[%add3A_13, %dma_wait3A_128] : memref<10240x128xf32, #tpu.memory_space<vmem_shared>> -> memref<128x128xf32, #tpu.memory_space<vmem_shared>>
      %dma_wait3A_130 = arith.constant 0 : i32
      %dma_wait3A_131 = tpu.memref_slice %arg7[%add3A_13, %dma_wait3A_130] : memref<10240x128xf32, #tpu.memory_space<vmem_shared>> -> memref<128x128xf32, #tpu.memory_space<vmem_shared>>
      tpu.wait_dma2 semaphore(%run_scoped3A : memref<!tpu.dma_semaphore, #tpu.memory_space<semaphore_mem>>) src(%arg16 : memref<128x128xf32, #tpu.memory_space<vmem>>) dst(%dma_wait3A_131 : memref<128x128xf32, #tpu.memory_space<vmem_shared>>)
      tpu.yield
    }) : () -> ()
    %add3A_14 = arith.constant 512 : i32
    %add3A_15 = arith.addi %mul3A_6, %add3A_14 : i32
    "tpu.region"() ({
      %run_scoped3A = tpu.sem_alloc : memref<!tpu.dma_semaphore, #tpu.memory_space<semaphore_mem>>
      %dma_start3A_124 = arith.constant 0 : i32
      %dma_start3A_125 = tpu.memref_slice %arg7[%add3A_15, %dma_start3A_124] : memref<10240x128xf32, #tpu.memory_space<vmem_shared>> -> memref<128x128xf32, #tpu.memory_space<vmem_shared>>
      %dma_start3A_126 = arith.constant 0 : i32
      %dma_start3A_127 = tpu.memref_slice %arg7[%add3A_15, %dma_start3A_126] : memref<10240x128xf32, #tpu.memory_space<vmem_shared>> -> memref<128x128xf32, #tpu.memory_space<vmem_shared>>
      tpu.enqueue_dma source(%arg16 : memref<128x128xf32, #tpu.memory_space<vmem>>) target(%dma_start3A_127 : memref<128x128xf32, #tpu.memory_space<vmem_shared>>) target_semaphore(%run_scoped3A : memref<!tpu.dma_semaphore, #tpu.memory_space<semaphore_mem>>)
      %dma_wait3A_128 = arith.constant 0 : i32
      %dma_wait3A_129 = tpu.memref_slice %arg7[%add3A_15, %dma_wait3A_128] : memref<10240x128xf32, #tpu.memory_space<vmem_shared>> -> memref<128x128xf32, #tpu.memory_space<vmem_shared>>
      %dma_wait3A_130 = arith.constant 0 : i32
      %dma_wait3A_131 = tpu.memref_slice %arg7[%add3A_15, %dma_wait3A_130] : memref<10240x128xf32, #tpu.memory_space<vmem_shared>> -> memref<128x128xf32, #tpu.memory_space<vmem_shared>>
      tpu.wait_dma2 semaphore(%run_scoped3A : memref<!tpu.dma_semaphore, #tpu.memory_space<semaphore_mem>>) src(%arg16 : memref<128x128xf32, #tpu.memory_space<vmem>>) dst(%dma_wait3A_131 : memref<128x128xf32, #tpu.memory_space<vmem_shared>>)
      tpu.yield
    }) : () -> ()
    %scan3A_16 = arith.constant 0 : i32
    %scan3A_17 = arith.constant 0 : i32
    %scan3A_18 = arith.constant 40 : i32
    %scan3A_19 = arith.addi %scan3A_17, %scan3A_18 : i32
    %scan3A_20 = arith.constant 1 : i32
    scf.for %scan3A_124 = %scan3A_17 to %scan3A_19 step %scan3A_20  : i32 {
      %mul3A_125 = arith.constant 16 : i32
      %mul3A_126 = arith.muli %scan3A_124, %mul3A_125 : i32
      %swap3A_127 = arith.index_cast %mul3A_126 : i32 to index
      %swap3A_128 = tpu.vector_load %arg27[%swap3A_127] {strides = array<i32>} : memref<640xf32, #tpu.memory_space<vmem>>, vector<16xf32>,
      %swap3A_129 = vector.shape_cast %swap3A_128 : vector<16xf32> to vector<16xf32>
      %swap3A_130 = vector.shape_cast %broadcast_in_dim3A_0 : vector<16xf32> to vector<16xf32>
      tpu.vector_store %arg27[%swap3A_127], %swap3A_130 {strides = array<i32>} : memref<640xf32, #tpu.memory_space<vmem>>, vector<16xf32>,
    }
    %scan3A_21 = arith.constant 40 : i32
    "tpu.region"() ({
      %run_scoped3A = tpu.sem_alloc : memref<!tpu.dma_semaphore, #tpu.memory_space<semaphore_mem>>
      %dma_start3A_124 = tpu.memref_slice %arg26[%mul3A_6] : memref<10240xf32, #tpu.memory_space<vmem_shared>> -> memref<640xf32, #tpu.memory_space<vmem_shared>>
      %dma_start3A_125 = tpu.memref_slice %arg26[%mul3A_6] : memref<10240xf32, #tpu.memory_space<vmem_shared>> -> memref<640xf32, #tpu.memory_space<vmem_shared>>
      tpu.enqueue_dma source(%arg27 : memref<640xf32, #tpu.memory_space<vmem>>) target(%dma_start3A_125 : memref<640xf32, #tpu.memory_space<vmem_shared>>) target_semaphore(%run_scoped3A : memref<!tpu.dma_semaphore, #tpu.memory_space<semaphore_mem>>)
      %dma_wait3A_126 = tpu.memref_slice %arg26[%mul3A_6] : memref<10240xf32, #tpu.memory_space<vmem_shared>> -> memref<640xf32, #tpu.memory_space<vmem_shared>>
      %dma_wait3A_127 = tpu.memref_slice %arg26[%mul3A_6] : memref<10240xf32, #tpu.memory_space<vmem_shared>> -> memref<640xf32, #tpu.memory_space<vmem_shared>>
      tpu.wait_dma2 semaphore(%run_scoped3A : memref<!tpu.dma_semaphore, #tpu.memory_space<semaphore_mem>>) src(%arg27 : memref<640xf32, #tpu.memory_space<vmem>>) dst(%dma_wait3A_127 : memref<640xf32, #tpu.memory_space<vmem_shared>>)
      tpu.yield
    }) : () -> ()
    %broadcast_in_dim3A_22 = arith.constant 1.000000e+00 : f32
    %broadcast_in_dim3A_23 = vector.broadcast %broadcast_in_dim3A_22 : f32 to vector<16xf32>
    %swap3A = arith.constant 0 : index
    %swap3A_24 = tpu.vector_load %arg28[%swap3A] {strides = array<i32>} : memref<128xf32, #tpu.memory_space<vmem>>, vector<16xf32>,
    %swap3A_25 = vector.shape_cast %swap3A_24 : vector<16xf32> to vector<16xf32>
    %swap3A_26 = vector.shape_cast %broadcast_in_dim3A_23 : vector<16xf32> to vector<16xf32>
    tpu.vector_store %arg28[%swap3A], %swap3A_26 {strides = array<i32>} : memref<128xf32, #tpu.memory_space<vmem>>, vector<16xf32>,
    %swap3A_27 = arith.constant 16 : index
    %swap3A_28 = tpu.vector_load %arg28[%swap3A_27] {strides = array<i32>} : memref<128xf32, #tpu.memory_space<vmem>>, vector<16xf32>,
    %swap3A_29 = vector.shape_cast %swap3A_28 : vector<16xf32> to vector<16xf32>
    %swap3A_30 = vector.shape_cast %broadcast_in_dim3A_23 : vector<16xf32> to vector<16xf32>
    tpu.vector_store %arg28[%swap3A_27], %swap3A_30 {strides = array<i32>} : memref<128xf32, #tpu.memory_space<vmem>>, vector<16xf32>,
    %swap3A_31 = arith.constant 32 : index
    %swap3A_32 = tpu.vector_load %arg28[%swap3A_31] {strides = array<i32>} : memref<128xf32, #tpu.memory_space<vmem>>, vector<16xf32>,
    %swap3A_33 = vector.shape_cast %swap3A_32 : vector<16xf32> to vector<16xf32>
    %swap3A_34 = vector.shape_cast %broadcast_in_dim3A_23 : vector<16xf32> to vector<16xf32>
    tpu.vector_store %arg28[%swap3A_31], %swap3A_34 {strides = array<i32>} : memref<128xf32, #tpu.memory_space<vmem>>, vector<16xf32>,
    %swap3A_35 = arith.constant 48 : index
    %swap3A_36 = tpu.vector_load %arg28[%swap3A_35] {strides = array<i32>} : memref<128xf32, #tpu.memory_space<vmem>>, vector<16xf32>,
    %swap3A_37 = vector.shape_cast %swap3A_36 : vector<16xf32> to vector<16xf32>
    %swap3A_38 = vector.shape_cast %broadcast_in_dim3A_23 : vector<16xf32> to vector<16xf32>
    tpu.vector_store %arg28[%swap3A_35], %swap3A_38 {strides = array<i32>} : memref<128xf32, #tpu.memory_space<vmem>>, vector<16xf32>,
    %swap3A_39 = arith.constant 64 : index
    %swap3A_40 = tpu.vector_load %arg28[%swap3A_39] {strides = array<i32>} : memref<128xf32, #tpu.memory_space<vmem>>, vector<16xf32>,
    %swap3A_41 = vector.shape_cast %swap3A_40 : vector<16xf32> to vector<16xf32>
    %swap3A_42 = vector.shape_cast %broadcast_in_dim3A_23 : vector<16xf32> to vector<16xf32>
    tpu.vector_store %arg28[%swap3A_39], %swap3A_42 {strides = array<i32>} : memref<128xf32, #tpu.memory_space<vmem>>, vector<16xf32>,
    %swap3A_43 = arith.constant 80 : index
    %swap3A_44 = tpu.vector_load %arg28[%swap3A_43] {strides = array<i32>} : memref<128xf32, #tpu.memory_space<vmem>>, vector<16xf32>,
    %swap3A_45 = vector.shape_cast %swap3A_44 : vector<16xf32> to vector<16xf32>
    %swap3A_46 = vector.shape_cast %broadcast_in_dim3A_23 : vector<16xf32> to vector<16xf32>
    tpu.vector_store %arg28[%swap3A_43], %swap3A_46 {strides = array<i32>} : memref<128xf32, #tpu.memory_space<vmem>>, vector<16xf32>,
    %swap3A_47 = arith.constant 96 : index
    %swap3A_48 = tpu.vector_load %arg28[%swap3A_47] {strides = array<i32>} : memref<128xf32, #tpu.memory_space<vmem>>, vector<16xf32>,
    %swap3A_49 = vector.shape_cast %swap3A_48 : vector<16xf32> to vector<16xf32>
    %swap3A_50 = vector.shape_cast %broadcast_in_dim3A_23 : vector<16xf32> to vector<16xf32>
    tpu.vector_store %arg28[%swap3A_47], %swap3A_50 {strides = array<i32>} : memref<128xf32, #tpu.memory_space<vmem>>, vector<16xf32>,
    %swap3A_51 = arith.constant 112 : index
    %swap3A_52 = tpu.vector_load %arg28[%swap3A_51] {strides = array<i32>} : memref<128xf32, #tpu.memory_space<vmem>>, vector<16xf32>,
    %swap3A_53 = vector.shape_cast %swap3A_52 : vector<16xf32> to vector<16xf32>
    %swap3A_54 = vector.shape_cast %broadcast_in_dim3A_23 : vector<16xf32> to vector<16xf32>
    tpu.vector_store %arg28[%swap3A_51], %swap3A_54 {strides = array<i32>} : memref<128xf32, #tpu.memory_space<vmem>>, vector<16xf32>,
    %barrier3A = arith.constant 0 : index
    tpu.barrier barrier_id(%barrier3A)
    %add3A_55 = arith.constant 0 : i32
    %add3A_56 = arith.addi %arg1, %add3A_55 : i32
    %mul3A_57 = arith.constant 128 : i32
    %mul3A_58 = arith.muli %add3A_56, %mul3A_57 : i32
    %dma_start3A = tpu.memref_slice %arg3[%arg0, %mul3A_58] : memref<2x163840xi32, #tpu.memory_space<hbm>> -> memref<1x128xi32, #tpu.memory_space<hbm>>
    %dma_start3A_59 = tpu.memref_squeeze %dma_start3A : memref<1x128xi32, #tpu.memory_space<hbm>> -> memref<128xi32, #tpu.memory_space<hbm>>
    %dma_start3A_60 = tpu.memref_slice %arg3[%arg0, %mul3A_58] : memref<2x163840xi32, #tpu.memory_space<hbm>> -> memref<1x128xi32, #tpu.memory_space<hbm>>
    %dma_start3A_61 = tpu.memref_squeeze %dma_start3A_60 : memref<1x128xi32, #tpu.memory_space<hbm>> -> memref<128xi32, #tpu.memory_space<hbm>>
    tpu.enqueue_dma source(%dma_start3A_61 : memref<128xi32, #tpu.memory_space<hbm>>) target(%arg8 : memref<128xi32, #tpu.memory_space<vmem>>) target_semaphore(%arg18 : memref<!tpu.dma_semaphore, #tpu.memory_space<semaphore_mem>>)
    %dma_start3A_62 = tpu.memref_slice %arg4[%mul3A_58] : memref<163840xi32, #tpu.memory_space<hbm>> -> memref<128xi32, #tpu.memory_space<hbm>>
    %dma_start3A_63 = tpu.memref_slice %arg4[%mul3A_58] : memref<163840xi32, #tpu.memory_space<hbm>> -> memref<128xi32, #tpu.memory_space<hbm>>
    tpu.enqueue_dma source(%dma_start3A_63 : memref<128xi32, #tpu.memory_space<hbm>>) target(%arg9 : memref<128xi32, #tpu.memory_space<vmem>>) target_semaphore(%arg18 : memref<!tpu.dma_semaphore, #tpu.memory_space<semaphore_mem>>)
    %scan3A_64 = arith.constant 0 : i32
    %scan3A_65 = arith.constant 0 : i32
    %scan3A_66 = arith.constant 20 : i32
    %scan3A_67 = arith.addi %scan3A_65, %scan3A_66 : i32
    %scan3A_68 = arith.constant 1 : i32
    scf.for %scan3A_124 = %scan3A_65 to %scan3A_67 step %scan3A_68  : i32 {
      %mul3A_125 = arith.constant 4 : i32
      %mul3A_126 = arith.muli %mul3A_125, %scan3A_124 : i32
      %add3A_127 = arith.constant 0 : i32
      %add3A_128 = arith.addi %mul3A_126, %add3A_127 : i32
      %mul3A_129 = arith.constant 16 : i32
      %mul3A_130 = arith.muli %add3A_128, %mul3A_129 : i32
      %add3A_131 = arith.addi %arg1, %mul3A_130 : i32
      %mul3A_132 = arith.constant 128 : i32
      %mul3A_133 = arith.muli %add3A_131, %mul3A_132 : i32
      %dma_wait3A_134 = tpu.memref_slice %arg3[%arg0, %mul3A_133] : memref<2x163840xi32, #tpu.memory_space<hbm>> -> memref<1x128xi32, #tpu.memory_space<hbm>>
      %dma_wait3A_135 = tpu.memref_squeeze %dma_wait3A_134 : memref<1x128xi32, #tpu.memory_space<hbm>> -> memref<128xi32, #tpu.memory_space<hbm>>
      %dma_wait3A_136 = tpu.memref_slice %arg3[%arg0, %mul3A_133] : memref<2x163840xi32, #tpu.memory_space<hbm>> -> memref<1x128xi32, #tpu.memory_space<hbm>>
      %dma_wait3A_137 = tpu.memref_squeeze %dma_wait3A_136 : memref<1x128xi32, #tpu.memory_space<hbm>> -> memref<128xi32, #tpu.memory_space<hbm>>
      tpu.wait_dma2 semaphore(%arg18 : memref<!tpu.dma_semaphore, #tpu.memory_space<semaphore_mem>>) src(%dma_wait3A_137 : memref<128xi32, #tpu.memory_space<hbm>>) dst(%arg8 : memref<128xi32, #tpu.memory_space<vmem>>)
      %dma_wait3A_138 = tpu.memref_slice %arg4[%mul3A_133] : memref<163840xi32, #tpu.memory_space<hbm>> -> memref<128xi32, #tpu.memory_space<hbm>>
      %dma_wait3A_139 = tpu.memref_slice %arg4[%mul3A_133] : memref<163840xi32, #tpu.memory_space<hbm>> -> memref<128xi32, #tpu.memory_space<hbm>>
      tpu.wait_dma2 semaphore(%arg18 : memref<!tpu.dma_semaphore, #tpu.memory_space<semaphore_mem>>) src(%dma_wait3A_139 : memref<128xi32, #tpu.memory_space<hbm>>) dst(%arg9 : memref<128xi32, #tpu.memory_space<vmem>>)
      %add3A_140 = arith.constant 1 : i32
      %add3A_141 = arith.addi %add3A_128, %add3A_140 : i32
      %lt3A_142 = arith.constant 80 : i32
      %lt3A_143 = arith.cmpi slt, %add3A_141, %lt3A_142 : i32
      %convert_element_type3A_144 = arith.extui %lt3A_143 : i1 to i32
      %cond3A_145 = arith.constant 0 : i32
      %cond3A_146 = arith.cmpi ne, %convert_element_type3A_144, %cond3A_145 : i32
      scf.if %cond3A_146 {
        %add3A_264 = arith.constant 1 : i32
        %add3A_265 = arith.addi %add3A_128, %add3A_264 : i32
        %mul3A_266 = arith.constant 16 : i32
        %mul3A_267 = arith.muli %add3A_265, %mul3A_266 : i32
        %add3A_268 = arith.addi %arg1, %mul3A_267 : i32
        %mul3A_269 = arith.constant 128 : i32
        %mul3A_270 = arith.muli %add3A_268, %mul3A_269 : i32
        %dma_start3A_271 = tpu.memref_slice %arg3[%arg0, %mul3A_270] : memref<2x163840xi32, #tpu.memory_space<hbm>> -> memref<1x128xi32, #tpu.memory_space<hbm>>
        %dma_start3A_272 = tpu.memref_squeeze %dma_start3A_271 : memref<1x128xi32, #tpu.memory_space<hbm>> -> memref<128xi32, #tpu.memory_space<hbm>>
        %dma_start3A_273 = tpu.memref_slice %arg3[%arg0, %mul3A_270] : memref<2x163840xi32, #tpu.memory_space<hbm>> -> memref<1x128xi32, #tpu.memory_space<hbm>>
        %dma_start3A_274 = tpu.memref_squeeze %dma_start3A_273 : memref<1x128xi32, #tpu.memory_space<hbm>> -> memref<128xi32, #tpu.memory_space<hbm>>
        tpu.enqueue_dma source(%dma_start3A_274 : memref<128xi32, #tpu.memory_space<hbm>>) target(%arg10 : memref<128xi32, #tpu.memory_space<vmem>>) target_semaphore(%arg19 : memref<!tpu.dma_semaphore, #tpu.memory_space<semaphore_mem>>)
        %dma_start3A_275 = tpu.memref_slice %arg4[%mul3A_270] : memref<163840xi32, #tpu.memory_space<hbm>> -> memref<128xi32, #tpu.memory_space<hbm>>
        %dma_start3A_276 = tpu.memref_slice %arg4[%mul3A_270] : memref<163840xi32, #tpu.memory_space<hbm>> -> memref<128xi32, #tpu.memory_space<hbm>>
        tpu.enqueue_dma source(%dma_start3A_276 : memref<128xi32, #tpu.memory_space<hbm>>) target(%arg11 : memref<128xi32, #tpu.memory_space<vmem>>) target_semaphore(%arg19 : memref<!tpu.dma_semaphore, #tpu.memory_space<semaphore_mem>>)
      } else {
      }
      %ge3A = arith.constant 2 : i32
      %ge3A_147 = arith.cmpi sge, %add3A_128, %ge3A : i32
      %convert_element_type3A_148 = arith.extui %ge3A_147 : i1 to i32
      %cond3A_149 = arith.constant 0 : i32
      %cond3A_150 = arith.cmpi ne, %convert_element_type3A_148, %cond3A_149 : i32
      scf.if %cond3A_150 {
        %sub3A = arith.constant 2 : i32
        %sub3A_264 = arith.subi %add3A_128, %sub3A : i32
        %dma_wait3A_265 = arith.constant 0 : i32
        %dma_wait3A_266 = arith.constant 0 : i32
        %dma_wait3A_267 = tpu.memref_slice %arg7[%dma_wait3A_265, %dma_wait3A_266] : memref<10240x128xf32, #tpu.memory_space<vmem_shared>> -> memref<10240x128xf32, #tpu.memory_space<vmem_shared>>
        tpu.wait_indirect_dma semaphore(%arg24 : memref<!tpu.dma_semaphore, #tpu.memory_space<semaphore_mem>>) src(%arg16 : memref<128x128xf32, #tpu.memory_space<vmem>>) dst(%dma_wait3A_267 : memref<10240x128xf32, #tpu.memory_space<vmem_shared>>)
        %mul3A_268 = arith.constant 16 : i32
        %mul3A_269 = arith.muli %sub3A_264, %mul3A_268 : i32
        %add3A_270 = arith.addi %arg1, %mul3A_269 : i32
        %lt3A_271 = arith.constant 640 : i32
        %lt3A_272 = arith.cmpi slt, %add3A_270, %lt3A_271 : i32
        %eq3A_273 = arith.constant 0 : i32
        %eq3A_274 = arith.cmpi eq, %arg0, %eq3A_273 : i32
        %eq3A_275 = arith.xori %lt3A_272, %eq3A_274 : i1
        %eq3A_276 = arith.constant true
        %eq3A_277 = arith.xori %eq3A_275, %eq3A_276 : i1
        %convert_element_type3A_278 = arith.extui %eq3A_277 : i1 to i32
        %cond3A_279 = arith.constant 0 : i32
        %cond3A_280 = arith.cmpi ne, %convert_element_type3A_278, %cond3A_279 : i32
        scf.if %cond3A_280 {
          %dma_wait3A_281 = arith.constant 0 : i32
          %dma_wait3A_282 = tpu.memref_slice %arg26[%dma_wait3A_281] : memref<10240xf32, #tpu.memory_space<vmem_shared>> -> memref<10240xf32, #tpu.memory_space<vmem_shared>>
          tpu.wait_indirect_dma semaphore(%arg29 : memref<!tpu.dma_semaphore, #tpu.memory_space<semaphore_mem>>) src(%arg28 : memref<128xf32, #tpu.memory_space<vmem>>) dst(%dma_wait3A_282 : memref<10240xf32, #tpu.memory_space<vmem_shared>>)
        } else {
        }
      } else {
      }
      %dma_start3A_151 = arith.constant 0 : i32
      %dma_start3A_152 = arith.constant 0 : i32
      %dma_start3A_153 = tpu.memref_slice %arg2[%dma_start3A_151, %dma_start3A_152] : memref<20000x128xf32, #tpu.memory_space<hbm>> -> memref<20000x128xf32, #tpu.memory_space<hbm>>
      tpu.enqueue_indirect_dma source(%dma_start3A_153 : memref<20000x128xf32, #tpu.memory_space<hbm>>) target(%arg16 : memref<128x128xf32, #tpu.memory_space<vmem>>) offsets(%arg8 : memref<128xi32, #tpu.memory_space<vmem>>) semaphore(%arg22 : memref<!tpu.dma_semaphore, #tpu.memory_space<semaphore_mem>>)
      %ge3A_154 = arith.constant 1 : i32
      %ge3A_155 = arith.cmpi sge, %add3A_128, %ge3A_154 : i32
      %convert_element_type3A_156 = arith.extui %ge3A_155 : i1 to i32
      %cond3A_157 = arith.constant 0 : i32
      %cond3A_158 = arith.cmpi ne, %convert_element_type3A_156, %cond3A_157 : i32
      scf.if %cond3A_158 {
        %dma_wait3A_264 = arith.constant 0 : i32
        %dma_wait3A_265 = arith.constant 0 : i32
        %dma_wait3A_266 = tpu.memref_slice %arg2[%dma_wait3A_264, %dma_wait3A_265] : memref<20000x128xf32, #tpu.memory_space<hbm>> -> memref<20000x128xf32, #tpu.memory_space<hbm>>
        tpu.wait_indirect_dma semaphore(%arg23 : memref<!tpu.dma_semaphore, #tpu.memory_space<semaphore_mem>>) src(%dma_wait3A_266 : memref<20000x128xf32, #tpu.memory_space<hbm>>) dst(%arg17 : memref<128x128xf32, #tpu.memory_space<vmem>>)
        %sub3A = arith.constant 1 : i32
        %sub3A_267 = arith.subi %add3A_128, %sub3A : i32
        %dma_start3A_268 = arith.constant 0 : i32
        %dma_start3A_269 = arith.constant 0 : i32
        %dma_start3A_270 = tpu.memref_slice %arg7[%dma_start3A_268, %dma_start3A_269] : memref<10240x128xf32, #tpu.memory_space<vmem_shared>> -> memref<10240x128xf32, #tpu.memory_space<vmem_shared>>
        tpu.enqueue_indirect_dma source(%arg17 : memref<128x128xf32, #tpu.memory_space<vmem>>) target(%dma_start3A_270 : memref<10240x128xf32, #tpu.memory_space<vmem_shared>>) offsets(%arg15 : memref<128xi32, #tpu.memory_space<vmem>>) semaphore(%arg25 : memref<!tpu.dma_semaphore, #tpu.memory_space<semaphore_mem>>) {add = true}
        %mul3A_271 = arith.constant 16 : i32
        %mul3A_272 = arith.muli %sub3A_267, %mul3A_271 : i32
        %add3A_273 = arith.addi %arg1, %mul3A_272 : i32
        %lt3A_274 = arith.constant 640 : i32
        %lt3A_275 = arith.cmpi slt, %add3A_273, %lt3A_274 : i32
        %eq3A_276 = arith.constant 0 : i32
        %eq3A_277 = arith.cmpi eq, %arg0, %eq3A_276 : i32
        %eq3A_278 = arith.xori %lt3A_275, %eq3A_277 : i1
        %eq3A_279 = arith.constant true
        %eq3A_280 = arith.xori %eq3A_278, %eq3A_279 : i1
        %convert_element_type3A_281 = arith.extui %eq3A_280 : i1 to i32
        %cond3A_282 = arith.constant 0 : i32
        %cond3A_283 = arith.cmpi ne, %convert_element_type3A_281, %cond3A_282 : i32
        scf.if %cond3A_283 {
          %dma_start3A_284 = arith.constant 0 : i32
          %dma_start3A_285 = tpu.memref_slice %arg26[%dma_start3A_284] : memref<10240xf32, #tpu.memory_space<vmem_shared>> -> memref<10240xf32, #tpu.memory_space<vmem_shared>>
          tpu.enqueue_indirect_dma source(%arg28 : memref<128xf32, #tpu.memory_space<vmem>>) target(%dma_start3A_285 : memref<10240xf32, #tpu.memory_space<vmem_shared>>) offsets(%arg15 : memref<128xi32, #tpu.memory_space<vmem>>) semaphore(%arg30 : memref<!tpu.dma_semaphore, #tpu.memory_space<semaphore_mem>>) {add = true}
        } else {
        }
      } else {
      }
      %mul3A_159 = arith.constant 4 : i32
      %mul3A_160 = arith.muli %mul3A_159, %scan3A_124 : i32
      %add3A_161 = arith.constant 1 : i32
      %add3A_162 = arith.addi %mul3A_160, %add3A_161 : i32
      %mul3A_163 = arith.constant 16 : i32
      %mul3A_164 = arith.muli %add3A_162, %mul3A_163 : i32
      %add3A_165 = arith.addi %arg1, %mul3A_164 : i32
      %mul3A_166 = arith.constant 128 : i32
      %mul3A_167 = arith.muli %add3A_165, %mul3A_166 : i32
      %dma_wait3A_168 = tpu.memref_slice %arg3[%arg0, %mul3A_167] : memref<2x163840xi32, #tpu.memory_space<hbm>> -> memref<1x128xi32, #tpu.memory_space<hbm>>
      %dma_wait3A_169 = tpu.memref_squeeze %dma_wait3A_168 : memref<1x128xi32, #tpu.memory_space<hbm>> -> memref<128xi32, #tpu.memory_space<hbm>>
      %dma_wait3A_170 = tpu.memref_slice %arg3[%arg0, %mul3A_167] : memref<2x163840xi32, #tpu.memory_space<hbm>> -> memref<1x128xi32, #tpu.memory_space<hbm>>
      %dma_wait3A_171 = tpu.memref_squeeze %dma_wait3A_170 : memref<1x128xi32, #tpu.memory_space<hbm>> -> memref<128xi32, #tpu.memory_space<hbm>>
      tpu.wait_dma2 semaphore(%arg19 : memref<!tpu.dma_semaphore, #tpu.memory_space<semaphore_mem>>) src(%dma_wait3A_171 : memref<128xi32, #tpu.memory_space<hbm>>) dst(%arg10 : memref<128xi32, #tpu.memory_space<vmem>>)
      %dma_wait3A_172 = tpu.memref_slice %arg4[%mul3A_167] : memref<163840xi32, #tpu.memory_space<hbm>> -> memref<128xi32, #tpu.memory_space<hbm>>
      %dma_wait3A_173 = tpu.memref_slice %arg4[%mul3A_167] : memref<163840xi32, #tpu.memory_space<hbm>> -> memref<128xi32, #tpu.memory_space<hbm>>
      tpu.wait_dma2 semaphore(%arg19 : memref<!tpu.dma_semaphore, #tpu.memory_space<semaphore_mem>>) src(%dma_wait3A_173 : memref<128xi32, #tpu.memory_space<hbm>>) dst(%arg11 : memref<128xi32, #tpu.memory_space<vmem>>)
      %add3A_174 = arith.constant 1 : i32
      %add3A_175 = arith.addi %add3A_162, %add3A_174 : i32
      %lt3A_176 = arith.constant 80 : i32
      %lt3A_177 = arith.cmpi slt, %add3A_175, %lt3A_176 : i32
      %convert_element_type3A_178 = arith.extui %lt3A_177 : i1 to i32
      %cond3A_179 = arith.constant 0 : i32
      %cond3A_180 = arith.cmpi ne, %convert_element_type3A_178, %cond3A_179 : i32
      scf.if %cond3A_180 {
        %add3A_264 = arith.constant 1 : i32
        %add3A_265 = arith.addi %add3A_162, %add3A_264 : i32
        %mul3A_266 = arith.constant 16 : i32
        %mul3A_267 = arith.muli %add3A_265, %mul3A_266 : i32
        %add3A_268 = arith.addi %arg1, %mul3A_267 : i32
        %mul3A_269 = arith.constant 128 : i32
        %mul3A_270 = arith.muli %add3A_268, %mul3A_269 : i32
        %dma_start3A_271 = tpu.memref_slice %arg3[%arg0, %mul3A_270] : memref<2x163840xi32, #tpu.memory_space<hbm>> -> memref<1x128xi32, #tpu.memory_space<hbm>>
        %dma_start3A_272 = tpu.memref_squeeze %dma_start3A_271 : memref<1x128xi32, #tpu.memory_space<hbm>> -> memref<128xi32, #tpu.memory_space<hbm>>
        %dma_start3A_273 = tpu.memref_slice %arg3[%arg0, %mul3A_270] : memref<2x163840xi32, #tpu.memory_space<hbm>> -> memref<1x128xi32, #tpu.memory_space<hbm>>
        %dma_start3A_274 = tpu.memref_squeeze %dma_start3A_273 : memref<1x128xi32, #tpu.memory_space<hbm>> -> memref<128xi32, #tpu.memory_space<hbm>>
        tpu.enqueue_dma source(%dma_start3A_274 : memref<128xi32, #tpu.memory_space<hbm>>) target(%arg12 : memref<128xi32, #tpu.memory_space<vmem>>) target_semaphore(%arg20 : memref<!tpu.dma_semaphore, #tpu.memory_space<semaphore_mem>>)
        %dma_start3A_275 = tpu.memref_slice %arg4[%mul3A_270] : memref<163840xi32, #tpu.memory_space<hbm>> -> memref<128xi32, #tpu.memory_space<hbm>>
        %dma_start3A_276 = tpu.memref_slice %arg4[%mul3A_270] : memref<163840xi32, #tpu.memory_space<hbm>> -> memref<128xi32, #tpu.memory_space<hbm>>
        tpu.enqueue_dma source(%dma_start3A_276 : memref<128xi32, #tpu.memory_space<hbm>>) target(%arg13 : memref<128xi32, #tpu.memory_space<vmem>>) target_semaphore(%arg20 : memref<!tpu.dma_semaphore, #tpu.memory_space<semaphore_mem>>)
      } else {
      }
      %ge3A_181 = arith.constant 2 : i32
      %ge3A_182 = arith.cmpi sge, %add3A_162, %ge3A_181 : i32
      %convert_element_type3A_183 = arith.extui %ge3A_182 : i1 to i32
      %cond3A_184 = arith.constant 0 : i32
      %cond3A_185 = arith.cmpi ne, %convert_element_type3A_183, %cond3A_184 : i32
      scf.if %cond3A_185 {
        %sub3A = arith.constant 2 : i32
        %sub3A_264 = arith.subi %add3A_162, %sub3A : i32
        %dma_wait3A_265 = arith.constant 0 : i32
        %dma_wait3A_266 = arith.constant 0 : i32
        %dma_wait3A_267 = tpu.memref_slice %arg7[%dma_wait3A_265, %dma_wait3A_266] : memref<10240x128xf32, #tpu.memory_space<vmem_shared>> -> memref<10240x128xf32, #tpu.memory_space<vmem_shared>>
        tpu.wait_indirect_dma semaphore(%arg25 : memref<!tpu.dma_semaphore, #tpu.memory_space<semaphore_mem>>) src(%arg17 : memref<128x128xf32, #tpu.memory_space<vmem>>) dst(%dma_wait3A_267 : memref<10240x128xf32, #tpu.memory_space<vmem_shared>>)
        %mul3A_268 = arith.constant 16 : i32
        %mul3A_269 = arith.muli %sub3A_264, %mul3A_268 : i32
        %add3A_270 = arith.addi %arg1, %mul3A_269 : i32
        %lt3A_271 = arith.constant 640 : i32
        %lt3A_272 = arith.cmpi slt, %add3A_270, %lt3A_271 : i32
        %eq3A_273 = arith.constant 0 : i32
        %eq3A_274 = arith.cmpi eq, %arg0, %eq3A_273 : i32
        %eq3A_275 = arith.xori %lt3A_272, %eq3A_274 : i1
        %eq3A_276 = arith.constant true
        %eq3A_277 = arith.xori %eq3A_275, %eq3A_276 : i1
        %convert_element_type3A_278 = arith.extui %eq3A_277 : i1 to i32
        %cond3A_279 = arith.constant 0 : i32
        %cond3A_280 = arith.cmpi ne, %convert_element_type3A_278, %cond3A_279 : i32
        scf.if %cond3A_280 {
          %dma_wait3A_281 = arith.constant 0 : i32
          %dma_wait3A_282 = tpu.memref_slice %arg26[%dma_wait3A_281] : memref<10240xf32, #tpu.memory_space<vmem_shared>> -> memref<10240xf32, #tpu.memory_space<vmem_shared>>
          tpu.wait_indirect_dma semaphore(%arg30 : memref<!tpu.dma_semaphore, #tpu.memory_space<semaphore_mem>>) src(%arg28 : memref<128xf32, #tpu.memory_space<vmem>>) dst(%dma_wait3A_282 : memref<10240xf32, #tpu.memory_space<vmem_shared>>)
        } else {
        }
      } else {
      }
      %dma_start3A_186 = arith.constant 0 : i32
      %dma_start3A_187 = arith.constant 0 : i32
      %dma_start3A_188 = tpu.memref_slice %arg2[%dma_start3A_186, %dma_start3A_187] : memref<20000x128xf32, #tpu.memory_space<hbm>> -> memref<20000x128xf32, #tpu.memory_space<hbm>>
      tpu.enqueue_indirect_dma source(%dma_start3A_188 : memref<20000x128xf32, #tpu.memory_space<hbm>>) target(%arg17 : memref<128x128xf32, #tpu.memory_space<vmem>>) offsets(%arg10 : memref<128xi32, #tpu.memory_space<vmem>>) semaphore(%arg23 : memref<!tpu.dma_semaphore, #tpu.memory_space<semaphore_mem>>)
      %ge3A_189 = arith.constant 1 : i32
      %ge3A_190 = arith.cmpi sge, %add3A_162, %ge3A_189 : i32
      %convert_element_type3A_191 = arith.extui %ge3A_190 : i1 to i32
      %cond3A_192 = arith.constant 0 : i32
      %cond3A_193 = arith.cmpi ne, %convert_element_type3A_191, %cond3A_192 : i32
      scf.if %cond3A_193 {
        %dma_wait3A_264 = arith.constant 0 : i32
        %dma_wait3A_265 = arith.constant 0 : i32
        %dma_wait3A_266 = tpu.memref_slice %arg2[%dma_wait3A_264, %dma_wait3A_265] : memref<20000x128xf32, #tpu.memory_space<hbm>> -> memref<20000x128xf32, #tpu.memory_space<hbm>>
        tpu.wait_indirect_dma semaphore(%arg22 : memref<!tpu.dma_semaphore, #tpu.memory_space<semaphore_mem>>) src(%dma_wait3A_266 : memref<20000x128xf32, #tpu.memory_space<hbm>>) dst(%arg16 : memref<128x128xf32, #tpu.memory_space<vmem>>)
        %sub3A = arith.constant 1 : i32
        %sub3A_267 = arith.subi %add3A_162, %sub3A : i32
        %dma_start3A_268 = arith.constant 0 : i32
        %dma_start3A_269 = arith.constant 0 : i32
        %dma_start3A_270 = tpu.memref_slice %arg7[%dma_start3A_268, %dma_start3A_269] : memref<10240x128xf32, #tpu.memory_space<vmem_shared>> -> memref<10240x128xf32, #tpu.memory_space<vmem_shared>>
        tpu.enqueue_indirect_dma source(%arg16 : memref<128x128xf32, #tpu.memory_space<vmem>>) target(%dma_start3A_270 : memref<10240x128xf32, #tpu.memory_space<vmem_shared>>) offsets(%arg9 : memref<128xi32, #tpu.memory_space<vmem>>) semaphore(%arg24 : memref<!tpu.dma_semaphore, #tpu.memory_space<semaphore_mem>>) {add = true}
        %mul3A_271 = arith.constant 16 : i32
        %mul3A_272 = arith.muli %sub3A_267, %mul3A_271 : i32
        %add3A_273 = arith.addi %arg1, %mul3A_272 : i32
        %lt3A_274 = arith.constant 640 : i32
        %lt3A_275 = arith.cmpi slt, %add3A_273, %lt3A_274 : i32
        %eq3A_276 = arith.constant 0 : i32
        %eq3A_277 = arith.cmpi eq, %arg0, %eq3A_276 : i32
        %eq3A_278 = arith.xori %lt3A_275, %eq3A_277 : i1
        %eq3A_279 = arith.constant true
        %eq3A_280 = arith.xori %eq3A_278, %eq3A_279 : i1
        %convert_element_type3A_281 = arith.extui %eq3A_280 : i1 to i32
        %cond3A_282 = arith.constant 0 : i32
        %cond3A_283 = arith.cmpi ne, %convert_element_type3A_281, %cond3A_282 : i32
        scf.if %cond3A_283 {
          %dma_start3A_284 = arith.constant 0 : i32
          %dma_start3A_285 = tpu.memref_slice %arg26[%dma_start3A_284] : memref<10240xf32, #tpu.memory_space<vmem_shared>> -> memref<10240xf32, #tpu.memory_space<vmem_shared>>
          tpu.enqueue_indirect_dma source(%arg28 : memref<128xf32, #tpu.memory_space<vmem>>) target(%dma_start3A_285 : memref<10240xf32, #tpu.memory_space<vmem_shared>>) offsets(%arg9 : memref<128xi32, #tpu.memory_space<vmem>>) semaphore(%arg29 : memref<!tpu.dma_semaphore, #tpu.memory_space<semaphore_mem>>) {add = true}
        } else {
        }
      } else {
      }
      %mul3A_194 = arith.constant 4 : i32
      %mul3A_195 = arith.muli %mul3A_194, %scan3A_124 : i32
      %add3A_196 = arith.constant 2 : i32
      %add3A_197 = arith.addi %mul3A_195, %add3A_196 : i32
      %mul3A_198 = arith.constant 16 : i32
      %mul3A_199 = arith.muli %add3A_197, %mul3A_198 : i32
      %add3A_200 = arith.addi %arg1, %mul3A_199 : i32
      %mul3A_201 = arith.constant 128 : i32
      %mul3A_202 = arith.muli %add3A_200, %mul3A_201 : i32
      %dma_wait3A_203 = tpu.memref_slice %arg3[%arg0, %mul3A_202] : memref<2x163840xi32, #tpu.memory_space<hbm>> -> memref<1x128xi32, #tpu.memory_space<hbm>>
      %dma_wait3A_204 = tpu.memref_squeeze %dma_wait3A_203 : memref<1x128xi32, #tpu.memory_space<hbm>> -> memref<128xi32, #tpu.memory_space<hbm>>
      %dma_wait3A_205 = tpu.memref_slice %arg3[%arg0, %mul3A_202] : memref<2x163840xi32, #tpu.memory_space<hbm>> -> memref<1x128xi32, #tpu.memory_space<hbm>>
      %dma_wait3A_206 = tpu.memref_squeeze %dma_wait3A_205 : memref<1x128xi32, #tpu.memory_space<hbm>> -> memref<128xi32, #tpu.memory_space<hbm>>
      tpu.wait_dma2 semaphore(%arg20 : memref<!tpu.dma_semaphore, #tpu.memory_space<semaphore_mem>>) src(%dma_wait3A_206 : memref<128xi32, #tpu.memory_space<hbm>>) dst(%arg12 : memref<128xi32, #tpu.memory_space<vmem>>)
      %dma_wait3A_207 = tpu.memref_slice %arg4[%mul3A_202] : memref<163840xi32, #tpu.memory_space<hbm>> -> memref<128xi32, #tpu.memory_space<hbm>>
      %dma_wait3A_208 = tpu.memref_slice %arg4[%mul3A_202] : memref<163840xi32, #tpu.memory_space<hbm>> -> memref<128xi32, #tpu.memory_space<hbm>>
      tpu.wait_dma2 semaphore(%arg20 : memref<!tpu.dma_semaphore, #tpu.memory_space<semaphore_mem>>) src(%dma_wait3A_208 : memref<128xi32, #tpu.memory_space<hbm>>) dst(%arg13 : memref<128xi32, #tpu.memory_space<vmem>>)
      %add3A_209 = arith.constant 1 : i32
      %add3A_210 = arith.addi %add3A_197, %add3A_209 : i32
      %lt3A_211 = arith.constant 80 : i32
      %lt3A_212 = arith.cmpi slt, %add3A_210, %lt3A_211 : i32
      %convert_element_type3A_213 = arith.extui %lt3A_212 : i1 to i32
      %cond3A_214 = arith.constant 0 : i32
      %cond3A_215 = arith.cmpi ne, %convert_element_type3A_213, %cond3A_214 : i32
      scf.if %cond3A_215 {
        %add3A_264 = arith.constant 1 : i32
        %add3A_265 = arith.addi %add3A_197, %add3A_264 : i32
        %mul3A_266 = arith.constant 16 : i32
        %mul3A_267 = arith.muli %add3A_265, %mul3A_266 : i32
        %add3A_268 = arith.addi %arg1, %mul3A_267 : i32
        %mul3A_269 = arith.constant 128 : i32
        %mul3A_270 = arith.muli %add3A_268, %mul3A_269 : i32
        %dma_start3A_271 = tpu.memref_slice %arg3[%arg0, %mul3A_270] : memref<2x163840xi32, #tpu.memory_space<hbm>> -> memref<1x128xi32, #tpu.memory_space<hbm>>
        %dma_start3A_272 = tpu.memref_squeeze %dma_start3A_271 : memref<1x128xi32, #tpu.memory_space<hbm>> -> memref<128xi32, #tpu.memory_space<hbm>>
        %dma_start3A_273 = tpu.memref_slice %arg3[%arg0, %mul3A_270] : memref<2x163840xi32, #tpu.memory_space<hbm>> -> memref<1x128xi32, #tpu.memory_space<hbm>>
        %dma_start3A_274 = tpu.memref_squeeze %dma_start3A_273 : memref<1x128xi32, #tpu.memory_space<hbm>> -> memref<128xi32, #tpu.memory_space<hbm>>
        tpu.enqueue_dma source(%dma_start3A_274 : memref<128xi32, #tpu.memory_space<hbm>>) target(%arg14 : memref<128xi32, #tpu.memory_space<vmem>>) target_semaphore(%arg21 : memref<!tpu.dma_semaphore, #tpu.memory_space<semaphore_mem>>)
        %dma_start3A_275 = tpu.memref_slice %arg4[%mul3A_270] : memref<163840xi32, #tpu.memory_space<hbm>> -> memref<128xi32, #tpu.memory_space<hbm>>
        %dma_start3A_276 = tpu.memref_slice %arg4[%mul3A_270] : memref<163840xi32, #tpu.memory_space<hbm>> -> memref<128xi32, #tpu.memory_space<hbm>>
        tpu.enqueue_dma source(%dma_start3A_276 : memref<128xi32, #tpu.memory_space<hbm>>) target(%arg15 : memref<128xi32, #tpu.memory_space<vmem>>) target_semaphore(%arg21 : memref<!tpu.dma_semaphore, #tpu.memory_space<semaphore_mem>>)
      } else {
      }
      %ge3A_216 = arith.constant 2 : i32
      %ge3A_217 = arith.cmpi sge, %add3A_197, %ge3A_216 : i32
      %convert_element_type3A_218 = arith.extui %ge3A_217 : i1 to i32
      %cond3A_219 = arith.constant 0 : i32
      %cond3A_220 = arith.cmpi ne, %convert_element_type3A_218, %cond3A_219 : i32
      scf.if %cond3A_220 {
        %sub3A = arith.constant 2 : i32
        %sub3A_264 = arith.subi %add3A_197, %sub3A : i32
        %dma_wait3A_265 = arith.constant 0 : i32
        %dma_wait3A_266 = arith.constant 0 : i32
        %dma_wait3A_267 = tpu.memref_slice %arg7[%dma_wait3A_265, %dma_wait3A_266] : memref<10240x128xf32, #tpu.memory_space<vmem_shared>> -> memref<10240x128xf32, #tpu.memory_space<vmem_shared>>
        tpu.wait_indirect_dma semaphore(%arg24 : memref<!tpu.dma_semaphore, #tpu.memory_space<semaphore_mem>>) src(%arg16 : memref<128x128xf32, #tpu.memory_space<vmem>>) dst(%dma_wait3A_267 : memref<10240x128xf32, #tpu.memory_space<vmem_shared>>)
        %mul3A_268 = arith.constant 16 : i32
        %mul3A_269 = arith.muli %sub3A_264, %mul3A_268 : i32
        %add3A_270 = arith.addi %arg1, %mul3A_269 : i32
        %lt3A_271 = arith.constant 640 : i32
        %lt3A_272 = arith.cmpi slt, %add3A_270, %lt3A_271 : i32
        %eq3A_273 = arith.constant 0 : i32
        %eq3A_274 = arith.cmpi eq, %arg0, %eq3A_273 : i32
        %eq3A_275 = arith.xori %lt3A_272, %eq3A_274 : i1
        %eq3A_276 = arith.constant true
        %eq3A_277 = arith.xori %eq3A_275, %eq3A_276 : i1
        %convert_element_type3A_278 = arith.extui %eq3A_277 : i1 to i32
        %cond3A_279 = arith.constant 0 : i32
        %cond3A_280 = arith.cmpi ne, %convert_element_type3A_278, %cond3A_279 : i32
        scf.if %cond3A_280 {
          %dma_wait3A_281 = arith.constant 0 : i32
          %dma_wait3A_282 = tpu.memref_slice %arg26[%dma_wait3A_281] : memref<10240xf32, #tpu.memory_space<vmem_shared>> -> memref<10240xf32, #tpu.memory_space<vmem_shared>>
          tpu.wait_indirect_dma semaphore(%arg29 : memref<!tpu.dma_semaphore, #tpu.memory_space<semaphore_mem>>) src(%arg28 : memref<128xf32, #tpu.memory_space<vmem>>) dst(%dma_wait3A_282 : memref<10240xf32, #tpu.memory_space<vmem_shared>>)
        } else {
        }
      } else {
      }
      %dma_start3A_221 = arith.constant 0 : i32
      %dma_start3A_222 = arith.constant 0 : i32
      %dma_start3A_223 = tpu.memref_slice %arg2[%dma_start3A_221, %dma_start3A_222] : memref<20000x128xf32, #tpu.memory_space<hbm>> -> memref<20000x128xf32, #tpu.memory_space<hbm>>
      tpu.enqueue_indirect_dma source(%dma_start3A_223 : memref<20000x128xf32, #tpu.memory_space<hbm>>) target(%arg16 : memref<128x128xf32, #tpu.memory_space<vmem>>) offsets(%arg12 : memref<128xi32, #tpu.memory_space<vmem>>) semaphore(%arg22 : memref<!tpu.dma_semaphore, #tpu.memory_space<semaphore_mem>>)
      %ge3A_224 = arith.constant 1 : i32
      %ge3A_225 = arith.cmpi sge, %add3A_197, %ge3A_224 : i32
      %convert_element_type3A_226 = arith.extui %ge3A_225 : i1 to i32
      %cond3A_227 = arith.constant 0 : i32
      %cond3A_228 = arith.cmpi ne, %convert_element_type3A_226, %cond3A_227 : i32
      scf.if %cond3A_228 {
        %dma_wait3A_264 = arith.constant 0 : i32
        %dma_wait3A_265 = arith.constant 0 : i32
        %dma_wait3A_266 = tpu.memref_slice %arg2[%dma_wait3A_264, %dma_wait3A_265] : memref<20000x128xf32, #tpu.memory_space<hbm>> -> memref<20000x128xf32, #tpu.memory_space<hbm>>
        tpu.wait_indirect_dma semaphore(%arg23 : memref<!tpu.dma_semaphore, #tpu.memory_space<semaphore_mem>>) src(%dma_wait3A_266 : memref<20000x128xf32, #tpu.memory_space<hbm>>) dst(%arg17 : memref<128x128xf32, #tpu.memory_space<vmem>>)
        %sub3A = arith.constant 1 : i32
        %sub3A_267 = arith.subi %add3A_197, %sub3A : i32
        %dma_start3A_268 = arith.constant 0 : i32
        %dma_start3A_269 = arith.constant 0 : i32
        %dma_start3A_270 = tpu.memref_slice %arg7[%dma_start3A_268, %dma_start3A_269] : memref<10240x128xf32, #tpu.memory_space<vmem_shared>> -> memref<10240x128xf32, #tpu.memory_space<vmem_shared>>
        tpu.enqueue_indirect_dma source(%arg17 : memref<128x128xf32, #tpu.memory_space<vmem>>) target(%dma_start3A_270 : memref<10240x128xf32, #tpu.memory_space<vmem_shared>>) offsets(%arg11 : memref<128xi32, #tpu.memory_space<vmem>>) semaphore(%arg25 : memref<!tpu.dma_semaphore, #tpu.memory_space<semaphore_mem>>) {add = true}
        %mul3A_271 = arith.constant 16 : i32
        %mul3A_272 = arith.muli %sub3A_267, %mul3A_271 : i32
        %add3A_273 = arith.addi %arg1, %mul3A_272 : i32
        %lt3A_274 = arith.constant 640 : i32
        %lt3A_275 = arith.cmpi slt, %add3A_273, %lt3A_274 : i32
        %eq3A_276 = arith.constant 0 : i32
        %eq3A_277 = arith.cmpi eq, %arg0, %eq3A_276 : i32
        %eq3A_278 = arith.xori %lt3A_275, %eq3A_277 : i1
        %eq3A_279 = arith.constant true
        %eq3A_280 = arith.xori %eq3A_278, %eq3A_279 : i1
        %convert_element_type3A_281 = arith.extui %eq3A_280 : i1 to i32
        %cond3A_282 = arith.constant 0 : i32
        %cond3A_283 = arith.cmpi ne, %convert_element_type3A_281, %cond3A_282 : i32
        scf.if %cond3A_283 {
          %dma_start3A_284 = arith.constant 0 : i32
          %dma_start3A_285 = tpu.memref_slice %arg26[%dma_start3A_284] : memref<10240xf32, #tpu.memory_space<vmem_shared>> -> memref<10240xf32, #tpu.memory_space<vmem_shared>>
          tpu.enqueue_indirect_dma source(%arg28 : memref<128xf32, #tpu.memory_space<vmem>>) target(%dma_start3A_285 : memref<10240xf32, #tpu.memory_space<vmem_shared>>) offsets(%arg11 : memref<128xi32, #tpu.memory_space<vmem>>) semaphore(%arg30 : memref<!tpu.dma_semaphore, #tpu.memory_space<semaphore_mem>>) {add = true}
        } else {
        }
      } else {
      }
      %mul3A_229 = arith.constant 4 : i32
      %mul3A_230 = arith.muli %mul3A_229, %scan3A_124 : i32
      %add3A_231 = arith.constant 3 : i32
      %add3A_232 = arith.addi %mul3A_230, %add3A_231 : i32
      %mul3A_233 = arith.constant 16 : i32
      %mul3A_234 = arith.muli %add3A_232, %mul3A_233 : i32
      %add3A_235 = arith.addi %arg1, %mul3A_234 : i32
      %mul3A_236 = arith.constant 128 : i32
      %mul3A_237 = arith.muli %add3A_235, %mul3A_236 : i32
      %dma_wait3A_238 = tpu.memref_slice %arg3[%arg0, %mul3A_237] : memref<2x163840xi32, #tpu.memory_space<hbm>> -> memref<1x128xi32, #tpu.memory_space<hbm>>
      %dma_wait3A_239 = tpu.memref_squeeze %dma_wait3A_238 : memref<1x128xi32, #tpu.memory_space<hbm>> -> memref<128xi32, #tpu.memory_space<hbm>>
      %dma_wait3A_240 = tpu.memref_slice %arg3[%arg0, %mul3A_237] : memref<2x163840xi32, #tpu.memory_space<hbm>> -> memref<1x128xi32, #tpu.memory_space<hbm>>
      %dma_wait3A_241 = tpu.memref_squeeze %dma_wait3A_240 : memref<1x128xi32, #tpu.memory_space<hbm>> -> memref<128xi32, #tpu.memory_space<hbm>>
      tpu.wait_dma2 semaphore(%arg21 : memref<!tpu.dma_semaphore, #tpu.memory_space<semaphore_mem>>) src(%dma_wait3A_241 : memref<128xi32, #tpu.memory_space<hbm>>) dst(%arg14 : memref<128xi32, #tpu.memory_space<vmem>>)
      %dma_wait3A_242 = tpu.memref_slice %arg4[%mul3A_237] : memref<163840xi32, #tpu.memory_space<hbm>> -> memref<128xi32, #tpu.memory_space<hbm>>
      %dma_wait3A_243 = tpu.memref_slice %arg4[%mul3A_237] : memref<163840xi32, #tpu.memory_space<hbm>> -> memref<128xi32, #tpu.memory_space<hbm>>
      tpu.wait_dma2 semaphore(%arg21 : memref<!tpu.dma_semaphore, #tpu.memory_space<semaphore_mem>>) src(%dma_wait3A_243 : memref<128xi32, #tpu.memory_space<hbm>>) dst(%arg15 : memref<128xi32, #tpu.memory_space<vmem>>)
      %add3A_244 = arith.constant 1 : i32
      %add3A_245 = arith.addi %add3A_232, %add3A_244 : i32
      %lt3A_246 = arith.constant 80 : i32
      %lt3A_247 = arith.cmpi slt, %add3A_245, %lt3A_246 : i32
      %convert_element_type3A_248 = arith.extui %lt3A_247 : i1 to i32
      %cond3A_249 = arith.constant 0 : i32
      %cond3A_250 = arith.cmpi ne, %convert_element_type3A_248, %cond3A_249 : i32
      scf.if %cond3A_250 {
        %add3A_264 = arith.constant 1 : i32
        %add3A_265 = arith.addi %add3A_232, %add3A_264 : i32
        %mul3A_266 = arith.constant 16 : i32
        %mul3A_267 = arith.muli %add3A_265, %mul3A_266 : i32
        %add3A_268 = arith.addi %arg1, %mul3A_267 : i32
        %mul3A_269 = arith.constant 128 : i32
        %mul3A_270 = arith.muli %add3A_268, %mul3A_269 : i32
        %dma_start3A_271 = tpu.memref_slice %arg3[%arg0, %mul3A_270] : memref<2x163840xi32, #tpu.memory_space<hbm>> -> memref<1x128xi32, #tpu.memory_space<hbm>>
        %dma_start3A_272 = tpu.memref_squeeze %dma_start3A_271 : memref<1x128xi32, #tpu.memory_space<hbm>> -> memref<128xi32, #tpu.memory_space<hbm>>
        %dma_start3A_273 = tpu.memref_slice %arg3[%arg0, %mul3A_270] : memref<2x163840xi32, #tpu.memory_space<hbm>> -> memref<1x128xi32, #tpu.memory_space<hbm>>
        %dma_start3A_274 = tpu.memref_squeeze %dma_start3A_273 : memref<1x128xi32, #tpu.memory_space<hbm>> -> memref<128xi32, #tpu.memory_space<hbm>>
        tpu.enqueue_dma source(%dma_start3A_274 : memref<128xi32, #tpu.memory_space<hbm>>) target(%arg8 : memref<128xi32, #tpu.memory_space<vmem>>) target_semaphore(%arg18 : memref<!tpu.dma_semaphore, #tpu.memory_space<semaphore_mem>>)
        %dma_start3A_275 = tpu.memref_slice %arg4[%mul3A_270] : memref<163840xi32, #tpu.memory_space<hbm>> -> memref<128xi32, #tpu.memory_space<hbm>>
        %dma_start3A_276 = tpu.memref_slice %arg4[%mul3A_270] : memref<163840xi32, #tpu.memory_space<hbm>> -> memref<128xi32, #tpu.memory_space<hbm>>
        tpu.enqueue_dma source(%dma_start3A_276 : memref<128xi32, #tpu.memory_space<hbm>>) target(%arg9 : memref<128xi32, #tpu.memory_space<vmem>>) target_semaphore(%arg18 : memref<!tpu.dma_semaphore, #tpu.memory_space<semaphore_mem>>)
      } else {
      }
      %ge3A_251 = arith.constant 2 : i32
      %ge3A_252 = arith.cmpi sge, %add3A_232, %ge3A_251 : i32
      %convert_element_type3A_253 = arith.extui %ge3A_252 : i1 to i32
      %cond3A_254 = arith.constant 0 : i32
      %cond3A_255 = arith.cmpi ne, %convert_element_type3A_253, %cond3A_254 : i32
      scf.if %cond3A_255 {
        %sub3A = arith.constant 2 : i32
        %sub3A_264 = arith.subi %add3A_232, %sub3A : i32
        %dma_wait3A_265 = arith.constant 0 : i32
        %dma_wait3A_266 = arith.constant 0 : i32
        %dma_wait3A_267 = tpu.memref_slice %arg7[%dma_wait3A_265, %dma_wait3A_266] : memref<10240x128xf32, #tpu.memory_space<vmem_shared>> -> memref<10240x128xf32, #tpu.memory_space<vmem_shared>>
        tpu.wait_indirect_dma semaphore(%arg25 : memref<!tpu.dma_semaphore, #tpu.memory_space<semaphore_mem>>) src(%arg17 : memref<128x128xf32, #tpu.memory_space<vmem>>) dst(%dma_wait3A_267 : memref<10240x128xf32, #tpu.memory_space<vmem_shared>>)
        %mul3A_268 = arith.constant 16 : i32
        %mul3A_269 = arith.muli %sub3A_264, %mul3A_268 : i32
        %add3A_270 = arith.addi %arg1, %mul3A_269 : i32
        %lt3A_271 = arith.constant 640 : i32
        %lt3A_272 = arith.cmpi slt, %add3A_270, %lt3A_271 : i32
        %eq3A_273 = arith.constant 0 : i32
        %eq3A_274 = arith.cmpi eq, %arg0, %eq3A_273 : i32
        %eq3A_275 = arith.xori %lt3A_272, %eq3A_274 : i1
        %eq3A_276 = arith.constant true
        %eq3A_277 = arith.xori %eq3A_275, %eq3A_276 : i1
        %convert_element_type3A_278 = arith.extui %eq3A_277 : i1 to i32
        %cond3A_279 = arith.constant 0 : i32
        %cond3A_280 = arith.cmpi ne, %convert_element_type3A_278, %cond3A_279 : i32
        scf.if %cond3A_280 {
          %dma_wait3A_281 = arith.constant 0 : i32
          %dma_wait3A_282 = tpu.memref_slice %arg26[%dma_wait3A_281] : memref<10240xf32, #tpu.memory_space<vmem_shared>> -> memref<10240xf32, #tpu.memory_space<vmem_shared>>
          tpu.wait_indirect_dma semaphore(%arg30 : memref<!tpu.dma_semaphore, #tpu.memory_space<semaphore_mem>>) src(%arg28 : memref<128xf32, #tpu.memory_space<vmem>>) dst(%dma_wait3A_282 : memref<10240xf32, #tpu.memory_space<vmem_shared>>)
        } else {
        }
      } else {
      }
      %dma_start3A_256 = arith.constant 0 : i32
      %dma_start3A_257 = arith.constant 0 : i32
      %dma_start3A_258 = tpu.memref_slice %arg2[%dma_start3A_256, %dma_start3A_257] : memref<20000x128xf32, #tpu.memory_space<hbm>> -> memref<20000x128xf32, #tpu.memory_space<hbm>>
      tpu.enqueue_indirect_dma source(%dma_start3A_258 : memref<20000x128xf32, #tpu.memory_space<hbm>>) target(%arg17 : memref<128x128xf32, #tpu.memory_space<vmem>>) offsets(%arg14 : memref<128xi32, #tpu.memory_space<vmem>>) semaphore(%arg23 : memref<!tpu.dma_semaphore, #tpu.memory_space<semaphore_mem>>)
      %ge3A_259 = arith.constant 1 : i32
      %ge3A_260 = arith.cmpi sge, %add3A_232, %ge3A_259 : i32
      %convert_element_type3A_261 = arith.extui %ge3A_260 : i1 to i32
      %cond3A_262 = arith.constant 0 : i32
      %cond3A_263 = arith.cmpi ne, %convert_element_type3A_261, %cond3A_262 : i32
      scf.if %cond3A_263 {
        %dma_wait3A_264 = arith.constant 0 : i32
        %dma_wait3A_265 = arith.constant 0 : i32
        %dma_wait3A_266 = tpu.memref_slice %arg2[%dma_wait3A_264, %dma_wait3A_265] : memref<20000x128xf32, #tpu.memory_space<hbm>> -> memref<20000x128xf32, #tpu.memory_space<hbm>>
        tpu.wait_indirect_dma semaphore(%arg22 : memref<!tpu.dma_semaphore, #tpu.memory_space<semaphore_mem>>) src(%dma_wait3A_266 : memref<20000x128xf32, #tpu.memory_space<hbm>>) dst(%arg16 : memref<128x128xf32, #tpu.memory_space<vmem>>)
        %sub3A = arith.constant 1 : i32
        %sub3A_267 = arith.subi %add3A_232, %sub3A : i32
        %dma_start3A_268 = arith.constant 0 : i32
        %dma_start3A_269 = arith.constant 0 : i32
        %dma_start3A_270 = tpu.memref_slice %arg7[%dma_start3A_268, %dma_start3A_269] : memref<10240x128xf32, #tpu.memory_space<vmem_shared>> -> memref<10240x128xf32, #tpu.memory_space<vmem_shared>>
        tpu.enqueue_indirect_dma source(%arg16 : memref<128x128xf32, #tpu.memory_space<vmem>>) target(%dma_start3A_270 : memref<10240x128xf32, #tpu.memory_space<vmem_shared>>) offsets(%arg13 : memref<128xi32, #tpu.memory_space<vmem>>) semaphore(%arg24 : memref<!tpu.dma_semaphore, #tpu.memory_space<semaphore_mem>>) {add = true}
        %mul3A_271 = arith.constant 16 : i32
        %mul3A_272 = arith.muli %sub3A_267, %mul3A_271 : i32
        %add3A_273 = arith.addi %arg1, %mul3A_272 : i32
        %lt3A_274 = arith.constant 640 : i32
        %lt3A_275 = arith.cmpi slt, %add3A_273, %lt3A_274 : i32
        %eq3A_276 = arith.constant 0 : i32
        %eq3A_277 = arith.cmpi eq, %arg0, %eq3A_276 : i32
        %eq3A_278 = arith.xori %lt3A_275, %eq3A_277 : i1
        %eq3A_279 = arith.constant true
        %eq3A_280 = arith.xori %eq3A_278, %eq3A_279 : i1
        %convert_element_type3A_281 = arith.extui %eq3A_280 : i1 to i32
        %cond3A_282 = arith.constant 0 : i32
        %cond3A_283 = arith.cmpi ne, %convert_element_type3A_281, %cond3A_282 : i32
        scf.if %cond3A_283 {
          %dma_start3A_284 = arith.constant 0 : i32
          %dma_start3A_285 = tpu.memref_slice %arg26[%dma_start3A_284] : memref<10240xf32, #tpu.memory_space<vmem_shared>> -> memref<10240xf32, #tpu.memory_space<vmem_shared>>
          tpu.enqueue_indirect_dma source(%arg28 : memref<128xf32, #tpu.memory_space<vmem>>) target(%dma_start3A_285 : memref<10240xf32, #tpu.memory_space<vmem_shared>>) offsets(%arg13 : memref<128xi32, #tpu.memory_space<vmem>>) semaphore(%arg29 : memref<!tpu.dma_semaphore, #tpu.memory_space<semaphore_mem>>) {add = true}
        } else {
        }
      } else {
      }
    }
    %scan3A_69 = arith.constant 20 : i32
    %dma_wait3A = arith.constant 0 : i32
    %dma_wait3A_70 = arith.constant 0 : i32
    %dma_wait3A_71 = tpu.memref_slice %arg2[%dma_wait3A, %dma_wait3A_70] : memref<20000x128xf32, #tpu.memory_space<hbm>> -> memref<20000x128xf32, #tpu.memory_space<hbm>>
    tpu.wait_indirect_dma semaphore(%arg23 : memref<!tpu.dma_semaphore, #tpu.memory_space<semaphore_mem>>) src(%dma_wait3A_71 : memref<20000x128xf32, #tpu.memory_space<hbm>>) dst(%arg17 : memref<128x128xf32, #tpu.memory_space<vmem>>)
    %dma_start3A_72 = arith.constant 0 : i32
    %dma_start3A_73 = arith.constant 0 : i32
    %dma_start3A_74 = tpu.memref_slice %arg7[%dma_start3A_72, %dma_start3A_73] : memref<10240x128xf32, #tpu.memory_space<vmem_shared>> -> memref<10240x128xf32, #tpu.memory_space<vmem_shared>>
    tpu.enqueue_indirect_dma source(%arg17 : memref<128x128xf32, #tpu.memory_space<vmem>>) target(%dma_start3A_74 : memref<10240x128xf32, #tpu.memory_space<vmem_shared>>) offsets(%arg15 : memref<128xi32, #tpu.memory_space<vmem>>) semaphore(%arg25 : memref<!tpu.dma_semaphore, #tpu.memory_space<semaphore_mem>>) {add = true}
    %add3A_75 = arith.constant 1264 : i32
    %add3A_76 = arith.addi %arg1, %add3A_75 : i32
    %lt3A = arith.constant 640 : i32
    %lt3A_77 = arith.cmpi slt, %add3A_76, %lt3A : i32
    %eq3A = arith.constant 0 : i32
    %eq3A_78 = arith.cmpi eq, %arg0, %eq3A : i32
    %eq3A_79 = arith.xori %lt3A_77, %eq3A_78 : i1
    %eq3A_80 = arith.constant true
    %eq3A_81 = arith.xori %eq3A_79, %eq3A_80 : i1
    %convert_element_type3A = arith.extui %eq3A_81 : i1 to i32
    %cond3A = arith.constant 0 : i32
    %cond3A_82 = arith.cmpi ne, %convert_element_type3A, %cond3A : i32
    scf.if %cond3A_82 {
      %dma_start3A_124 = arith.constant 0 : i32
      %dma_start3A_125 = tpu.memref_slice %arg26[%dma_start3A_124] : memref<10240xf32, #tpu.memory_space<vmem_shared>> -> memref<10240xf32, #tpu.memory_space<vmem_shared>>
      tpu.enqueue_indirect_dma source(%arg28 : memref<128xf32, #tpu.memory_space<vmem>>) target(%dma_start3A_125 : memref<10240xf32, #tpu.memory_space<vmem_shared>>) offsets(%arg15 : memref<128xi32, #tpu.memory_space<vmem>>) semaphore(%arg30 : memref<!tpu.dma_semaphore, #tpu.memory_space<semaphore_mem>>) {add = true}
    } else {
    }
    %dma_wait3A_83 = arith.constant 0 : i32
    %dma_wait3A_84 = arith.constant 0 : i32
    %dma_wait3A_85 = tpu.memref_slice %arg7[%dma_wait3A_83, %dma_wait3A_84] : memref<10240x128xf32, #tpu.memory_space<vmem_shared>> -> memref<10240x128xf32, #tpu.memory_space<vmem_shared>>
    tpu.wait_indirect_dma semaphore(%arg24 : memref<!tpu.dma_semaphore, #tpu.memory_space<semaphore_mem>>) src(%arg16 : memref<128x128xf32, #tpu.memory_space<vmem>>) dst(%dma_wait3A_85 : memref<10240x128xf32, #tpu.memory_space<vmem_shared>>)
    %add3A_86 = arith.constant 1248 : i32
    %add3A_87 = arith.addi %arg1, %add3A_86 : i32
    %lt3A_88 = arith.constant 640 : i32
    %lt3A_89 = arith.cmpi slt, %add3A_87, %lt3A_88 : i32
    %eq3A_90 = arith.constant 0 : i32
    %eq3A_91 = arith.cmpi eq, %arg0, %eq3A_90 : i32
    %eq3A_92 = arith.xori %lt3A_89, %eq3A_91 : i1
    %eq3A_93 = arith.constant true
    %eq3A_94 = arith.xori %eq3A_92, %eq3A_93 : i1
    %convert_element_type3A_95 = arith.extui %eq3A_94 : i1 to i32
    %cond3A_96 = arith.constant 0 : i32
    %cond3A_97 = arith.cmpi ne, %convert_element_type3A_95, %cond3A_96 : i32
    scf.if %cond3A_97 {
      %dma_wait3A_124 = arith.constant 0 : i32
      %dma_wait3A_125 = tpu.memref_slice %arg26[%dma_wait3A_124] : memref<10240xf32, #tpu.memory_space<vmem_shared>> -> memref<10240xf32, #tpu.memory_space<vmem_shared>>
      tpu.wait_indirect_dma semaphore(%arg29 : memref<!tpu.dma_semaphore, #tpu.memory_space<semaphore_mem>>) src(%arg28 : memref<128xf32, #tpu.memory_space<vmem>>) dst(%dma_wait3A_125 : memref<10240xf32, #tpu.memory_space<vmem_shared>>)
    } else {
    }
    %dma_wait3A_98 = arith.constant 0 : i32
    %dma_wait3A_99 = arith.constant 0 : i32
    %dma_wait3A_100 = tpu.memref_slice %arg7[%dma_wait3A_98, %dma_wait3A_99] : memref<10240x128xf32, #tpu.memory_space<vmem_shared>> -> memref<10240x128xf32, #tpu.memory_space<vmem_shared>>
    tpu.wait_indirect_dma semaphore(%arg25 : memref<!tpu.dma_semaphore, #tpu.memory_space<semaphore_mem>>) src(%arg17 : memref<128x128xf32, #tpu.memory_space<vmem>>) dst(%dma_wait3A_100 : memref<10240x128xf32, #tpu.memory_space<vmem_shared>>)
    %add3A_101 = arith.constant 1264 : i32
    %add3A_102 = arith.addi %arg1, %add3A_101 : i32
    %lt3A_103 = arith.constant 640 : i32
    %lt3A_104 = arith.cmpi slt, %add3A_102, %lt3A_103 : i32
    %eq3A_105 = arith.constant 0 : i32
    %eq3A_106 = arith.cmpi eq, %arg0, %eq3A_105 : i32
    %eq3A_107 = arith.xori %lt3A_104, %eq3A_106 : i1
    %eq3A_108 = arith.constant true
    %eq3A_109 = arith.xori %eq3A_107, %eq3A_108 : i1
    %convert_element_type3A_110 = arith.extui %eq3A_109 : i1 to i32
    %cond3A_111 = arith.constant 0 : i32
    %cond3A_112 = arith.cmpi ne, %convert_element_type3A_110, %cond3A_111 : i32
    scf.if %cond3A_112 {
      %dma_wait3A_124 = arith.constant 0 : i32
      %dma_wait3A_125 = tpu.memref_slice %arg26[%dma_wait3A_124] : memref<10240xf32, #tpu.memory_space<vmem_shared>> -> memref<10240xf32, #tpu.memory_space<vmem_shared>>
      tpu.wait_indirect_dma semaphore(%arg30 : memref<!tpu.dma_semaphore, #tpu.memory_space<semaphore_mem>>) src(%arg28 : memref<128xf32, #tpu.memory_space<vmem>>) dst(%dma_wait3A_125 : memref<10240xf32, #tpu.memory_space<vmem_shared>>)
    } else {
    }
    %barrier3A_113 = arith.constant 0 : index
    tpu.barrier barrier_id(%barrier3A_113)
    %add3A_114 = arith.constant 0 : i32
    %add3A_115 = arith.addi %mul3A_6, %add3A_114 : i32
    "tpu.region"() ({
      %run_scoped3A = tpu.sem_alloc : memref<!tpu.dma_semaphore, #tpu.memory_space<semaphore_mem>>
      %dma_start3A_124 = arith.constant 0 : i32
      %dma_start3A_125 = tpu.memref_slice %arg7[%add3A_115, %dma_start3A_124] : memref<10240x128xf32, #tpu.memory_space<vmem_shared>> -> memref<128x128xf32, #tpu.memory_space<vmem_shared>>
      %dma_start3A_126 = arith.constant 0 : i32
      %dma_start3A_127 = tpu.memref_slice %arg7[%add3A_115, %dma_start3A_126] : memref<10240x128xf32, #tpu.memory_space<vmem_shared>> -> memref<128x128xf32, #tpu.memory_space<vmem_shared>>
      tpu.enqueue_dma source(%dma_start3A_127 : memref<128x128xf32, #tpu.memory_space<vmem_shared>>) target(%arg16 : memref<128x128xf32, #tpu.memory_space<vmem>>) target_semaphore(%run_scoped3A : memref<!tpu.dma_semaphore, #tpu.memory_space<semaphore_mem>>)
      %dma_wait3A_128 = arith.constant 0 : i32
      %dma_wait3A_129 = tpu.memref_slice %arg7[%add3A_115, %dma_wait3A_128] : memref<10240x128xf32, #tpu.memory_space<vmem_shared>> -> memref<128x128xf32, #tpu.memory_space<vmem_shared>>
      %dma_wait3A_130 = arith.constant 0 : i32
      %dma_wait3A_131 = tpu.memref_slice %arg7[%add3A_115, %dma_wait3A_130] : memref<10240x128xf32, #tpu.memory_space<vmem_shared>> -> memref<128x128xf32, #tpu.memory_space<vmem_shared>>
      tpu.wait_dma2 semaphore(%run_scoped3A : memref<!tpu.dma_semaphore, #tpu.memory_space<semaphore_mem>>) src(%dma_wait3A_131 : memref<128x128xf32, #tpu.memory_space<vmem_shared>>) dst(%arg16 : memref<128x128xf32, #tpu.memory_space<vmem>>)
      tpu.yield
    }) : () -> ()
    "tpu.region"() ({
      %run_scoped3A = tpu.sem_alloc : memref<!tpu.dma_semaphore, #tpu.memory_space<semaphore_mem>>
      %dma_start3A_124 = arith.constant 0 : i32
      %dma_start3A_125 = tpu.memref_slice %arg5[%arg0, %add3A_115, %dma_start3A_124] : memref<2x10240x128xf32, #tpu.memory_space<hbm>> -> memref<1x128x128xf32, #tpu.memory_space<hbm>>
      %dma_start3A_126 = tpu.memref_squeeze %dma_start3A_125 : memref<1x128x128xf32, #tpu.memory_space<hbm>> -> memref<128x128xf32, #tpu.memory_space<hbm>>
      %dma_start3A_127 = arith.constant 0 : i32
      %dma_start3A_128 = tpu.memref_slice %arg5[%arg0, %add3A_115, %dma_start3A_127] : memref<2x10240x128xf32, #tpu.memory_space<hbm>> -> memref<1x128x128xf32, #tpu.memory_space<hbm>>
      %dma_start3A_129 = tpu.memref_squeeze %dma_start3A_128 : memref<1x128x128xf32, #tpu.memory_space<hbm>> -> memref<128x128xf32, #tpu.memory_space<hbm>>
      tpu.enqueue_dma source(%arg16 : memref<128x128xf32, #tpu.memory_space<vmem>>) target(%dma_start3A_129 : memref<128x128xf32, #tpu.memory_space<hbm>>) target_semaphore(%run_scoped3A : memref<!tpu.dma_semaphore, #tpu.memory_space<semaphore_mem>>)
      %dma_wait3A_130 = arith.constant 0 : i32
      %dma_wait3A_131 = tpu.memref_slice %arg5[%arg0, %add3A_115, %dma_wait3A_130] : memref<2x10240x128xf32, #tpu.memory_space<hbm>> -> memref<1x128x128xf32, #tpu.memory_space<hbm>>
      %dma_wait3A_132 = tpu.memref_squeeze %dma_wait3A_131 : memref<1x128x128xf32, #tpu.memory_space<hbm>> -> memref<128x128xf32, #tpu.memory_space<hbm>>
      %dma_wait3A_133 = arith.constant 0 : i32
      %dma_wait3A_134 = tpu.memref_slice %arg5[%arg0, %add3A_115, %dma_wait3A_133] : memref<2x10240x128xf32, #tpu.memory_space<hbm>> -> memref<1x128x128xf32, #tpu.memory_space<hbm>>
      %dma_wait3A_135 = tpu.memref_squeeze %dma_wait3A_134 : memref<1x128x128xf32, #tpu.memory_space<hbm>> -> memref<128x128xf32, #tpu.memory_space<hbm>>
      tpu.wait_dma2 semaphore(%run_scoped3A : memref<!tpu.dma_semaphore, #tpu.memory_space<semaphore_mem>>) src(%arg16 : memref<128x128xf32, #tpu.memory_space<vmem>>) dst(%dma_wait3A_135 : memref<128x128xf32, #tpu.memory_space<hbm>>)
      tpu.yield
    }) : () -> ()
    %add3A_116 = arith.constant 128 : i32
    %add3A_117 = arith.addi %mul3A_6, %add3A_116 : i32
    "tpu.region"() ({
      %run_scoped3A = tpu.sem_alloc : memref<!tpu.dma_semaphore, #tpu.memory_space<semaphore_mem>>
      %dma_start3A_124 = arith.constant 0 : i32
      %dma_start3A_125 = tpu.memref_slice %arg7[%add3A_117, %dma_start3A_124] : memref<10240x128xf32, #tpu.memory_space<vmem_shared>> -> memref<128x128xf32, #tpu.memory_space<vmem_shared>>
      %dma_start3A_126 = arith.constant 0 : i32
      %dma_start3A_127 = tpu.memref_slice %arg7[%add3A_117, %dma_start3A_126] : memref<10240x128xf32, #tpu.memory_space<vmem_shared>> -> memref<128x128xf32, #tpu.memory_space<vmem_shared>>
      tpu.enqueue_dma source(%dma_start3A_127 : memref<128x128xf32, #tpu.memory_space<vmem_shared>>) target(%arg16 : memref<128x128xf32, #tpu.memory_space<vmem>>) target_semaphore(%run_scoped3A : memref<!tpu.dma_semaphore, #tpu.memory_space<semaphore_mem>>)
      %dma_wait3A_128 = arith.constant 0 : i32
      %dma_wait3A_129 = tpu.memref_slice %arg7[%add3A_117, %dma_wait3A_128] : memref<10240x128xf32, #tpu.memory_space<vmem_shared>> -> memref<128x128xf32, #tpu.memory_space<vmem_shared>>
      %dma_wait3A_130 = arith.constant 0 : i32
      %dma_wait3A_131 = tpu.memref_slice %arg7[%add3A_117, %dma_wait3A_130] : memref<10240x128xf32, #tpu.memory_space<vmem_shared>> -> memref<128x128xf32, #tpu.memory_space<vmem_shared>>
      tpu.wait_dma2 semaphore(%run_scoped3A : memref<!tpu.dma_semaphore, #tpu.memory_space<semaphore_mem>>) src(%dma_wait3A_131 : memref<128x128xf32, #tpu.memory_space<vmem_shared>>) dst(%arg16 : memref<128x128xf32, #tpu.memory_space<vmem>>)
      tpu.yield
    }) : () -> ()
    "tpu.region"() ({
      %run_scoped3A = tpu.sem_alloc : memref<!tpu.dma_semaphore, #tpu.memory_space<semaphore_mem>>
      %dma_start3A_124 = arith.constant 0 : i32
      %dma_start3A_125 = tpu.memref_slice %arg5[%arg0, %add3A_117, %dma_start3A_124] : memref<2x10240x128xf32, #tpu.memory_space<hbm>> -> memref<1x128x128xf32, #tpu.memory_space<hbm>>
      %dma_start3A_126 = tpu.memref_squeeze %dma_start3A_125 : memref<1x128x128xf32, #tpu.memory_space<hbm>> -> memref<128x128xf32, #tpu.memory_space<hbm>>
      %dma_start3A_127 = arith.constant 0 : i32
      %dma_start3A_128 = tpu.memref_slice %arg5[%arg0, %add3A_117, %dma_start3A_127] : memref<2x10240x128xf32, #tpu.memory_space<hbm>> -> memref<1x128x128xf32, #tpu.memory_space<hbm>>
      %dma_start3A_129 = tpu.memref_squeeze %dma_start3A_128 : memref<1x128x128xf32, #tpu.memory_space<hbm>> -> memref<128x128xf32, #tpu.memory_space<hbm>>
      tpu.enqueue_dma source(%arg16 : memref<128x128xf32, #tpu.memory_space<vmem>>) target(%dma_start3A_129 : memref<128x128xf32, #tpu.memory_space<hbm>>) target_semaphore(%run_scoped3A : memref<!tpu.dma_semaphore, #tpu.memory_space<semaphore_mem>>)
      %dma_wait3A_130 = arith.constant 0 : i32
      %dma_wait3A_131 = tpu.memref_slice %arg5[%arg0, %add3A_117, %dma_wait3A_130] : memref<2x10240x128xf32, #tpu.memory_space<hbm>> -> memref<1x128x128xf32, #tpu.memory_space<hbm>>
      %dma_wait3A_132 = tpu.memref_squeeze %dma_wait3A_131 : memref<1x128x128xf32, #tpu.memory_space<hbm>> -> memref<128x128xf32, #tpu.memory_space<hbm>>
      %dma_wait3A_133 = arith.constant 0 : i32
      %dma_wait3A_134 = tpu.memref_slice %arg5[%arg0, %add3A_117, %dma_wait3A_133] : memref<2x10240x128xf32, #tpu.memory_space<hbm>> -> memref<1x128x128xf32, #tpu.memory_space<hbm>>
      %dma_wait3A_135 = tpu.memref_squeeze %dma_wait3A_134 : memref<1x128x128xf32, #tpu.memory_space<hbm>> -> memref<128x128xf32, #tpu.memory_space<hbm>>
      tpu.wait_dma2 semaphore(%run_scoped3A : memref<!tpu.dma_semaphore, #tpu.memory_space<semaphore_mem>>) src(%arg16 : memref<128x128xf32, #tpu.memory_space<vmem>>) dst(%dma_wait3A_135 : memref<128x128xf32, #tpu.memory_space<hbm>>)
      tpu.yield
    }) : () -> ()
    %add3A_118 = arith.constant 256 : i32
    %add3A_119 = arith.addi %mul3A_6, %add3A_118 : i32
    "tpu.region"() ({
      %run_scoped3A = tpu.sem_alloc : memref<!tpu.dma_semaphore, #tpu.memory_space<semaphore_mem>>
      %dma_start3A_124 = arith.constant 0 : i32
      %dma_start3A_125 = tpu.memref_slice %arg7[%add3A_119, %dma_start3A_124] : memref<10240x128xf32, #tpu.memory_space<vmem_shared>> -> memref<128x128xf32, #tpu.memory_space<vmem_shared>>
      %dma_start3A_126 = arith.constant 0 : i32
      %dma_start3A_127 = tpu.memref_slice %arg7[%add3A_119, %dma_start3A_126] : memref<10240x128xf32, #tpu.memory_space<vmem_shared>> -> memref<128x128xf32, #tpu.memory_space<vmem_shared>>
      tpu.enqueue_dma source(%dma_start3A_127 : memref<128x128xf32, #tpu.memory_space<vmem_shared>>) target(%arg16 : memref<128x128xf32, #tpu.memory_space<vmem>>) target_semaphore(%run_scoped3A : memref<!tpu.dma_semaphore, #tpu.memory_space<semaphore_mem>>)
      %dma_wait3A_128 = arith.constant 0 : i32
      %dma_wait3A_129 = tpu.memref_slice %arg7[%add3A_119, %dma_wait3A_128] : memref<10240x128xf32, #tpu.memory_space<vmem_shared>> -> memref<128x128xf32, #tpu.memory_space<vmem_shared>>
      %dma_wait3A_130 = arith.constant 0 : i32
      %dma_wait3A_131 = tpu.memref_slice %arg7[%add3A_119, %dma_wait3A_130] : memref<10240x128xf32, #tpu.memory_space<vmem_shared>> -> memref<128x128xf32, #tpu.memory_space<vmem_shared>>
      tpu.wait_dma2 semaphore(%run_scoped3A : memref<!tpu.dma_semaphore, #tpu.memory_space<semaphore_mem>>) src(%dma_wait3A_131 : memref<128x128xf32, #tpu.memory_space<vmem_shared>>) dst(%arg16 : memref<128x128xf32, #tpu.memory_space<vmem>>)
      tpu.yield
    }) : () -> ()
    "tpu.region"() ({
      %run_scoped3A = tpu.sem_alloc : memref<!tpu.dma_semaphore, #tpu.memory_space<semaphore_mem>>
      %dma_start3A_124 = arith.constant 0 : i32
      %dma_start3A_125 = tpu.memref_slice %arg5[%arg0, %add3A_119, %dma_start3A_124] : memref<2x10240x128xf32, #tpu.memory_space<hbm>> -> memref<1x128x128xf32, #tpu.memory_space<hbm>>
      %dma_start3A_126 = tpu.memref_squeeze %dma_start3A_125 : memref<1x128x128xf32, #tpu.memory_space<hbm>> -> memref<128x128xf32, #tpu.memory_space<hbm>>
      %dma_start3A_127 = arith.constant 0 : i32
      %dma_start3A_128 = tpu.memref_slice %arg5[%arg0, %add3A_119, %dma_start3A_127] : memref<2x10240x128xf32, #tpu.memory_space<hbm>> -> memref<1x128x128xf32, #tpu.memory_space<hbm>>
      %dma_start3A_129 = tpu.memref_squeeze %dma_start3A_128 : memref<1x128x128xf32, #tpu.memory_space<hbm>> -> memref<128x128xf32, #tpu.memory_space<hbm>>
      tpu.enqueue_dma source(%arg16 : memref<128x128xf32, #tpu.memory_space<vmem>>) target(%dma_start3A_129 : memref<128x128xf32, #tpu.memory_space<hbm>>) target_semaphore(%run_scoped3A : memref<!tpu.dma_semaphore, #tpu.memory_space<semaphore_mem>>)
      %dma_wait3A_130 = arith.constant 0 : i32
      %dma_wait3A_131 = tpu.memref_slice %arg5[%arg0, %add3A_119, %dma_wait3A_130] : memref<2x10240x128xf32, #tpu.memory_space<hbm>> -> memref<1x128x128xf32, #tpu.memory_space<hbm>>
      %dma_wait3A_132 = tpu.memref_squeeze %dma_wait3A_131 : memref<1x128x128xf32, #tpu.memory_space<hbm>> -> memref<128x128xf32, #tpu.memory_space<hbm>>
      %dma_wait3A_133 = arith.constant 0 : i32
      %dma_wait3A_134 = tpu.memref_slice %arg5[%arg0, %add3A_119, %dma_wait3A_133] : memref<2x10240x128xf32, #tpu.memory_space<hbm>> -> memref<1x128x128xf32, #tpu.memory_space<hbm>>
      %dma_wait3A_135 = tpu.memref_squeeze %dma_wait3A_134 : memref<1x128x128xf32, #tpu.memory_space<hbm>> -> memref<128x128xf32, #tpu.memory_space<hbm>>
      tpu.wait_dma2 semaphore(%run_scoped3A : memref<!tpu.dma_semaphore, #tpu.memory_space<semaphore_mem>>) src(%arg16 : memref<128x128xf32, #tpu.memory_space<vmem>>) dst(%dma_wait3A_135 : memref<128x128xf32, #tpu.memory_space<hbm>>)
      tpu.yield
    }) : () -> ()
    %add3A_120 = arith.constant 384 : i32
    %add3A_121 = arith.addi %mul3A_6, %add3A_120 : i32
    "tpu.region"() ({
      %run_scoped3A = tpu.sem_alloc : memref<!tpu.dma_semaphore, #tpu.memory_space<semaphore_mem>>
      %dma_start3A_124 = arith.constant 0 : i32
      %dma_start3A_125 = tpu.memref_slice %arg7[%add3A_121, %dma_start3A_124] : memref<10240x128xf32, #tpu.memory_space<vmem_shared>> -> memref<128x128xf32, #tpu.memory_space<vmem_shared>>
      %dma_start3A_126 = arith.constant 0 : i32
      %dma_start3A_127 = tpu.memref_slice %arg7[%add3A_121, %dma_start3A_126] : memref<10240x128xf32, #tpu.memory_space<vmem_shared>> -> memref<128x128xf32, #tpu.memory_space<vmem_shared>>
      tpu.enqueue_dma source(%dma_start3A_127 : memref<128x128xf32, #tpu.memory_space<vmem_shared>>) target(%arg16 : memref<128x128xf32, #tpu.memory_space<vmem>>) target_semaphore(%run_scoped3A : memref<!tpu.dma_semaphore, #tpu.memory_space<semaphore_mem>>)
      %dma_wait3A_128 = arith.constant 0 : i32
      %dma_wait3A_129 = tpu.memref_slice %arg7[%add3A_121, %dma_wait3A_128] : memref<10240x128xf32, #tpu.memory_space<vmem_shared>> -> memref<128x128xf32, #tpu.memory_space<vmem_shared>>
      %dma_wait3A_130 = arith.constant 0 : i32
      %dma_wait3A_131 = tpu.memref_slice %arg7[%add3A_121, %dma_wait3A_130] : memref<10240x128xf32, #tpu.memory_space<vmem_shared>> -> memref<128x128xf32, #tpu.memory_space<vmem_shared>>
      tpu.wait_dma2 semaphore(%run_scoped3A : memref<!tpu.dma_semaphore, #tpu.memory_space<semaphore_mem>>) src(%dma_wait3A_131 : memref<128x128xf32, #tpu.memory_space<vmem_shared>>) dst(%arg16 : memref<128x128xf32, #tpu.memory_space<vmem>>)
      tpu.yield
    }) : () -> ()
    "tpu.region"() ({
      %run_scoped3A = tpu.sem_alloc : memref<!tpu.dma_semaphore, #tpu.memory_space<semaphore_mem>>
      %dma_start3A_124 = arith.constant 0 : i32
      %dma_start3A_125 = tpu.memref_slice %arg5[%arg0, %add3A_121, %dma_start3A_124] : memref<2x10240x128xf32, #tpu.memory_space<hbm>> -> memref<1x128x128xf32, #tpu.memory_space<hbm>>
      %dma_start3A_126 = tpu.memref_squeeze %dma_start3A_125 : memref<1x128x128xf32, #tpu.memory_space<hbm>> -> memref<128x128xf32, #tpu.memory_space<hbm>>
      %dma_start3A_127 = arith.constant 0 : i32
      %dma_start3A_128 = tpu.memref_slice %arg5[%arg0, %add3A_121, %dma_start3A_127] : memref<2x10240x128xf32, #tpu.memory_space<hbm>> -> memref<1x128x128xf32, #tpu.memory_space<hbm>>
      %dma_start3A_129 = tpu.memref_squeeze %dma_start3A_128 : memref<1x128x128xf32, #tpu.memory_space<hbm>> -> memref<128x128xf32, #tpu.memory_space<hbm>>
      tpu.enqueue_dma source(%arg16 : memref<128x128xf32, #tpu.memory_space<vmem>>) target(%dma_start3A_129 : memref<128x128xf32, #tpu.memory_space<hbm>>) target_semaphore(%run_scoped3A : memref<!tpu.dma_semaphore, #tpu.memory_space<semaphore_mem>>)
      %dma_wait3A_130 = arith.constant 0 : i32
      %dma_wait3A_131 = tpu.memref_slice %arg5[%arg0, %add3A_121, %dma_wait3A_130] : memref<2x10240x128xf32, #tpu.memory_space<hbm>> -> memref<1x128x128xf32, #tpu.memory_space<hbm>>
      %dma_wait3A_132 = tpu.memref_squeeze %dma_wait3A_131 : memref<1x128x128xf32, #tpu.memory_space<hbm>> -> memref<128x128xf32, #tpu.memory_space<hbm>>
      %dma_wait3A_133 = arith.constant 0 : i32
      %dma_wait3A_134 = tpu.memref_slice %arg5[%arg0, %add3A_121, %dma_wait3A_133] : memref<2x10240x128xf32, #tpu.memory_space<hbm>> -> memref<1x128x128xf32, #tpu.memory_space<hbm>>
      %dma_wait3A_135 = tpu.memref_squeeze %dma_wait3A_134 : memref<1x128x128xf32, #tpu.memory_space<hbm>> -> memref<128x128xf32, #tpu.memory_space<hbm>>
      tpu.wait_dma2 semaphore(%run_scoped3A : memref<!tpu.dma_semaphore, #tpu.memory_space<semaphore_mem>>) src(%arg16 : memref<128x128xf32, #tpu.memory_space<vmem>>) dst(%dma_wait3A_135 : memref<128x128xf32, #tpu.memory_space<hbm>>)
      tpu.yield
    }) : () -> ()
    %add3A_122 = arith.constant 512 : i32
    %add3A_123 = arith.addi %mul3A_6, %add3A_122 : i32
    "tpu.region"() ({
      %run_scoped3A = tpu.sem_alloc : memref<!tpu.dma_semaphore, #tpu.memory_space<semaphore_mem>>
      %dma_start3A_124 = arith.constant 0 : i32
      %dma_start3A_125 = tpu.memref_slice %arg7[%add3A_123, %dma_start3A_124] : memref<10240x128xf32, #tpu.memory_space<vmem_shared>> -> memref<128x128xf32, #tpu.memory_space<vmem_shared>>
      %dma_start3A_126 = arith.constant 0 : i32
      %dma_start3A_127 = tpu.memref_slice %arg7[%add3A_123, %dma_start3A_126] : memref<10240x128xf32, #tpu.memory_space<vmem_shared>> -> memref<128x128xf32, #tpu.memory_space<vmem_shared>>
      tpu.enqueue_dma source(%dma_start3A_127 : memref<128x128xf32, #tpu.memory_space<vmem_shared>>) target(%arg16 : memref<128x128xf32, #tpu.memory_space<vmem>>) target_semaphore(%run_scoped3A : memref<!tpu.dma_semaphore, #tpu.memory_space<semaphore_mem>>)
      %dma_wait3A_128 = arith.constant 0 : i32
      %dma_wait3A_129 = tpu.memref_slice %arg7[%add3A_123, %dma_wait3A_128] : memref<10240x128xf32, #tpu.memory_space<vmem_shared>> -> memref<128x128xf32, #tpu.memory_space<vmem_shared>>
      %dma_wait3A_130 = arith.constant 0 : i32
      %dma_wait3A_131 = tpu.memref_slice %arg7[%add3A_123, %dma_wait3A_130] : memref<10240x128xf32, #tpu.memory_space<vmem_shared>> -> memref<128x128xf32, #tpu.memory_space<vmem_shared>>
      tpu.wait_dma2 semaphore(%run_scoped3A : memref<!tpu.dma_semaphore, #tpu.memory_space<semaphore_mem>>) src(%dma_wait3A_131 : memref<128x128xf32, #tpu.memory_space<vmem_shared>>) dst(%arg16 : memref<128x128xf32, #tpu.memory_space<vmem>>)
      tpu.yield
    }) : () -> ()
    "tpu.region"() ({
      %run_scoped3A = tpu.sem_alloc : memref<!tpu.dma_semaphore, #tpu.memory_space<semaphore_mem>>
      %dma_start3A_124 = arith.constant 0 : i32
      %dma_start3A_125 = tpu.memref_slice %arg5[%arg0, %add3A_123, %dma_start3A_124] : memref<2x10240x128xf32, #tpu.memory_space<hbm>> -> memref<1x128x128xf32, #tpu.memory_space<hbm>>
      %dma_start3A_126 = tpu.memref_squeeze %dma_start3A_125 : memref<1x128x128xf32, #tpu.memory_space<hbm>> -> memref<128x128xf32, #tpu.memory_space<hbm>>
      %dma_start3A_127 = arith.constant 0 : i32
      %dma_start3A_128 = tpu.memref_slice %arg5[%arg0, %add3A_123, %dma_start3A_127] : memref<2x10240x128xf32, #tpu.memory_space<hbm>> -> memref<1x128x128xf32, #tpu.memory_space<hbm>>
      %dma_start3A_129 = tpu.memref_squeeze %dma_start3A_128 : memref<1x128x128xf32, #tpu.memory_space<hbm>> -> memref<128x128xf32, #tpu.memory_space<hbm>>
      tpu.enqueue_dma source(%arg16 : memref<128x128xf32, #tpu.memory_space<vmem>>) target(%dma_start3A_129 : memref<128x128xf32, #tpu.memory_space<hbm>>) target_semaphore(%run_scoped3A : memref<!tpu.dma_semaphore, #tpu.memory_space<semaphore_mem>>)
      %dma_wait3A_130 = arith.constant 0 : i32
      %dma_wait3A_131 = tpu.memref_slice %arg5[%arg0, %add3A_123, %dma_wait3A_130] : memref<2x10240x128xf32, #tpu.memory_space<hbm>> -> memref<1x128x128xf32, #tpu.memory_space<hbm>>
      %dma_wait3A_132 = tpu.memref_squeeze %dma_wait3A_131 : memref<1x128x128xf32, #tpu.memory_space<hbm>> -> memref<128x128xf32, #tpu.memory_space<hbm>>
      %dma_wait3A_133 = arith.constant 0 : i32
      %dma_wait3A_134 = tpu.memref_slice %arg5[%arg0, %add3A_123, %dma_wait3A_133] : memref<2x10240x128xf32, #tpu.memory_space<hbm>> -> memref<1x128x128xf32, #tpu.memory_space<hbm>>
      %dma_wait3A_135 = tpu.memref_squeeze %dma_wait3A_134 : memref<1x128x128xf32, #tpu.memory_space<hbm>> -> memref<128x128xf32, #tpu.memory_space<hbm>>
      tpu.wait_dma2 semaphore(%run_scoped3A : memref<!tpu.dma_semaphore, #tpu.memory_space<semaphore_mem>>) src(%arg16 : memref<128x128xf32, #tpu.memory_space<vmem>>) dst(%dma_wait3A_135 : memref<128x128xf32, #tpu.memory_space<hbm>>)
      tpu.yield
    }) : () -> ()
    "tpu.region"() ({
      %run_scoped3A = tpu.sem_alloc : memref<!tpu.dma_semaphore, #tpu.memory_space<semaphore_mem>>
      %dma_start3A_124 = tpu.memref_slice %arg26[%mul3A_6] : memref<10240xf32, #tpu.memory_space<vmem_shared>> -> memref<640xf32, #tpu.memory_space<vmem_shared>>
      %dma_start3A_125 = tpu.memref_slice %arg26[%mul3A_6] : memref<10240xf32, #tpu.memory_space<vmem_shared>> -> memref<640xf32, #tpu.memory_space<vmem_shared>>
      tpu.enqueue_dma source(%dma_start3A_125 : memref<640xf32, #tpu.memory_space<vmem_shared>>) target(%arg27 : memref<640xf32, #tpu.memory_space<vmem>>) target_semaphore(%run_scoped3A : memref<!tpu.dma_semaphore, #tpu.memory_space<semaphore_mem>>)
      %dma_wait3A_126 = tpu.memref_slice %arg26[%mul3A_6] : memref<10240xf32, #tpu.memory_space<vmem_shared>> -> memref<640xf32, #tpu.memory_space<vmem_shared>>
      %dma_wait3A_127 = tpu.memref_slice %arg26[%mul3A_6] : memref<10240xf32, #tpu.memory_space<vmem_shared>> -> memref<640xf32, #tpu.memory_space<vmem_shared>>
      tpu.wait_dma2 semaphore(%run_scoped3A : memref<!tpu.dma_semaphore, #tpu.memory_space<semaphore_mem>>) src(%dma_wait3A_127 : memref<640xf32, #tpu.memory_space<vmem_shared>>) dst(%arg27 : memref<640xf32, #tpu.memory_space<vmem>>)
      tpu.yield
    }) : () -> ()
    "tpu.region"() ({
      %run_scoped3A = tpu.sem_alloc : memref<!tpu.dma_semaphore, #tpu.memory_space<semaphore_mem>>
      %dma_start3A_124 = tpu.memref_slice %arg6[%arg0, %mul3A_6] : memref<2x10240xf32, #tpu.memory_space<hbm>> -> memref<1x640xf32, #tpu.memory_space<hbm>>
      %dma_start3A_125 = tpu.memref_squeeze %dma_start3A_124 : memref<1x640xf32, #tpu.memory_space<hbm>> -> memref<640xf32, #tpu.memory_space<hbm>>
      %dma_start3A_126 = tpu.memref_slice %arg6[%arg0, %mul3A_6] : memref<2x10240xf32, #tpu.memory_space<hbm>> -> memref<1x640xf32, #tpu.memory_space<hbm>>
      %dma_start3A_127 = tpu.memref_squeeze %dma_start3A_126 : memref<1x640xf32, #tpu.memory_space<hbm>> -> memref<640xf32, #tpu.memory_space<hbm>>
      tpu.enqueue_dma source(%arg27 : memref<640xf32, #tpu.memory_space<vmem>>) target(%dma_start3A_127 : memref<640xf32, #tpu.memory_space<hbm>>) target_semaphore(%run_scoped3A : memref<!tpu.dma_semaphore, #tpu.memory_space<semaphore_mem>>)
      %dma_wait3A_128 = tpu.memref_slice %arg6[%arg0, %mul3A_6] : memref<2x10240xf32, #tpu.memory_space<hbm>> -> memref<1x640xf32, #tpu.memory_space<hbm>>
      %dma_wait3A_129 = tpu.memref_squeeze %dma_wait3A_128 : memref<1x640xf32, #tpu.memory_space<hbm>> -> memref<640xf32, #tpu.memory_space<hbm>>
      %dma_wait3A_130 = tpu.memref_slice %arg6[%arg0, %mul3A_6] : memref<2x10240xf32, #tpu.memory_space<hbm>> -> memref<1x640xf32, #tpu.memory_space<hbm>>
      %dma_wait3A_131 = tpu.memref_squeeze %dma_wait3A_130 : memref<1x640xf32, #tpu.memory_space<hbm>> -> memref<640xf32, #tpu.memory_space<hbm>>
      tpu.wait_dma2 semaphore(%run_scoped3A : memref<!tpu.dma_semaphore, #tpu.memory_space<semaphore_mem>>) src(%arg27 : memref<640xf32, #tpu.memory_space<vmem>>) dst(%dma_wait3A_131 : memref<640xf32, #tpu.memory_space<hbm>>)
      tpu.yield
    }) : () -> ()
    return
  }
}

module attributes {stable_mosaic.version = 14 : i64} {
  func.func @_l0_body(%arg0: i32, %arg1: memref<400x256xf32, #tpu.memory_space<vmem>>, %arg2: memref<2x400x128xf32, #tpu.memory_space<vmem>>, %arg3: memref<2x400x1xf32, #tpu.memory_space<vmem>>, %arg4: memref<256x512xf32, #tpu.memory_space<vmem>>, %arg5: memref<256x512xf32, #tpu.memory_space<vmem>>, %arg6: memref<1x512xf32, #tpu.memory_space<vmem>>, %arg7: memref<400x512xf32, #tpu.memory_space<vmem>>) attributes {dimension_semantics = [#tpu.dimension_semantics<arbitrary>], iteration_bounds = array<i64: 25>, scalar_prefetch = 0 : i64, scratch_operands = 0 : i64, tpu.core_type = #tpu.core_type<tc>, window_params = [{transform_indices = @transform_0, window_bounds = array<i64: 400, 256>}, {transform_indices = @transform_1, window_bounds = array<i64: 2, 400, 128>}, {transform_indices = @transform_2, window_bounds = array<i64: 2, 400, 1>}, {pipeline_mode = #tpu.pipeline_mode<synchronous>, transform_indices = @transform_3, window_bounds = array<i64: 256, 512>}, {pipeline_mode = #tpu.pipeline_mode<synchronous>, transform_indices = @transform_4, window_bounds = array<i64: 256, 512>}, {pipeline_mode = #tpu.pipeline_mode<synchronous>, transform_indices = @transform_5, window_bounds = array<i64: 1, 512>}, {transform_indices = @transform_6, window_bounds = array<i64: 400, 512>}]} {
    %get3A = arith.constant 0 : index
    %get3A_0 = arith.constant 0 : index
    %get3A_1 = arith.constant 0 : index
    %get3A_2 = vector.load %arg3[%get3A, %get3A_0, %get3A_1] : memref<2x400x1xf32, #tpu.memory_space<vmem>>, vector<1x400x1xf32>
    %get3A_3 = vector.shape_cast %get3A_2 : vector<1x400x1xf32> to vector<400x1xf32>
    %get3A_4 = arith.constant 1 : index
    %get3A_5 = arith.constant 0 : index
    %get3A_6 = arith.constant 0 : index
    %get3A_7 = vector.load %arg3[%get3A_4, %get3A_5, %get3A_6] : memref<2x400x1xf32, #tpu.memory_space<vmem>>, vector<1x400x1xf32>
    %get3A_8 = vector.shape_cast %get3A_7 : vector<1x400x1xf32> to vector<400x1xf32>
    %add3A = arith.addf %get3A_3, %get3A_8 : vector<400x1xf32>
    %max3A = arith.constant 1.000000e+00 : f32
    %max3A_9 = vector.broadcast %max3A : f32 to vector<400x1xf32>
    %max3A_10 = arith.maximumf %add3A, %max3A_9 : vector<400x1xf32>
    %div3A = arith.constant 1.000000e+00 : f32
    %div3A_11 = vector.broadcast %div3A : f32 to vector<400x1xf32>
    %div3A_12 = arith.divf %div3A_11, %max3A_10 : vector<400x1xf32>
    %get3A_13 = arith.constant 0 : index
    %get3A_14 = arith.constant 0 : index
    %get3A_15 = vector.load %arg1[%get3A_13, %get3A_14] : memref<400x256xf32, #tpu.memory_space<vmem>>, vector<400x256xf32>
    %get3A_16 = arith.constant 0 : index
    %get3A_17 = arith.constant 0 : index
    %get3A_18 = vector.load %arg4[%get3A_16, %get3A_17] : memref<256x512xf32, #tpu.memory_space<vmem>>, vector<256x512xf32>
    %dot_general3A = arith.constant dense<0.000000e+00> : vector<400x512xf32>
    %dot_general3A_19 = tpu.matmul %get3A_15, %get3A_18, %dot_general3A {dimension_numbers = #tpu.dot_dimension_numbers<[1], [0], [0], [1], [0, 0, 1, 1], [], []>, transpose_lhs_hint = false} : vector<400x256xf32>, vector<256x512xf32>, vector<400x512xf32> -> vector<400x512xf32>
    %get3A_20 = arith.constant 0 : index
    %get3A_21 = arith.constant 0 : index
    %get3A_22 = arith.constant 0 : index
    %get3A_23 = vector.load %arg2[%get3A_20, %get3A_21, %get3A_22] : memref<2x400x128xf32, #tpu.memory_space<vmem>>, vector<1x400x128xf32>
    %get3A_24 = vector.shape_cast %get3A_23 : vector<1x400x128xf32> to vector<400x128xf32>
    %mul3A = vector.broadcast %div3A_12 : vector<400x1xf32> to vector<400x128xf32>
    %mul3A_25 = arith.mulf %get3A_24, %mul3A : vector<400x128xf32>
    %get3A_26 = arith.constant 0 : index
    %get3A_27 = arith.constant 0 : index
    %get3A_28 = vector.load %arg5[%get3A_26, %get3A_27] : memref<256x512xf32, #tpu.memory_space<vmem>>, vector<128x512xf32>
    %dot_general3A_29 = arith.constant dense<0.000000e+00> : vector<400x512xf32>
    %dot_general3A_30 = tpu.matmul %mul3A_25, %get3A_28, %dot_general3A_29 {dimension_numbers = #tpu.dot_dimension_numbers<[1], [0], [0], [1], [0, 0, 1, 1], [], []>, transpose_lhs_hint = false} : vector<400x128xf32>, vector<128x512xf32>, vector<400x512xf32> -> vector<400x512xf32>
    %add3A_31 = arith.addf %dot_general3A_19, %dot_general3A_30 : vector<400x512xf32>
    %get3A_32 = arith.constant 1 : index
    %get3A_33 = arith.constant 0 : index
    %get3A_34 = arith.constant 0 : index
    %get3A_35 = vector.load %arg2[%get3A_32, %get3A_33, %get3A_34] : memref<2x400x128xf32, #tpu.memory_space<vmem>>, vector<1x400x128xf32>
    %get3A_36 = vector.shape_cast %get3A_35 : vector<1x400x128xf32> to vector<400x128xf32>
    %mul3A_37 = vector.broadcast %div3A_12 : vector<400x1xf32> to vector<400x128xf32>
    %mul3A_38 = arith.mulf %get3A_36, %mul3A_37 : vector<400x128xf32>
    %get3A_39 = arith.constant 128 : index
    %get3A_40 = arith.constant 0 : index
    %get3A_41 = vector.load %arg5[%get3A_39, %get3A_40] : memref<256x512xf32, #tpu.memory_space<vmem>>, vector<128x512xf32>
    %dot_general3A_42 = arith.constant dense<0.000000e+00> : vector<400x512xf32>
    %dot_general3A_43 = tpu.matmul %mul3A_38, %get3A_41, %dot_general3A_42 {dimension_numbers = #tpu.dot_dimension_numbers<[1], [0], [0], [1], [0, 0, 1, 1], [], []>, transpose_lhs_hint = false} : vector<400x128xf32>, vector<128x512xf32>, vector<400x512xf32> -> vector<400x512xf32>
    %add3A_44 = arith.addf %add3A_31, %dot_general3A_43 : vector<400x512xf32>
    %get3A_45 = arith.constant 0 : index
    %get3A_46 = arith.constant 0 : index
    %get3A_47 = vector.load %arg6[%get3A_45, %get3A_46] : memref<1x512xf32, #tpu.memory_space<vmem>>, vector<1x512xf32>
    %add3A_48 = vector.broadcast %get3A_47 : vector<1x512xf32> to vector<400x512xf32>
    %add3A_49 = arith.addf %add3A_44, %add3A_48 : vector<400x512xf32>
    %max3A_50 = arith.constant 0.000000e+00 : f32
    %max3A_51 = vector.broadcast %max3A_50 : f32 to vector<400x512xf32>
    %max3A_52 = arith.maximumf %add3A_49, %max3A_51 : vector<400x512xf32>
    %swap3A = arith.constant 0 : index
    %swap3A_53 = arith.constant 0 : index
    %swap3A_54 = vector.load %arg7[%swap3A, %swap3A_53] : memref<400x512xf32, #tpu.memory_space<vmem>>, vector<400x512xf32>
    tpu.vector_store %arg7[%swap3A, %swap3A_53], %max3A_52 {strides = array<i32>} : memref<400x512xf32, #tpu.memory_space<vmem>>, vector<400x512xf32>,
    return
  }
  func.func @transform_0(%arg0: i32) -> (i32, i32) {
    %c0_i32 = arith.constant 0 : i32
    %c0_i32_0 = arith.constant 0 : i32
    return %arg0, %c0_i32 : i32, i32
  }
  func.func @transform_1(%arg0: i32) -> (i32, i32, i32) {
    %c0_i32 = arith.constant 0 : i32
    %c0_i32_0 = arith.constant 0 : i32
    %c0_i32_1 = arith.constant 0 : i32
    return %c0_i32, %arg0, %c0_i32_0 : i32, i32, i32
  }
  func.func @transform_2(%arg0: i32) -> (i32, i32, i32) {
    %c0_i32 = arith.constant 0 : i32
    %c0_i32_0 = arith.constant 0 : i32
    %c0_i32_1 = arith.constant 0 : i32
    return %c0_i32, %arg0, %c0_i32_0 : i32, i32, i32
  }
  func.func @transform_3(%arg0: i32) -> (i32, i32) {
    %c0_i32 = arith.constant 0 : i32
    %c0_i32_0 = arith.constant 0 : i32
    %c0_i32_1 = arith.constant 0 : i32
    return %c0_i32, %c0_i32_0 : i32, i32
  }
  func.func @transform_4(%arg0: i32) -> (i32, i32) {
    %c0_i32 = arith.constant 0 : i32
    %c0_i32_0 = arith.constant 0 : i32
    %c0_i32_1 = arith.constant 0 : i32
    return %c0_i32, %c0_i32_0 : i32, i32
  }
  func.func @transform_5(%arg0: i32) -> (i32, i32) {
    %c0_i32 = arith.constant 0 : i32
    %c0_i32_0 = arith.constant 0 : i32
    %c0_i32_1 = arith.constant 0 : i32
    return %c0_i32, %c0_i32_0 : i32, i32
  }
  func.func @transform_6(%arg0: i32) -> (i32, i32) {
    %c0_i32 = arith.constant 0 : i32
    %c0_i32_0 = arith.constant 0 : i32
    return %arg0, %c0_i32 : i32, i32
  }
}

module attributes {stable_mosaic.version = 14 : i64} {
  func.func @_l1a_body(%arg0: i32, %arg1: memref<400x512xf32, #tpu.memory_space<vmem>>, %arg2: memref<512x256xf32, #tpu.memory_space<vmem>>, %arg3: memref<512x256xf32, #tpu.memory_space<vmem>>, %arg4: memref<1x256xf32, #tpu.memory_space<vmem>>, %arg5: memref<400x256xf32, #tpu.memory_space<vmem>>, %arg6: memref<400x2x128xf32, #tpu.memory_space<vmem>>) attributes {dimension_semantics = [#tpu.dimension_semantics<arbitrary>], iteration_bounds = array<i64: 25>, scalar_prefetch = 0 : i64, scratch_operands = 0 : i64, tpu.core_type = #tpu.core_type<tc>, window_params = [{transform_indices = @transform_0, window_bounds = array<i64: 400, 512>}, {pipeline_mode = #tpu.pipeline_mode<synchronous>, transform_indices = @transform_1, window_bounds = array<i64: 512, 256>}, {pipeline_mode = #tpu.pipeline_mode<synchronous>, transform_indices = @transform_2, window_bounds = array<i64: 512, 256>}, {pipeline_mode = #tpu.pipeline_mode<synchronous>, transform_indices = @transform_3, window_bounds = array<i64: 1, 256>}, {transform_indices = @transform_4, window_bounds = array<i64: 400, 256>}, {transform_indices = @transform_5, window_bounds = array<i64: 400, 2, 128>}]} {
    %get3A = arith.constant 0 : index
    %get3A_0 = arith.constant 0 : index
    %get3A_1 = vector.load %arg1[%get3A, %get3A_0] : memref<400x512xf32, #tpu.memory_space<vmem>>, vector<400x512xf32>
    %get3A_2 = arith.constant 0 : index
    %get3A_3 = arith.constant 0 : index
    %get3A_4 = vector.load %arg2[%get3A_2, %get3A_3] : memref<512x256xf32, #tpu.memory_space<vmem>>, vector<512x256xf32>
    %dot_general3A = arith.constant dense<0.000000e+00> : vector<400x256xf32>
    %dot_general3A_5 = tpu.matmul %get3A_1, %get3A_4, %dot_general3A {dimension_numbers = #tpu.dot_dimension_numbers<[1], [0], [0], [1], [0, 0, 1, 1], [], []>, transpose_lhs_hint = false} : vector<400x512xf32>, vector<512x256xf32>, vector<400x256xf32> -> vector<400x256xf32>
    %get3A_6 = arith.constant 0 : index
    %get3A_7 = arith.constant 0 : index
    %get3A_8 = vector.load %arg4[%get3A_6, %get3A_7] : memref<1x256xf32, #tpu.memory_space<vmem>>, vector<1x256xf32>
    %add3A = vector.broadcast %get3A_8 : vector<1x256xf32> to vector<400x256xf32>
    %add3A_9 = arith.addf %dot_general3A_5, %add3A : vector<400x256xf32>
    %swap3A = arith.constant 0 : index
    %swap3A_10 = arith.constant 0 : index
    %swap3A_11 = vector.load %arg5[%swap3A, %swap3A_10] : memref<400x256xf32, #tpu.memory_space<vmem>>, vector<400x256xf32>
    tpu.vector_store %arg5[%swap3A, %swap3A_10], %add3A_9 {strides = array<i32>} : memref<400x256xf32, #tpu.memory_space<vmem>>, vector<400x256xf32>,
    %get3A_12 = arith.constant 0 : index
    %get3A_13 = arith.constant 0 : index
    %get3A_14 = vector.load %arg3[%get3A_12, %get3A_13] : memref<512x256xf32, #tpu.memory_space<vmem>>, vector<512x256xf32>
    %dot_general3A_15 = arith.constant dense<0.000000e+00> : vector<400x256xf32>
    %dot_general3A_16 = tpu.matmul %get3A_1, %get3A_14, %dot_general3A_15 {dimension_numbers = #tpu.dot_dimension_numbers<[1], [0], [0], [1], [0, 0, 1, 1], [], []>, transpose_lhs_hint = false} : vector<400x512xf32>, vector<512x256xf32>, vector<400x256xf32> -> vector<400x256xf32>
    %slice3A = vector.extract_strided_slice %dot_general3A_16 {offsets = [0, 0], sizes = [400, 128], strides = [1, 1]} : vector<400x256xf32> to vector<400x128xf32>
    %swap3A_17 = arith.constant 0 : index
    %swap3A_18 = arith.constant 0 : index
    %swap3A_19 = arith.constant 0 : index
    %swap3A_20 = vector.load %arg6[%swap3A_17, %swap3A_18, %swap3A_19] : memref<400x2x128xf32, #tpu.memory_space<vmem>>, vector<400x1x128xf32>
    %swap3A_21 = vector.shape_cast %swap3A_20 : vector<400x1x128xf32> to vector<400x128xf32>
    %swap3A_22 = vector.shape_cast %slice3A : vector<400x128xf32> to vector<400x1x128xf32>
    tpu.vector_store %arg6[%swap3A_17, %swap3A_18, %swap3A_19], %swap3A_22 {strides = array<i32>} : memref<400x2x128xf32, #tpu.memory_space<vmem>>, vector<400x1x128xf32>,
    %slice3A_23 = vector.extract_strided_slice %dot_general3A_16 {offsets = [0, 128], sizes = [400, 128], strides = [1, 1]} : vector<400x256xf32> to vector<400x128xf32>
    %swap3A_24 = arith.constant 0 : index
    %swap3A_25 = arith.constant 1 : index
    %swap3A_26 = arith.constant 0 : index
    %swap3A_27 = vector.load %arg6[%swap3A_24, %swap3A_25, %swap3A_26] : memref<400x2x128xf32, #tpu.memory_space<vmem>>, vector<400x1x128xf32>
    %swap3A_28 = vector.shape_cast %swap3A_27 : vector<400x1x128xf32> to vector<400x128xf32>
    %swap3A_29 = vector.shape_cast %slice3A_23 : vector<400x128xf32> to vector<400x1x128xf32>
    tpu.vector_store %arg6[%swap3A_24, %swap3A_25, %swap3A_26], %swap3A_29 {strides = array<i32>} : memref<400x2x128xf32, #tpu.memory_space<vmem>>, vector<400x1x128xf32>,
    return
  }
  func.func @transform_0(%arg0: i32) -> (i32, i32) {
    %c0_i32 = arith.constant 0 : i32
    %c0_i32_0 = arith.constant 0 : i32
    return %arg0, %c0_i32 : i32, i32
  }
  func.func @transform_1(%arg0: i32) -> (i32, i32) {
    %c0_i32 = arith.constant 0 : i32
    %c0_i32_0 = arith.constant 0 : i32
    %c0_i32_1 = arith.constant 0 : i32
    return %c0_i32, %c0_i32_0 : i32, i32
  }
  func.func @transform_2(%arg0: i32) -> (i32, i32) {
    %c0_i32 = arith.constant 0 : i32
    %c0_i32_0 = arith.constant 0 : i32
    %c0_i32_1 = arith.constant 0 : i32
    return %c0_i32, %c0_i32_0 : i32, i32
  }
  func.func @transform_3(%arg0: i32) -> (i32, i32) {
    %c0_i32 = arith.constant 0 : i32
    %c0_i32_0 = arith.constant 0 : i32
    %c0_i32_1 = arith.constant 0 : i32
    return %c0_i32, %c0_i32_0 : i32, i32
  }
  func.func @transform_4(%arg0: i32) -> (i32, i32) {
    %c0_i32 = arith.constant 0 : i32
    %c0_i32_0 = arith.constant 0 : i32
    return %arg0, %c0_i32 : i32, i32
  }
  func.func @transform_5(%arg0: i32) -> (i32, i32, i32) {
    %c0_i32 = arith.constant 0 : i32
    %c0_i32_0 = arith.constant 0 : i32
    %c0_i32_1 = arith.constant 0 : i32
    return %arg0, %c0_i32, %c0_i32_0 : i32, i32, i32
  }
}

module attributes {stable_mosaic.version = 14 : i64} {
  func.func @_l1b_body(%arg0: i32, %arg1: memref<400x256xf32, #tpu.memory_space<vmem>>, %arg2: memref<2x400x128xf32, #tpu.memory_space<vmem>>, %arg3: memref<2x400x1xf32, #tpu.memory_space<vmem>>, %arg4: memref<400x256xf32, #tpu.memory_space<vmem>>) attributes {dimension_semantics = [#tpu.dimension_semantics<arbitrary>], iteration_bounds = array<i64: 25>, scalar_prefetch = 0 : i64, scratch_operands = 0 : i64, tpu.core_type = #tpu.core_type<tc>, window_params = [{transform_indices = @transform_0, window_bounds = array<i64: 400, 256>}, {transform_indices = @transform_1, window_bounds = array<i64: 2, 400, 128>}, {transform_indices = @transform_2, window_bounds = array<i64: 2, 400, 1>}, {transform_indices = @transform_3, window_bounds = array<i64: 400, 256>}]} {
    %get3A = arith.constant 0 : index
    %get3A_0 = arith.constant 0 : index
    %get3A_1 = arith.constant 0 : index
    %get3A_2 = vector.load %arg3[%get3A, %get3A_0, %get3A_1] : memref<2x400x1xf32, #tpu.memory_space<vmem>>, vector<1x400x1xf32>
    %get3A_3 = vector.shape_cast %get3A_2 : vector<1x400x1xf32> to vector<400x1xf32>
    %get3A_4 = arith.constant 1 : index
    %get3A_5 = arith.constant 0 : index
    %get3A_6 = arith.constant 0 : index
    %get3A_7 = vector.load %arg3[%get3A_4, %get3A_5, %get3A_6] : memref<2x400x1xf32, #tpu.memory_space<vmem>>, vector<1x400x1xf32>
    %get3A_8 = vector.shape_cast %get3A_7 : vector<1x400x1xf32> to vector<400x1xf32>
    %add3A = arith.addf %get3A_3, %get3A_8 : vector<400x1xf32>
    %max3A = arith.constant 1.000000e+00 : f32
    %max3A_9 = vector.broadcast %max3A : f32 to vector<400x1xf32>
    %max3A_10 = arith.maximumf %add3A, %max3A_9 : vector<400x1xf32>
    %div3A = arith.constant 1.000000e+00 : f32
    %div3A_11 = vector.broadcast %div3A : f32 to vector<400x1xf32>
    %div3A_12 = arith.divf %div3A_11, %max3A_10 : vector<400x1xf32>
    %get3A_13 = arith.constant 0 : index
    %get3A_14 = arith.constant 0 : index
    %get3A_15 = vector.load %arg1[%get3A_13, %get3A_14] : memref<400x256xf32, #tpu.memory_space<vmem>>, vector<400x128xf32>
    %get3A_16 = arith.constant 0 : index
    %get3A_17 = arith.constant 0 : index
    %get3A_18 = arith.constant 0 : index
    %get3A_19 = vector.load %arg2[%get3A_16, %get3A_17, %get3A_18] : memref<2x400x128xf32, #tpu.memory_space<vmem>>, vector<1x400x128xf32>
    %get3A_20 = vector.shape_cast %get3A_19 : vector<1x400x128xf32> to vector<400x128xf32>
    %mul3A = vector.broadcast %div3A_12 : vector<400x1xf32> to vector<400x128xf32>
    %mul3A_21 = arith.mulf %get3A_20, %mul3A : vector<400x128xf32>
    %add3A_22 = arith.addf %get3A_15, %mul3A_21 : vector<400x128xf32>
    %swap3A = arith.constant 0 : index
    %swap3A_23 = arith.constant 0 : index
    %swap3A_24 = vector.load %arg4[%swap3A, %swap3A_23] : memref<400x256xf32, #tpu.memory_space<vmem>>, vector<400x128xf32>
    tpu.vector_store %arg4[%swap3A, %swap3A_23], %add3A_22 {strides = array<i32>} : memref<400x256xf32, #tpu.memory_space<vmem>>, vector<400x128xf32>,
    %get3A_25 = arith.constant 0 : index
    %get3A_26 = arith.constant 128 : index
    %get3A_27 = vector.load %arg1[%get3A_25, %get3A_26] : memref<400x256xf32, #tpu.memory_space<vmem>>, vector<400x128xf32>
    %get3A_28 = arith.constant 1 : index
    %get3A_29 = arith.constant 0 : index
    %get3A_30 = arith.constant 0 : index
    %get3A_31 = vector.load %arg2[%get3A_28, %get3A_29, %get3A_30] : memref<2x400x128xf32, #tpu.memory_space<vmem>>, vector<1x400x128xf32>
    %get3A_32 = vector.shape_cast %get3A_31 : vector<1x400x128xf32> to vector<400x128xf32>
    %mul3A_33 = vector.broadcast %div3A_12 : vector<400x1xf32> to vector<400x128xf32>
    %mul3A_34 = arith.mulf %get3A_32, %mul3A_33 : vector<400x128xf32>
    %add3A_35 = arith.addf %get3A_27, %mul3A_34 : vector<400x128xf32>
    %swap3A_36 = arith.constant 0 : index
    %swap3A_37 = arith.constant 128 : index
    %swap3A_38 = vector.load %arg4[%swap3A_36, %swap3A_37] : memref<400x256xf32, #tpu.memory_space<vmem>>, vector<400x128xf32>
    tpu.vector_store %arg4[%swap3A_36, %swap3A_37], %add3A_35 {strides = array<i32>} : memref<400x256xf32, #tpu.memory_space<vmem>>, vector<400x128xf32>,
    return
  }
  func.func @transform_0(%arg0: i32) -> (i32, i32) {
    %c0_i32 = arith.constant 0 : i32
    %c0_i32_0 = arith.constant 0 : i32
    return %arg0, %c0_i32 : i32, i32
  }
  func.func @transform_1(%arg0: i32) -> (i32, i32, i32) {
    %c0_i32 = arith.constant 0 : i32
    %c0_i32_0 = arith.constant 0 : i32
    %c0_i32_1 = arith.constant 0 : i32
    return %c0_i32, %arg0, %c0_i32_0 : i32, i32, i32
  }
  func.func @transform_2(%arg0: i32) -> (i32, i32, i32) {
    %c0_i32 = arith.constant 0 : i32
    %c0_i32_0 = arith.constant 0 : i32
    %c0_i32_1 = arith.constant 0 : i32
    return %c0_i32, %arg0, %c0_i32_0 : i32, i32, i32
  }
  func.func @transform_3(%arg0: i32) -> (i32, i32) {
    %c0_i32 = arith.constant 0 : i32
    %c0_i32_0 = arith.constant 0 : i32
    return %arg0, %c0_i32 : i32, i32
  }
}

</mosaic_0001>

<sc_bundles>
// kernel: kernel.10.cloned.1.call-start
scs
__scs_entry_jumppad:
0x0: {  	(pc) =	sbr.rel $0x88, $3  }
0x1: {  	(tag) =	ssettag $0x0;
	lr =	simm.s32 $0x1  }
0x2: {  	[smem:$0x3F99] =	sst lr;
	_ =	strace $0xD0000000  }
0x3: {  	_ = 	snop  }
0x4: {  	_ = 	snop  }
0x5: {  	_ = 	snop  }
0x6: {  	_ = 	snop  }
0x7: {  	_ = 	snop  }
__scs_overlays_trampoline_lowered:
0x8: {  	[smem:$0x3FA8] =	sst s0  }
0x9: {  	[smem:$0x3FA9] =	sst s1  }
0xa: {  	[smem:$0x3FAA] =	sst s2  }
0xb: {  	[smem:$0x3FAB] =	sst s3  }
0xc: {  	[smem:$0x3FAC] =	sst s4  }
0xd: {  	[smem:$0x3FAD] =	sst s5  }
0xe: {  	[smem:$0x3FAE] =	sst s6  }
0xf: {  	[smem:$0x3FAF] =	sst s7  }
0x10: {  	[smem:$0x3FB0] =	sst s8  }
0x11: {  	[smem:$0x3FB1] =	sst s9;
	s0 =	simm.s32 @!p0 $0x0  }
0x12: {  	s1 =	sld [smem:$0x3F97];
	s0 =	simm.s32 @p0 $0x1  }
0x13: {  	[smem:$0x3FB2] =	sst s0;
	s0 =	simm.s32 @!p1 $0x0  }
0x14: {  	s2 =	sld [smem:$0x3F96];
	s0 =	simm.s32 @p1 $0x1  }
0x15: {  	[smem:$0x3FB3] =	sst s0;
	s0 =	simm.s32 @!p2 $0x0  }
0x16: {  	s3 =	sld [smem:$0x3FDB];
	s0 =	simm.s32 @p2 $0x1  }
0x17: {  	s4 =	simm.s32 $0x1BF5;
	[smem:$0x3FB5] =	sst s0  }
0x18: {  	s0 =	sld [smem:$0x3F98];
	_ =	swait.ge [sflag:s4], $0x0  }
0x19: {  	s7 =	sld [smem:$0x3F99]  }
0x1a: {  	s8 =	sadd.s32 $0xFFFFE003, lr  }
0x1b: {  	s9 =	sadd.s32 $0xFFFFFEF7, lr;
	s5 =	simm.s32 $0xFFFFFFFF;
	p2 =	slt.u32 s8, $0xFFFFF086  }
0x1c: {  	p1 =	slt.u32 s9, $0xF7A;
	s5 =	simm.s32 @!p2 $0x0  }
0x1d: {  	s5 =	simm.s32 @p1 $0x1;
	p0 =	seq.s32 s7, s2  }
0x1e: {  	s7 =	smul.u32 @!p0 $0xF7A, s2;
	p2 =	seq.s32 @!p0 s5, $0x0  }
0x1f: {  	s9 =	smul.u32 $0xF7A, s1;
	s8 =	simm.s32 @!p0 $0x1BF5;
	p2 =	por !p2, p0  }
0x20: {  	[sflag:s8] =	ssyncset.s32 @!p0 $0xFFFFF086;
	s6 =	sadd.s32 @!p0 s3, s7;
	s7 =	simm.s32 @!p0 $0x108  }
0x21: {  	s3 =	sadd.s32 s3, s9;
	s6 =	sadd.s32 @!p0 $0x88, s6;
	s7 =	simm.s32 @p2 $0x1082  }
0x22: {  	[simem:s7], [sflag:s8] =	dma.local @!p0 [hbm:s6], $0xF7A  }
0x23: {  	s9 =	sor.u32 $0xD0000000, s2;
	s6 =	simm.s32 $0x108;
	_ =	swait.ge @!p0 [sflag:s8], $0x0  }
0x24: {  	s3 =	sadd.s32 $0x88, s3;
	s6 =	simm.s32 @!p1 $0x1082;
	[sflag:s4] =	ssyncset.s32 $0xFFFFF086  }
0x25: {  	[simem:s6], [sflag:s4] =	dma.local [hbm:s3], $0xF7A  }
0x26: {  	[smem:$0x3F99] =	sst s1;
	(tag) =	ssettag s2;
	_ =	strace s9  }
0x27: {  	s1 =	sld [smem:$0x3FA9]  }
0x28: {  	s2 =	sld [smem:$0x3FAA]  }
0x29: {  	s4 =	sld [smem:$0x3FAC]  }
0x2a: {  	p0 =	seq.s32 s5, $0x0;
	s5 =	sld [smem:$0x3FAD]  }
0x2b: {  	s6 =	sld [smem:$0x3FAE]  }
0x2c: {  	s7 =	sld [smem:$0x3FAF]  }
0x2d: {  	s3 =	simm.s32 $0x108;
	s8 =	sld [smem:$0x3FB0]  }
0x2e: {  	s3 =	simm.s32 @!p0 $0x1082;
	s9 =	sld [smem:$0x3FB1]  }
0x2f: {  	lr =	sadd.s32 s0, s3;
	s0 =	sld [smem:$0x3FA8]  }
0x30: {  	s3 =	sld [smem:$0x3FAB]  }
0x31: {  	[smem:$0x3FB4] =	sst s10  }
0x32: {  	s10 =	sld [smem:$0x3FB2];
	_ =	sdelay $0x3  }
0x33: {  	p0 =	seq.s32 s10, $0x1;
	s10 =	sld [smem:$0x3FB4];
	_ =	sdelay $0x3  }
0x34: {  	[smem:$0x3FB4] =	sst s10  }
0x35: {  	s10 =	sld [smem:$0x3FB3];
	_ =	sdelay $0x3  }
0x36: {  	p1 =	seq.s32 s10, $0x1;
	s10 =	sld [smem:$0x3FB4];
	_ =	sdelay $0x3  }
0x37: {  	[smem:$0x3FB4] =	sst s10  }
0x38: {  	s10 =	sld [smem:$0x3FB5]  }
0x39: {  	_ = 	snop;
	(pc) =	sbr.ind lr, $3  }
0x3a: {  	_ = 	snop  }
0x3b: {  	_ = 	snop  }
0x3c: {  	p2 =	seq.s32 s10, $0x1;
	s10 =	sld [smem:$0x3FB4]  }
0x3d: {  	_ =	shalt  }
0x3e: {  	_ =	shalt  }
0x3f: {  	_ =	shalt  }
0x40: {  	_ =	shalt  }
0x41: {  	_ =	shalt  }
0x42: {  	_ =	shalt  }
0x43: {  	_ =	shalt  }
0x44: {  	_ =	shalt  }
0x45: {  	_ =	shalt  }
0x46: {  	_ =	shalt  }
0x47: {  	_ =	shalt  }
0x48: {  	_ =	shalt  }
0x49: {  	_ =	shalt  }
0x4a: {  	_ =	shalt  }
0x4b: {  	_ =	shalt  }
0x4c: {  	_ =	shalt  }
0x4d: {  	_ =	shalt  }
0x4e: {  	_ =	shalt  }
0x4f: {  	_ =	shalt  }
0x50: {  	_ =	shalt  }
0x51: {  	_ =	shalt  }
0x52: {  	_ =	shalt  }
0x53: {  	_ =	shalt  }
0x54: {  	_ =	shalt  }
0x55: {  	_ =	shalt  }
0x56: {  	_ =	shalt  }
0x57: {  	_ =	shalt  }
0x58: {  	_ =	shalt  }
0x59: {  	_ =	shalt  }
0x5a: {  	_ =	shalt  }
0x5b: {  	_ =	shalt  }
0x5c: {  	_ =	shalt  }
0x5d: {  	_ =	shalt  }
0x5e: {  	_ =	shalt  }
0x5f: {  	_ =	shalt  }
0x60: {  	_ =	shalt  }
0x61: {  	_ =	shalt  }
0x62: {  	_ =	shalt  }
0x63: {  	_ =	shalt  }
0x64: {  	_ =	shalt  }
0x65: {  	_ =	shalt  }
0x66: {  	_ =	shalt  }
0x67: {  	_ =	shalt  }
0x68: {  	_ =	shalt  }
0x69: {  	_ =	shalt  }
0x6a: {  	_ =	shalt  }
0x6b: {  	_ =	shalt  }
0x6c: {  	_ =	shalt  }
0x6d: {  	_ =	shalt  }
0x6e: {  	_ =	shalt  }
0x6f: {  	_ =	shalt  }
0x70: {  	_ =	shalt  }
0x71: {  	_ =	shalt  }
0x72: {  	_ =	shalt  }
0x73: {  	_ =	shalt  }
0x74: {  	_ =	shalt  }
0x75: {  	_ =	shalt  }
0x76: {  	_ =	shalt  }
0x77: {  	_ =	shalt  }
0x78: {  	_ =	shalt  }
0x79: {  	_ =	shalt  }
0x7a: {  	_ =	shalt  }
0x7b: {  	_ =	shalt  }
0x7c: {  	_ =	shalt  }
0x7d: {  	_ =	shalt  }
0x7e: {  	_ =	shalt  }
0x7f: {  	_ =	shalt  }
0x80: {  	_ =	shalt  }
0x81: {  	_ =	shalt  }
0x82: {  	_ =	shalt  }
0x83: {  	_ =	shalt  }
0x84: {  	_ =	shalt  }
0x85: {  	_ =	shalt  }
0x86: {  	_ =	shalt  }
0x87: {  	_ =	shalt  }
.Lfunc_end0:
.L_simem_size_0:
called_computation.1_lowered:
.L_overlay_start_0:
0x88: {  	s2 =	sld [smem:$0x3FD9]  }
0x89: {  	s3 =	sld [smem:$0x3FFE];
	_ =	sdelay $0x1  }
0x8a: {  	s1 =	srdreg.scid  }
0x8b: {  	s0 =	sand.u32 $0x1, s1  }
0x8c: {  	s17 =	sshll.u32 s0, $0xA;
	s2 =	sadd.s32 s3, s2  }
0x8d: {  	s2 =	sadd.s32 s2, s17  }
0x8e: {  	[smem:$0x3FC0] =	sst s2  }
0x8f: {  	_ = 	snop  }
0x90: {  	s2 =	sld [smem:$0x3FD0];
	(tm) =	ssettm $0x1  }
0x91: {  	s18 =	sld [smem:$0x3FFB];
	_ =	sdelay $0x3  }
0x92: {  	_ =	strace s18  }
0x93: {  	s3 =	sld [smem:$0x3FFC];
	_ =	sdelay $0x3  }
0x94: {  	_ =	strace s3  }
0x95: {  	s3 =	sld [smem:$0x3FFD];
	_ =	sdelay $0x3  }
0x96: {  	_ =	strace s3  }
0x97: {  	_ =	strace $0x8FFFFFFF  }
0x98: {  	s19 =	sld [smem:$0x3FDB];
	_ =	sdelay $0x1  }
0x99: {  	s4 =	simm.s32 $_scs_section_size  }
0x9a: {  	s5 =	simm.s32 $_size__tile_overlayer_lowered;
	s6 =	simm.s32 $_tile_overlayer_lowered  }
0x9b: {  	s22 =	simm.s32 $0x1BFF;
	s21 =	sshll.u32 s6, $0x1;
	s3 =	sadd.s32 s4, s19  }
0x9c: {  	s7 =	simm.s32 $0x0;
	s20 =	sshll.u32 s5, $0x1;
	s5 =	sadd.s32 s21, s3  }
0x9d: {  	[timem:s7], [sflag:s22] =	dma.local [hbm:s5], s20  }
0x9e: {  	_ =	swait.ge [sflag:s22], s20  }
0x9f: {  	s4 =	ssub.s32 $0x0, s20;
	[sflag:s22] =	ssyncset.done $0x0  }
0xa0: {  	[sflag:s22] =	ssyncadd.s32 s4;
	_ =	sdelay $0x1  }
0xa1: {  	s23 =	simm.s32 $0x1B8B  }
0xa2: {  	_ =	swait.ge [sflag:s23], $0x1  }
0xa3: {  	[sflag:s23] =	ssyncset.done $0x0  }
0xa4: {  	s25 =	simm.s32 $0x1B8E;
	s24 =	sld [smem:$0x3FFE];
	[sflag:s23] =	ssyncadd.s32 $0xFFFFFFFF  }
0xa5: {  	s26 =	simm.s32 $execute0_lowered;
	[smem:$0x3FD2] =	sst s25  }
0xa6: {  	s5 =	sshll.u32 s26, $0x1;
	_ =	strace $0x80000049;
	[dreg:$0x1] =	wrdreg $0xFFFFFFFF  }
0xa7: {  	s28 =	simm.s32 $_size_execute0_lowered;
	s3 =	sadd.s32 s3, s5;
	[dreg:$0x0] =	wrdreg $0x0  }
0xa8: {  	s5 =	sshll.u32 s28, $0x1;
	[dreg:$0x2] =	wrdreg s3  }
0xa9: {  	[dreg:$0x3] =	wrdreg s5  }
0xaa: {  	[dreg:$0x4] =	wrdreg $0xC0  }
0xab: {  	_ =	task [dreg:s7], $0x5FFFF  }
0xac: {  	[dreg:$0x1] =	wrdreg $0xFFFFFFFF  }
0xad: {  	[dreg:$0x0] =	wrdreg $0x60  }
0xae: {  	[dreg:$0x2] =	wrdreg s2  }
0xaf: {  	[dreg:$0x3] =	wrdreg s24  }
0xb0: {  	[dreg:$0x4] =	wrdreg $0x0  }
0xb1: {  	[dreg:$0x5] =	wrdreg $0x9  }
0xb2: {  	_ =	task.clear_ibuf [dreg:s7], $0x6FFFF;
	_ =	strace $0x90000049  }
0xb3: {  	s29 =	simm.s32 $0x9;
	_ =	strace $0x8000004B  }
0xb4: {  	_ =	swait.ge [sflag:s29], $0x1  }
0xb5: {  	[sflag:s29] =	ssyncadd.s32 $0xFFFFFFFF  }
0xb6: {  	_ =	strace $0x9000004B  }
0xb7: {  	_ =	sfence  }
0xb8: {  	s30 =	sld [smem:$0x0];
	_ =	sdelay $0x2  }
0xb9: {  	s31 =	sshll.u32 s1, $0xD;
	s1 =	sshrl.u32 s1, $0x2  }
0xba: {  	s3 =	sand.u32 $0x4000, s31;
	s1 =	sadd.s32 s1, s30  }
0xbb: {  	s0 =	sor.u32 s3, s0;
	s1 =	sshll.u32 s1, $0x11  }
0xbc: {  	s0 =	sor.u32 s1, s0  }
0xbd: {  	s0 =	sadd.s32 $0x8F2B, s0  }
0xbe: {  	[sflag:s0] =	ssyncadd.remote.s32 $0x1  }
0xbf: {  	_ =	sfence.sel $0xFFFF  }
0xc0: {  	[dreg:$0x0] =	wrdreg $0xFFFFFFFF;
	(pc) =	sbr.abs _section_cstart, $3  }
0xc1: {  	[dreg:$0x1] =	wrdreg $0xFFFFFFFF  }
0xc2: {  	_ =	task.clear_ibuf [dreg:s7], $0x2FFFF;
	_ =	strace $0x9FFFFFFF  }
0xc3: {  	(tm) =	ssettm $0x7FFFFFFF  }
tec
execute0_lowered:
.L_overlay_start_1:
0x0: {  	(tag) =	ssettag $0x1  }
0x1: {  	s1 =	rddreg [dreg:$0x0]  }
0x2: {  	s0 =	rddreg [dreg:$0x1]  }
0x3: {  	s2 =	rddreg [dreg:$0x2]  }
0x4: {  	s3 =	simm.s32 $0x0;
	s4 =	srdreg.scid;
	s5 =	stileid.u32  }
0x5: {  	s29 =	simm.s32 $0x14080;
	s28 =	simm.s32 $0x1;
	s30 =	simm.s32 $0x14100  }
0x6: {  	s31 =	simm.s32 $0x2;
	[smem:$0x7FF] =	sst s3;
	s26 =	sadd.s32 $0x7C00, s0  }
0x7: {  	s4 =	sand.u32 $0x1, s4;
	s6 =	sshll.u32 s5, $0x4;
	s8 =	smul.u32 $0x50000, s5  }
0x8: {  	s10 =	smul.u32 $0x14000, s5;
	s13 =	sshll.u32 s5, $0x8;
	_ =	strace $0x8000004A  }
0x9: {  	s7 =	ssub.s32 $0x2, s4;
	s6 =	sadd.s32 s6, s0;
	s0 =	sadd.s32 $0x11C00, s0  }
0xa: {  	s12 =	sshll.u32 s4, $0x7;
	s4 =	smul.u32 $0x140000, s4;
	s9 =	sshrl.u32 s7, $0x1  }
0xb: {  	s8 =	sshrl.u32 s8, $0x2;
	s24 =	sadd.s32 $0x4000, s10;
	s25 =	sadd.s32 $0x8000, s10  }
0xc: {  	s11 =	sadd.s32 $0xC000, s10;
	s14 =	sadd.s32 $0x10000, s10;
	s13 =	sor.u32 s12, s13  }
0xd: {  	s7 =	ssub.s32 s7, s9;
	s16 =	sadd.s32 s8, s2;
	s19 =	sadd.s32 s24, s2  }
0xe: {  	s20 =	sadd.s32 s25, s2;
	s5 =	sadd.s32 s11, s2;
	s21 =	sadd.s32 s14, s2  }
0xf: {  	s12 =	sshrl.u32 s13, $0x3;
	s10 =	sadd.s32 s10, s4;
	s17 =	sor.u32 $0x4000, s13  }
0x10: {  	s8 =	sadd.s32 s4, s24;
	s11 =	sadd.s32 s4, s11;
	[dreg:$0x10] =	wrdreg s17  }
0x11: {  	s18 =	sor.u32 $0x3000, s13;
	s22 =	sor.u32 $0x2000, s13;
	[dreg:$0x4] =	wrdreg s16  }
0x12: {  	s23 =	sor.u32 $0x1000, s13;
	s13 =	simm.s32 $0x5;
	[dreg:$0x5] =	wrdreg s19  }
0x13: {  	s12 =	sadd.s32 s26, s12;
	s10 =	sshrl.u32 s10, $0x3;
	[dreg:$0x6] =	wrdreg s20  }
0x14: {  	s8 =	sshrl.u32 s8, $0x3;
	s15 =	smax.u32 s7, $0x1;
	[dreg:$0x7] =	wrdreg s5  }
0x15: {  	s17 =	simm.s32 $0x18400;
	s7 =	simm.s32 $0x7;
	[dreg:$0x8] =	wrdreg s21  }
0x16: {  	[dreg:$0x9] =	wrdreg s12;
	s12 =	sadd.s32 $0x2C00, s6;
	s2 =	sadd.s32 s0, s10  }
0x17: {  	s6 =	sadd.s32 s0, s8;
	s10 =	sadd.s32 s4, s25;
	[dreg:$0xf] =	wrdreg s15  }
0x18: {  	s8 =	sshrl.u32 s11, $0x3;
	s4 =	sadd.s32 s4, s14;
	[dreg:$0xa] =	wrdreg s2  }
0x19: {  	s11 =	simm.s32 $0x14400;
	s15 =	simm.s32 $0x14200;
	[dreg:$0xb] =	wrdreg s6  }
0x1a: {  	s6 =	sshrl.u32 s10, $0x3;
	s14 =	sadd.s32 s0, s8;
	s4 =	sshrl.u32 s4, $0x3  }
0x1b: {  	s10 =	simm.s32 $0x9;
	s2 =	simm.s32 $0x6;
	s8 =	simm.s32 $0x0  }
0x1c: {  	s6 =	sadd.s32 s0, s6;
	[dreg:$0xd] =	wrdreg s14;
	s0 =	sadd.s32 s0, s4  }
0x1d: {  	s4 =	sshrl.u32 s22, $0x3;
	s22 =	simm.s32 $0x14280;
	[dreg:$0xc] =	wrdreg s6  }
0x1e: {  	s14 =	simm.s32 $0x3;
	[dreg:$0xe] =	wrdreg s0;
	s0 =	sshrl.u32 s18, $0x3  }
0x1f: {  	s6 =	sshrl.u32 s23, $0x3;
	s24 =	sadd.s32 s4, s26;
	s4 =	simm.s32 $0x14180  }
0x20: {  	s18 =	simm.s32 $0x14300;
	s0 =	sadd.s32 s0, s26;
	[dreg:$0x12] =	wrdreg s24  }
0x21: {  	s23 =	simm.s32 $0x14380;
	s25 =	sadd.s32 s6, s26;
	[dreg:$0x11] =	wrdreg s0  }
0x22: {  	v0 =	vimm.f32 $0.0e+00;
	s6 =	simm.s32 $0x4;
	[dreg:$0x13] =	wrdreg s25;
	s25 =	simm.s32 $0x80  }
.LBB2_1:
0x23: {  	[dreg:$0x14] =	wrdreg s8;
	s8 =	simm.s32 $0x0;
	s9 =	simm.s32 $0x200  }
.LBB2_2:
0x24: {  	p0 =	sne.s32 s9, $0xFE00;
	[tilespmem:s8+$0x14470] =	vst v0  }
0x25: {  	[tilespmem:s8+$0x14400] =	vst v0  }
0x26: {  	[tilespmem:s8+$0x14410] =	vst v0  }
.Ltmp0:
0x27: {  	[tilespmem:s8+$0x14420] =	vst v0;
	(pc) =	sbr.rel @p0 .LBB2_2-.Ltmp0, $4  }
0x28: {  	[tilespmem:s8+$0x14430] =	vst v0  }
0x29: {  	[tilespmem:s8+$0x14440] =	vst v0  }
0x2a: {  	[tilespmem:s8+$0x14450] =	vst v0  }
0x2b: {  	[tilespmem:s8+$0x14460] =	vst v0;
	s8 =	sshra.s32 s9, $0x2;
	s9 =	sadd.s32 $0x200, s9  }
0x2c: {  	[tilespmem:s8+$0x14470] =	vst v0  }
0x2d: {  	[tilespmem:s8+$0x14400] =	vst v0  }
0x2e: {  	[tilespmem:s8+$0x14410] =	vst v0  }
0x2f: {  	[tilespmem:s8+$0x14420] =	vst v0  }
0x30: {  	[tilespmem:s8+$0x14430] =	vst v0  }
0x31: {  	[tilespmem:s8+$0x14440] =	vst v0  }
0x32: {  	[tilespmem:s8+$0x14450] =	vst v0  }
0x33: {  	[tilespmem:s8+$0x14460] =	vst v0  }
0x34: {  	[spmem:s16] =	stream.linear.scatter [tilespmem:s11], [sflag:$0x9], $0x4000, $0x38;
	[tilespmem:$0x1C400] =	vst v63  }
0x35: {  	_ =	swait.ge [sflag:s10], $0x4000  }
0x36: {  	[sflag:s10] =	ssyncset.done $0x0  }
0x37: {  	[sflag:s10] =	ssyncadd.s32 $0xFFFFC000  }
0x38: {  	[spmem:s19] =	stream.linear.scatter [tilespmem:s11], [sflag:$0x9], $0x4000, $0x38;
	[tilespmem:$0x1C400] =	vst v63  }
0x39: {  	_ =	swait.ge [sflag:s10], $0x4000  }
0x3a: {  	[sflag:s10] =	ssyncset.done $0x0  }
0x3b: {  	[sflag:s10] =	ssyncadd.s32 $0xFFFFC000  }
0x3c: {  	[spmem:s20] =	stream.linear.scatter [tilespmem:s11], [sflag:$0x9], $0x4000, $0x38;
	[tilespmem:$0x1C400] =	vst v63  }
0x3d: {  	_ =	swait.ge [sflag:s10], $0x4000  }
0x3e: {  	[sflag:s10] =	ssyncset.done $0x0  }
0x3f: {  	[sflag:s10] =	ssyncadd.s32 $0xFFFFC000  }
0x40: {  	[spmem:s5] =	stream.linear.scatter [tilespmem:s11], [sflag:$0x9], $0x4000, $0x38;
	[tilespmem:$0x1C400] =	vst v63  }
0x41: {  	_ =	swait.ge [sflag:s10], $0x4000  }
0x42: {  	[sflag:s10] =	ssyncset.done $0x0  }
0x43: {  	[sflag:s10] =	ssyncadd.s32 $0xFFFFC000  }
0x44: {  	[spmem:s21] =	stream.linear.scatter [tilespmem:s11], [sflag:$0x9], $0x4000, $0x38;
	[tilespmem:$0x1C400] =	vst v63  }
0x45: {  	_ =	swait.ge [sflag:s10], $0x4000  }
0x46: {  	[sflag:s10] =	ssyncset.done $0x0  }
0x47: {  	[sflag:s10] =	ssyncadd.s32 $0xFFFFC000  }
0x48: {  	[bflag:$0x0] =	sbarrier.arrive $0xFFFF  }
0x49: {  	s24 =	simm.s32 $0x14000;
	s21 =	simm.s32 $0x0;
	s0 =	rddreg [dreg:$0x9]  }
0x4a: {  	[tilespmem:s24], [sflag:$0x1] =	stream.linear.gather [hbm4b:s0+s21], $0x80, $0x38;
	[tilespmem:$0x1C400] =	vst v63  }
0x4b: {  	_ = 	snop  }
0x4c: {  	[tilespmem:s29], [sflag:$0x1] =	stream.linear.gather [hbm4b:s12+s21], $0x80, $0x38;
	[tilespmem:$0x1C400] =	vst v63  }
0x4d: {  	_ =	swait.ge [sflag:s28], $0x80  }
0x4e: {  	[sflag:s28] =	ssyncset.done $0x0  }
0x4f: {  	[sflag:s28] =	ssyncadd.s32 $0xFFFFFF80  }
0x50: {  	_ =	swait.ge [sflag:s28], $0x80  }
0x51: {  	[sflag:s28] =	ssyncset.done $0x0  }
0x52: {  	s0 =	sadd.s32 $0x0, s12;
	s5 =	rddreg [dreg:$0x13];
	[sflag:s28] =	ssyncadd.s32 $0xFFFFFF80  }
0x53: {  	[tilespmem:s30], [sflag:$0x2] =	stream.linear.gather [hbm4b:s5+s3], $0x80, $0x38;
	[tilespmem:$0x1C400] =	vst v63  }
0x54: {  	p0 =	por $0x0, $0x0;
	s9 =	sadd.s32 $0x100, s0  }
0x55: {  	[tilespmem:s4], [sflag:$0x2] =	stream.linear.gather [hbm4b:s9+s3], $0x80, $0x38;
	[tilespmem:$0x1C400] =	vst v63  }
0x56: {  	s9 =	simm.s32 @p0 $0x7  }
0x57: {  	_ =	swait.ge @p0 [sflag:s9], $0x4000  }
0x58: {  	s19 =	simm.s32 @p0 $0x80;
	s20 =	simm.s32 @p0 $0x14000;
	[sflag:s9] =	ssyncset.done @p0 $0x0  }
0x59: {  	s10 =	simm.s32 @p0 $0x14400;
	[sflag:s9] =	ssyncadd.s32 @p0 $0xFFFFC000;
	s9 =	simm.s32 @p0 $0x6  }
0x5a: {  	[tilespmem:s10], [sflag:$0x5] =	stream.indirect.gather @p0 [hbm4b:s1+s19], $0x80, s20, s19, $0xb8;
	[tilespmem:$0x1C400] =	vst v63  }
0x5b: {  	_ =	swait.ge @p0 [sflag:s9], $0x4000  }
0x5c: {  	[sflag:s9] =	ssyncset.done @p0 $0x0  }
0x5d: {  	[sflag:s9] =	ssyncadd.s32 @p0 $0xFFFFC000  }
0x5e: {  	s10 =	simm.s32 @p0 $0x14380;
	s20 =	simm.s32 @p0 $0x18400;
	s24 =	rddreg [dreg:$0x2]  }
0x5f: {  	[spmem:s24] =	stream.indirect.scatter.add.f32 @p0 [tilespmem:s20], [sflag:$0x8], $0x80, s10, s19, $0xb8;
	[tilespmem:$0x1C400] =	vst v63  }
0x60: {  	s9 =	simm.s32 @!p0 $0x14400;
	s10 =	simm.s32 @!p0 $0x80;
	s19 =	simm.s32 @!p0 $0x14000  }
0x61: {  	[tilespmem:s9], [sflag:$0x5] =	stream.indirect.gather @!p0 [hbm4b:s1+s10], $0x80, s19, s10, $0xb8;
	[tilespmem:$0x1C400] =	vst v63  }
0x62: {  	_ =	swait.ge [sflag:s31], $0x80  }
0x63: {  	[sflag:s31] =	ssyncset.done $0x0  }
0x64: {  	[sflag:s31] =	ssyncadd.s32 $0xFFFFFF80  }
0x65: {  	_ =	swait.ge [sflag:s31], $0x80  }
0x66: {  	[sflag:s31] =	ssyncset.done $0x0  }
0x67: {  	p0 =	por $0x1, $0x1;
	s20 =	rddreg [dreg:$0x12];
	[sflag:s31] =	ssyncadd.s32 $0xFFFFFF80  }
0x68: {  	[tilespmem:s15], [sflag:$0x3] =	stream.linear.gather [hbm4b:s20+s3], $0x80, $0x38;
	[tilespmem:$0x1C400] =	vst v63  }
0x69: {  	s21 =	sadd.s32 $0x200, s0;
	s10 =	simm.s32 @!p0 $0x8  }
0x6a: {  	[tilespmem:s22], [sflag:$0x3] =	stream.linear.gather [hbm4b:s21+s3], $0x80, $0x38;
	[tilespmem:$0x1C400] =	vst v63  }
0x6b: {  	_ =	swait.ge @!p0 [sflag:s10], $0x4000  }
0x6c: {  	[sflag:s10] =	ssyncset.done @!p0 $0x0  }
0x6d: {  	[sflag:s10] =	ssyncadd.s32 @!p0 $0xFFFFC000  }
0x6e: {  	[tilespmem:s17], [sflag:$0x6] =	stream.indirect.gather [hbm4b:s1+s25], $0x80, s30, s25, $0xb8;
	[tilespmem:$0x1C400] =	vst v63  }
0x6f: {  	_ =	swait.ge [sflag:s13], $0x4000  }
0x70: {  	[sflag:s13] =	ssyncset.done $0x0  }
0x71: {  	[sflag:s13] =	ssyncadd.s32 $0xFFFFC000  }
0x72: {  	[spmem:s24] =	stream.indirect.scatter.add.f32 [tilespmem:s11], [sflag:$0x7], $0x80, s29, s25, $0xb8;
	[tilespmem:$0x1C400] =	vst v63  }
0x73: {  	_ =	swait.ge [sflag:s14], $0x80  }
0x74: {  	[sflag:s14] =	ssyncset.done $0x0  }
0x75: {  	[sflag:s14] =	ssyncadd.s32 $0xFFFFFF80  }
0x76: {  	_ =	swait.ge [sflag:s14], $0x80  }
0x77: {  	[sflag:s14] =	ssyncset.done $0x0  }
0x78: {  	s22 =	rddreg [dreg:$0x11];
	[sflag:s14] =	ssyncadd.s32 $0xFFFFFF80  }
0x79: {  	[tilespmem:s18], [sflag:$0x4] =	stream.linear.gather [hbm4b:s22+s3], $0x80, $0x38;
	[tilespmem:$0x1C400] =	vst v63  }
0x7a: {  	s8 =	sadd.s32 $0x300, s0  }
0x7b: {  	[tilespmem:s23], [sflag:$0x4] =	stream.linear.gather [hbm4b:s8+s3], $0x80, $0x38;
	[tilespmem:$0x1C400] =	vst v63  }
0x7c: {  	_ =	swait.ge [sflag:s7], $0x4000  }
0x7d: {  	[sflag:s7] =	ssyncset.done $0x0  }
0x7e: {  	[sflag:s7] =	ssyncadd.s32 $0xFFFFC000  }
0x7f: {  	[tilespmem:s11], [sflag:$0x5] =	stream.indirect.gather [hbm4b:s1+s25], $0x80, s15, s25, $0xb8;
	[tilespmem:$0x1C400] =	vst v63  }
0x80: {  	_ =	swait.ge [sflag:s2], $0x4000  }
0x81: {  	[sflag:s2] =	ssyncset.done $0x0  }
0x82: {  	[sflag:s2] =	ssyncadd.s32 $0xFFFFC000  }
0x83: {  	[spmem:s24] =	stream.indirect.scatter.add.f32 [tilespmem:s17], [sflag:$0x8], $0x80, s4, s25, $0xb8;
	[tilespmem:$0x1C400] =	vst v63  }
0x84: {  	_ =	swait.ge [sflag:s6], $0x80  }
0x85: {  	[sflag:s6] =	ssyncset.done $0x0  }
0x86: {  	[sflag:s6] =	ssyncadd.s32 $0xFFFFFF80  }
0x87: {  	p0 =	por $0x0, $0x0;
	_ =	swait.ge [sflag:s6], $0x80  }
0x88: {  	s9 =	simm.s32 @!p0 $0x14000;
	s21 =	rddreg [dreg:$0x10]  }
0x89: {  	s10 =	simm.s32 @!p0 $0x0;
	[sflag:s6] =	ssyncset.done $0x0;
	s8 =	sshrl.u32 @!p0 s21, $0x3  }
0x8a: {  	s19 =	sadd.s32 @!p0 $0x0, s12;
	[sflag:s6] =	ssyncadd.s32 $0xFFFFFF80;
	s8 =	sadd.s32 @!p0 s26, s8  }
0x8b: {  	[tilespmem:s9], [sflag:$0x1] =	stream.linear.gather @!p0 [hbm4b:s8+s10], $0x80, $0x38;
	[tilespmem:$0x1C400] =	vst v63  }
0x8c: {  	s29 =	simm.s32 $0x8;
	s8 =	simm.s32 @!p0 $0x14080;
	s9 =	sadd.s32 @!p0 $0x400, s19  }
0x8d: {  	[tilespmem:s8], [sflag:$0x1] =	stream.linear.gather @!p0 [hbm4b:s9+s10], $0x80, $0x38;
	[tilespmem:$0x1C400] =	vst v63  }
0x8e: {  	s0 =	smov.u32 s24;
	s20 =	sadd.s32 $0x800, s20;
	_ =	swait.ge [sflag:s29], $0x4000  }
0x8f: {  	s7 =	simm.s32 $0x7;
	s11 =	simm.s32 $0x14400;
	[sflag:s29] =	ssyncset.done $0x0  }
0x90: {  	s2 =	simm.s32 $0x6;
	s19 =	sadd.s32 $0x800, s22;
	[sflag:s29] =	ssyncadd.s32 $0xFFFFC000  }
0x91: {  	[tilespmem:s17], [sflag:$0x6] =	stream.indirect.gather [hbm4b:s1+s25], $0x80, s18, s25, $0xb8;
	[tilespmem:$0x1C400] =	vst v63  }
0x92: {  	s9 =	simm.s32 $0x400;
	s10 =	sadd.s32 $0x800, s5;
	_ =	swait.ge [sflag:s13], $0x4000  }
0x93: {  	s17 =	simm.s32 $0x18400;
	s18 =	simm.s32 $0x14300;
	[sflag:s13] =	ssyncset.done $0x0  }
.LBB2_4:
0x94: {  	[sflag:s13] =	ssyncadd.s32 $0xFFFFC000;
	s4 =	simm.s32 $0x14280  }
0x95: {  	[spmem:s0] =	stream.indirect.scatter.add.f32 [tilespmem:s11], [sflag:$0x7], $0x80, s4, s25, $0xb8;
	[tilespmem:$0x1C400] =	vst v63  }
0x96: {  	_ =	swait.ge [sflag:s28], $0x80  }
0x97: {  	[sflag:s28] =	ssyncset.done $0x0  }
0x98: {  	[sflag:s28] =	ssyncadd.s32 $0xFFFFFF80  }
0x99: {  	_ =	swait.ge [sflag:s28], $0x80  }
0x9a: {  	s22 =	smov.u32 s9;
	[sflag:s28] =	ssyncset.done $0x0  }
0x9b: {  	s8 =	sadd.s32 s22, s12;
	[sflag:s28] =	ssyncadd.s32 $0xFFFFFF80  }
0x9c: {  	[tilespmem:s30], [sflag:$0x2] =	stream.linear.gather [hbm4b:s10+s3], $0x80, $0x38;
	[tilespmem:$0x1C400] =	vst v63  }
0x9d: {  	s15 =	simm.s32 $0x14180;
	p1 =	sne.s32 s22, $0x0;
	s24 =	sadd.s32 $0x100, s8  }
0x9e: {  	[tilespmem:s15], [sflag:$0x2] =	stream.linear.gather [hbm4b:s24+s3], $0x80, $0x38;
	[tilespmem:$0x1C400] =	vst v63  }
0x9f: {  	s24 =	simm.s32 @p1 $0x7  }
0xa0: {  	_ =	swait.ge @p1 [sflag:s24], $0x4000  }
0xa1: {  	s29 =	simm.s32 @p1 $0x14400;
	s16 =	simm.s32 @p1 $0x80;
	[sflag:s24] =	ssyncset.done @p1 $0x0  }
0xa2: {  	s5 =	simm.s32 @p1 $0x14000;
	[sflag:s24] =	ssyncadd.s32 @p1 $0xFFFFC000;
	s24 =	simm.s32 @p1 $0x6  }
0xa3: {  	[tilespmem:s29], [sflag:$0x5] =	stream.indirect.gather @p1 [hbm4b:s1+s16], $0x80, s5, s16, $0xb8;
	[tilespmem:$0x1C400] =	vst v63  }
0xa4: {  	_ =	swait.ge @p1 [sflag:s24], $0x4000  }
0xa5: {  	[sflag:s24] =	ssyncset.done @p1 $0x0  }
0xa6: {  	s23 =	smov.u32 s12;
	[sflag:s24] =	ssyncadd.s32 @p1 $0xFFFFC000  }
0xa7: {  	s0 =	simm.s32 @p1 $0x14380;
	s29 =	simm.s32 @p1 $0x18400;
	s12 =	rddreg [dreg:$0x2]  }
0xa8: {  	[spmem:s12] =	stream.indirect.scatter.add.f32 @p1 [tilespmem:s29], [sflag:$0x8], $0x80, s0, s16, $0xb8;
	[tilespmem:$0x1C400] =	vst v63  }
0xa9: {  	s30 =	simm.s32 @!p1 $0x14000;
	s5 =	simm.s32 @!p1 $0x14400;
	s24 =	simm.s32 @!p1 $0x80  }
0xaa: {  	[tilespmem:s5], [sflag:$0x5] =	stream.indirect.gather @!p1 [hbm4b:s1+s24], $0x80, s30, s24, $0xb8;
	[tilespmem:$0x1C400] =	vst v63  }
0xab: {  	s0 =	rddreg [dreg:$0x2];
	_ =	swait.ge [sflag:s31], $0x80  }
0xac: {  	[sflag:s31] =	ssyncset.done $0x0  }
0xad: {  	[sflag:s31] =	ssyncadd.s32 $0xFFFFFF80  }
0xae: {  	_ =	swait.ge [sflag:s31], $0x80  }
0xaf: {  	[sflag:s31] =	ssyncset.done $0x0  }
0xb0: {  	p1 =	seq.s32 s22, $0x0;
	s24 =	simm.s32 $0x14200;
	[sflag:s31] =	ssyncadd.s32 $0xFFFFFF80  }
0xb1: {  	[tilespmem:s24], [sflag:$0x3] =	stream.linear.gather [hbm4b:s20+s3], $0x80, $0x38;
	[tilespmem:$0x1C400] =	vst v63  }
0xb2: {  	s5 =	sadd.s32 $0x200, s8;
	s16 =	simm.s32 @!p1 $0x8  }
0xb3: {  	[tilespmem:s4], [sflag:$0x3] =	stream.linear.gather [hbm4b:s5+s3], $0x80, $0x38;
	[tilespmem:$0x1C400] =	vst v63  }
0xb4: {  	_ =	swait.ge @!p1 [sflag:s16], $0x4000  }
0xb5: {  	[sflag:s16] =	ssyncset.done @!p1 $0x0  }
0xb6: {  	s30 =	simm.s32 $0x14100;
	[sflag:s16] =	ssyncadd.s32 @!p1 $0xFFFFC000  }
0xb7: {  	[tilespmem:s17], [sflag:$0x6] =	stream.indirect.gather [hbm4b:s1+s25], $0x80, s30, s25, $0xb8;
	[tilespmem:$0x1C400] =	vst v63  }
0xb8: {  	_ =	swait.ge [sflag:s13], $0x4000  }
0xb9: {  	[sflag:s13] =	ssyncset.done $0x0  }
0xba: {  	s29 =	simm.s32 $0x14080;
	[sflag:s13] =	ssyncadd.s32 $0xFFFFC000  }
0xbb: {  	[spmem:s0] =	stream.indirect.scatter.add.f32 [tilespmem:s11], [sflag:$0x7], $0x80, s29, s25, $0xb8;
	[tilespmem:$0x1C400] =	vst v63  }
0xbc: {  	_ =	swait.ge [sflag:s14], $0x80  }
0xbd: {  	[sflag:s14] =	ssyncset.done $0x0  }
0xbe: {  	[sflag:s14] =	ssyncadd.s32 $0xFFFFFF80  }
0xbf: {  	_ =	swait.ge [sflag:s14], $0x80  }
0xc0: {  	[sflag:s14] =	ssyncset.done $0x0  }
0xc1: {  	[sflag:s14] =	ssyncadd.s32 $0xFFFFFF80  }
0xc2: {  	[tilespmem:s18], [sflag:$0x4] =	stream.linear.gather [hbm4b:s19+s3], $0x80, $0x38;
	[tilespmem:$0x1C400] =	vst v63  }
0xc3: {  	s8 =	sadd.s32 $0x300, s8;
	s16 =	simm.s32 $0x14380  }
0xc4: {  	[tilespmem:s16], [sflag:$0x4] =	stream.linear.gather [hbm4b:s8+s3], $0x80, $0x38;
	[tilespmem:$0x1C400] =	vst v63  }
0xc5: {  	_ =	swait.ge [sflag:s7], $0x4000  }
0xc6: {  	[sflag:s7] =	ssyncset.done $0x0  }
0xc7: {  	[sflag:s7] =	ssyncadd.s32 $0xFFFFC000  }
0xc8: {  	[tilespmem:s11], [sflag:$0x5] =	stream.indirect.gather [hbm4b:s1+s25], $0x80, s24, s25, $0xb8;
	[tilespmem:$0x1C400] =	vst v63  }
0xc9: {  	_ =	swait.ge [sflag:s2], $0x4000  }
0xca: {  	[sflag:s2] =	ssyncset.done $0x0  }
0xcb: {  	[sflag:s2] =	ssyncadd.s32 $0xFFFFC000  }
0xcc: {  	[spmem:s0] =	stream.indirect.scatter.add.f32 [tilespmem:s17], [sflag:$0x8], $0x80, s15, s25, $0xb8;
	[tilespmem:$0x1C400] =	vst v63  }
0xcd: {  	_ =	swait.ge [sflag:s6], $0x80  }
0xce: {  	s21 =	sadd.s32 $0x4000, s21;
	[sflag:s6] =	ssyncset.done $0x0  }
0xcf: {  	s9 =	sadd.s32 $0x400, s9;
	p1 =	seq.s32 s22, $0x4C00;
	[sflag:s6] =	ssyncadd.s32 $0xFFFFFF80  }
0xd0: {  	s12 =	smov.u32 s23;
	s5 =	sshrl.u32 @!p1 s21, $0x3;
	_ =	swait.ge [sflag:s6], $0x80  }
0xd1: {  	s22 =	sadd.s32 @!p1 s22, s12;
	s5 =	sadd.s32 @!p1 s26, s5;
	[sflag:s6] =	ssyncset.done $0x0  }
0xd2: {  	s8 =	simm.s32 @!p1 $0x14000;
	s16 =	simm.s32 @!p1 $0x0;
	[sflag:s6] =	ssyncadd.s32 $0xFFFFFF80  }
0xd3: {  	[tilespmem:s8], [sflag:$0x1] =	stream.linear.gather @!p1 [hbm4b:s5+s16], $0x80, $0x38;
	[tilespmem:$0x1C400] =	vst v63  }
0xd4: {  	s24 =	simm.s32 @!p1 $0x14080;
	s8 =	simm.s32 $0x8;
	s5 =	sadd.s32 @!p1 $0x400, s22  }
0xd5: {  	[tilespmem:s24], [sflag:$0x1] =	stream.linear.gather @!p1 [hbm4b:s5+s16], $0x80, $0x38;
	[tilespmem:$0x1C400] =	vst v63  }
0xd6: {  	p0 =	sne.s32 s9, $0x5000;
	_ =	swait.ge [sflag:s8], $0x4000  }
.Ltmp1:
0xd7: {  	[sflag:s8] =	ssyncset.done $0x0;
	(pc) =	sbr.rel @p0 .LBB2_4-.Ltmp1, $4  }
0xd8: {  	[sflag:s8] =	ssyncadd.s32 $0xFFFFC000  }
0xd9: {  	[tilespmem:s17], [sflag:$0x6] =	stream.indirect.gather [hbm4b:s1+s25], $0x80, s18, s25, $0xb8;
	[tilespmem:$0x1C400] =	vst v63  }
0xda: {  	s10 =	sadd.s32 $0x800, s10;
	s23 =	simm.s32 $0x14280;
	_ =	swait.ge [sflag:s13], $0x4000  }
0xdb: {  	s20 =	sadd.s32 $0x800, s20;
	s19 =	sadd.s32 $0x800, s19;
	[sflag:s13] =	ssyncset.done $0x0  }
0xdc: {  	[sflag:s13] =	ssyncadd.s32 $0xFFFFC000  }
0xdd: {  	[spmem:s0] =	stream.indirect.scatter.add.f32 [tilespmem:s11], [sflag:$0x7], $0x80, s23, s25, $0xb8;
	[tilespmem:$0x1C400] =	vst v63  }
0xde: {  	_ =	swait.ge [sflag:s2], $0x4000  }
0xdf: {  	[sflag:s2] =	ssyncset.done $0x0  }
0xe0: {  	s10 =	simm.s32 $0x14380;
	[sflag:s2] =	ssyncadd.s32 $0xFFFFC000  }
0xe1: {  	[spmem:s0] =	stream.indirect.scatter.add.f32 [tilespmem:s17], [sflag:$0x8], $0x80, s10, s25, $0xb8;
	[tilespmem:$0x1C400] =	vst v63  }
0xe2: {  	_ =	swait.ge [sflag:s7], $0x4000  }
0xe3: {  	[sflag:s7] =	ssyncset.done $0x0  }
0xe4: {  	[sflag:s7] =	ssyncadd.s32 $0xFFFFC000  }
0xe5: {  	_ =	swait.ge [sflag:s8], $0x4000  }
0xe6: {  	[sflag:s8] =	ssyncset.done $0x0  }
0xe7: {  	[sflag:s8] =	ssyncadd.s32 $0xFFFFC000  }
0xe8: {  	[bflag:$0x0] =	sbarrier.arrive $0xFFFF  }
0xe9: {  	s10 =	simm.s32 $0x9;
	s16 =	rddreg [dreg:$0x4]  }
0xea: {  	[tilespmem:s11], [sflag:$0x9] =	stream.linear.gather [spmem:s16], $0x4000, $0x38;
	[tilespmem:$0x1C400] =	vst v63  }
0xeb: {  	_ =	swait.ge [sflag:s10], $0x4000  }
0xec: {  	[sflag:s10] =	ssyncset.done $0x0  }
0xed: {  	s15 =	rddreg [dreg:$0xa];
	[sflag:s10] =	ssyncadd.s32 $0xFFFFC000  }
0xee: {  	[hbm4b:s15+s3] =	stream.linear.scatter [tilespmem:s11], [sflag:$0x9], $0x4000, $0x38;
	[tilespmem:$0x1C400] =	vst v63  }
0xef: {  	_ =	swait.ge [sflag:s10], $0x4000  }
0xf0: {  	[sflag:s10] =	ssyncset.done $0x0  }
0xf1: {  	s19 =	rddreg [dreg:$0x5];
	[sflag:s10] =	ssyncadd.s32 $0xFFFFC000  }
0xf2: {  	[tilespmem:s11], [sflag:$0x9] =	stream.linear.gather [spmem:s19], $0x4000, $0x38;
	[tilespmem:$0x1C400] =	vst v63  }
0xf3: {  	_ =	swait.ge [sflag:s10], $0x4000  }
0xf4: {  	[sflag:s10] =	ssyncset.done $0x0  }
0xf5: {  	s17 =	rddreg [dreg:$0xb];
	[sflag:s10] =	ssyncadd.s32 $0xFFFFC000  }
0xf6: {  	[hbm4b:s17+s3] =	stream.linear.scatter [tilespmem:s11], [sflag:$0x9], $0x4000, $0x38;
	[tilespmem:$0x1C400] =	vst v63  }
0xf7: {  	_ =	swait.ge [sflag:s10], $0x4000  }
0xf8: {  	[sflag:s10] =	ssyncset.done $0x0  }
0xf9: {  	s20 =	rddreg [dreg:$0x6];
	[sflag:s10] =	ssyncadd.s32 $0xFFFFC000  }
0xfa: {  	[tilespmem:s11], [sflag:$0x9] =	stream.linear.gather [spmem:s20], $0x4000, $0x38;
	[tilespmem:$0x1C400] =	vst v63  }
0xfb: {  	_ =	swait.ge [sflag:s10], $0x4000  }
0xfc: {  	[sflag:s10] =	ssyncset.done $0x0  }
0xfd: {  	s18 =	rddreg [dreg:$0xc];
	[sflag:s10] =	ssyncadd.s32 $0xFFFFC000  }
0xfe: {  	[hbm4b:s18+s3] =	stream.linear.scatter [tilespmem:s11], [sflag:$0x9], $0x4000, $0x38;
	[tilespmem:$0x1C400] =	vst v63  }
0xff: {  	_ =	swait.ge [sflag:s10], $0x4000  }
0x100: {  	[sflag:s10] =	ssyncset.done $0x0  }
0x101: {  	s5 =	rddreg [dreg:$0x7];
	[sflag:s10] =	ssyncadd.s32 $0xFFFFC000  }
0x102: {  	[tilespmem:s11], [sflag:$0x9] =	stream.linear.gather [spmem:s5], $0x4000, $0x38;
	[tilespmem:$0x1C400] =	vst v63  }
0x103: {  	_ =	swait.ge [sflag:s10], $0x4000  }
0x104: {  	[sflag:s10] =	ssyncset.done $0x0  }
0x105: {  	s21 =	rddreg [dreg:$0xd];
	[sflag:s10] =	ssyncadd.s32 $0xFFFFC000  }
0x106: {  	[hbm4b:s21+s3] =	stream.linear.scatter [tilespmem:s11], [sflag:$0x9], $0x4000, $0x38;
	[tilespmem:$0x1C400] =	vst v63  }
0x107: {  	_ =	swait.ge [sflag:s10], $0x4000  }
0x108: {  	[sflag:s10] =	ssyncset.done $0x0  }
0x109: {  	s21 =	rddreg [dreg:$0x8];
	[sflag:s10] =	ssyncadd.s32 $0xFFFFC000  }
0x10a: {  	[tilespmem:s11], [sflag:$0x9] =	stream.linear.gather [spmem:s21], $0x4000, $0x38;
	[tilespmem:$0x1C400] =	vst v63  }
0x10b: {  	_ =	swait.ge [sflag:s10], $0x4000  }
0x10c: {  	[sflag:s10] =	ssyncset.done $0x0  }
0x10d: {  	s22 =	rddreg [dreg:$0xe];
	[sflag:s10] =	ssyncadd.s32 $0xFFFFC000  }
0x10e: {  	[hbm4b:s22+s3] =	stream.linear.scatter [tilespmem:s11], [sflag:$0x9], $0x4000, $0x38;
	[tilespmem:$0x1C400] =	vst v63  }
0x10f: {  	_ =	swait.ge [sflag:s10], $0x4000  }
0x110: {  	s23 =	rddreg [dreg:$0x14]  }
0x111: {  	s24 =	rddreg [dreg:$0xf];
	s8 =	sadd.s32 $0x1, s23  }
0x112: {  	p0 =	sne.s32 s8, s24  }
.Ltmp2:
0x113: {  	_ = 	snop;
	(pc) =	sbr.rel @p0 .LBB2_1-.Ltmp2, $4  }
0x114: {  	s4 =	simm.s32 $0x14180;
	s2 =	simm.s32 $0x6  }
0x115: {  	s7 =	simm.s32 $0x7;
	s15 =	simm.s32 $0x14200;
	s17 =	simm.s32 $0x18400  }
0x116: {  	s18 =	simm.s32 $0x14300;
	s22 =	simm.s32 $0x14280;
	[sflag:s10] =	ssyncset.done $0x0  }
0x117: {  	s11 =	simm.s32 $0x14400;
	[sflag:s10] =	ssyncadd.s32 $0xFFFFC000;
	s23 =	simm.s32 $0x14380  }
0x118: {  	_ =	sfence.sel $0x180000  }
0x119: {  	[bflag:$0x0] =	sbarrier.arrive $0xFFFF  }
0x11a: {  	_ =	strace $0x9000004A  }
0x11b: {  	s0 =	stileid.u32;
	[bflag:$0x2] =	sbarrier.arrive $0xFFFF  }
0x11c: {  	p0 =	sne.s32 s0, $0x0;
	s0 =	rddreg [dreg:$0x3]  }
0x11d: {  	s0 =	sadd.s32 @!p0 $0x100000, s0  }
0x11e: {  	[sflag:s0] =	ssyncadd.tile.s32 @!p0 $0x1;
	_ =	shalt  }
.Lfunc_end2:
_tile_overlayer_lowered:
.L_overlay_start_2:
0x11f: {  	(tag) =	ssettag $0x2  }
0x120: {  	s0 =	rddreg [dreg:$0x0];
	s2 =	stileid.u32  }
0x121: {  	s1 =	rddreg [dreg:$0x1];
	p0 =	sne.s32 s2, $0x0  }
0x122: {  	s3 =	rddreg [dreg:$0x2];
	[bflag:$0x3] =	sbarrier.arrive $0xFFFF;
	s2 =	simm.s32 @!p0 $0x1C09  }
0x123: {  	[timem:s3], [sflag:s2] =	dma.local @!p0 [hbm:s0], s1  }
0x124: {  	s0 =	simm.s32 @!p0 $0x9  }
0x125: {  	_ =	swait.ge @!p0 [sflag:s0], s1  }
0x126: {  	s1 =	ssub.s32 @!p0 $0x0, s1;
	[sflag:s0] =	ssyncset.done @!p0 $0x0  }
0x127: {  	[sflag:s0] =	ssyncadd.s32 @!p0 s1  }
0x128: {  	[bflag:$0x3] =	sbarrier.arrive $0xFFFF  }
0x129: {  	_ =	shalt  }

// kernel: kernel.7.cloned.1.call-start
scs
__scs_entry_jumppad:
0x0: {  	(pc) =	sbr.rel $0x88, $3  }
0x1: {  	(tag) =	ssettag $0x0;
	lr =	simm.s32 $0x1  }
0x2: {  	[smem:$0x3F99] =	sst lr;
	_ =	strace $0xD0000000  }
0x3: {  	_ = 	snop  }
0x4: {  	_ = 	snop  }
0x5: {  	_ = 	snop  }
0x6: {  	_ = 	snop  }
0x7: {  	_ = 	snop  }
__scs_overlays_trampoline_lowered:
0x8: {  	[smem:$0x3FA8] =	sst s0  }
0x9: {  	[smem:$0x3FA9] =	sst s1  }
0xa: {  	[smem:$0x3FAA] =	sst s2  }
0xb: {  	[smem:$0x3FAB] =	sst s3  }
0xc: {  	[smem:$0x3FAC] =	sst s4  }
0xd: {  	[smem:$0x3FAD] =	sst s5  }
0xe: {  	[smem:$0x3FAE] =	sst s6  }
0xf: {  	[smem:$0x3FAF] =	sst s7  }
0x10: {  	[smem:$0x3FB0] =	sst s8  }
0x11: {  	[smem:$0x3FB1] =	sst s9;
	s0 =	simm.s32 @!p0 $0x0  }
0x12: {  	s1 =	sld [smem:$0x3F97];
	s0 =	simm.s32 @p0 $0x1  }
0x13: {  	[smem:$0x3FB2] =	sst s0;
	s0 =	simm.s32 @!p1 $0x0  }
0x14: {  	s2 =	sld [smem:$0x3F96];
	s0 =	simm.s32 @p1 $0x1  }
0x15: {  	[smem:$0x3FB3] =	sst s0;
	s0 =	simm.s32 @!p2 $0x0  }
0x16: {  	s3 =	sld [smem:$0x3FDB];
	s0 =	simm.s32 @p2 $0x1  }
0x17: {  	s4 =	simm.s32 $0x1BF5;
	[smem:$0x3FB5] =	sst s0  }
0x18: {  	s0 =	sld [smem:$0x3F98];
	_ =	swait.ge [sflag:s4], $0x0  }
0x19: {  	s7 =	sld [smem:$0x3F99]  }
0x1a: {  	s8 =	sadd.s32 $0xFFFFE003, lr  }
0x1b: {  	s9 =	sadd.s32 $0xFFFFFEF7, lr;
	s5 =	simm.s32 $0xFFFFFFFF;
	p2 =	slt.u32 s8, $0xFFFFF086  }
0x1c: {  	p1 =	slt.u32 s9, $0xF7A;
	s5 =	simm.s32 @!p2 $0x0  }
0x1d: {  	s5 =	simm.s32 @p1 $0x1;
	p0 =	seq.s32 s7, s2  }
0x1e: {  	s7 =	smul.u32 @!p0 $0xF7A, s2;
	p2 =	seq.s32 @!p0 s5, $0x0  }
0x1f: {  	s9 =	smul.u32 $0xF7A, s1;
	s8 =	simm.s32 @!p0 $0x1BF5;
	p2 =	por !p2, p0  }
0x20: {  	[sflag:s8] =	ssyncset.s32 @!p0 $0xFFFFF086;
	s6 =	sadd.s32 @!p0 s3, s7;
	s7 =	simm.s32 @!p0 $0x108  }
0x21: {  	s3 =	sadd.s32 s3, s9;
	s6 =	sadd.s32 @!p0 $0x88, s6;
	s7 =	simm.s32 @p2 $0x1082  }
0x22: {  	[simem:s7], [sflag:s8] =	dma.local @!p0 [hbm:s6], $0xF7A  }
0x23: {  	s9 =	sor.u32 $0xD0000000, s2;
	s6 =	simm.s32 $0x108;
	_ =	swait.ge @!p0 [sflag:s8], $0x0  }
0x24: {  	s3 =	sadd.s32 $0x88, s3;
	s6 =	simm.s32 @!p1 $0x1082;
	[sflag:s4] =	ssyncset.s32 $0xFFFFF086  }
0x25: {  	[simem:s6], [sflag:s4] =	dma.local [hbm:s3], $0xF7A  }
0x26: {  	[smem:$0x3F99] =	sst s1;
	(tag) =	ssettag s2;
	_ =	strace s9  }
0x27: {  	s1 =	sld [smem:$0x3FA9]  }
0x28: {  	s2 =	sld [smem:$0x3FAA]  }
0x29: {  	s4 =	sld [smem:$0x3FAC]  }
0x2a: {  	p0 =	seq.s32 s5, $0x0;
	s5 =	sld [smem:$0x3FAD]  }
0x2b: {  	s6 =	sld [smem:$0x3FAE]  }
0x2c: {  	s7 =	sld [smem:$0x3FAF]  }
0x2d: {  	s3 =	simm.s32 $0x108;
	s8 =	sld [smem:$0x3FB0]  }
0x2e: {  	s3 =	simm.s32 @!p0 $0x1082;
	s9 =	sld [smem:$0x3FB1]  }
0x2f: {  	lr =	sadd.s32 s0, s3;
	s0 =	sld [smem:$0x3FA8]  }
0x30: {  	s3 =	sld [smem:$0x3FAB]  }
0x31: {  	[smem:$0x3FB4] =	sst s10  }
0x32: {  	s10 =	sld [smem:$0x3FB2];
	_ =	sdelay $0x3  }
0x33: {  	p0 =	seq.s32 s10, $0x1;
	s10 =	sld [smem:$0x3FB4];
	_ =	sdelay $0x3  }
0x34: {  	[smem:$0x3FB4] =	sst s10  }
0x35: {  	s10 =	sld [smem:$0x3FB3];
	_ =	sdelay $0x3  }
0x36: {  	p1 =	seq.s32 s10, $0x1;
	s10 =	sld [smem:$0x3FB4];
	_ =	sdelay $0x3  }
0x37: {  	[smem:$0x3FB4] =	sst s10  }
0x38: {  	s10 =	sld [smem:$0x3FB5]  }
0x39: {  	_ = 	snop;
	(pc) =	sbr.ind lr, $3  }
0x3a: {  	_ = 	snop  }
0x3b: {  	_ = 	snop  }
0x3c: {  	p2 =	seq.s32 s10, $0x1;
	s10 =	sld [smem:$0x3FB4]  }
0x3d: {  	_ =	shalt  }
0x3e: {  	_ =	shalt  }
0x3f: {  	_ =	shalt  }
0x40: {  	_ =	shalt  }
0x41: {  	_ =	shalt  }
0x42: {  	_ =	shalt  }
0x43: {  	_ =	shalt  }
0x44: {  	_ =	shalt  }
0x45: {  	_ =	shalt  }
0x46: {  	_ =	shalt  }
0x47: {  	_ =	shalt  }
0x48: {  	_ =	shalt  }
0x49: {  	_ =	shalt  }
0x4a: {  	_ =	shalt  }
0x4b: {  	_ =	shalt  }
0x4c: {  	_ =	shalt  }
0x4d: {  	_ =	shalt  }
0x4e: {  	_ =	shalt  }
0x4f: {  	_ =	shalt  }
0x50: {  	_ =	shalt  }
0x51: {  	_ =	shalt  }
0x52: {  	_ =	shalt  }
0x53: {  	_ =	shalt  }
0x54: {  	_ =	shalt  }
0x55: {  	_ =	shalt  }
0x56: {  	_ =	shalt  }
0x57: {  	_ =	shalt  }
0x58: {  	_ =	shalt  }
0x59: {  	_ =	shalt  }
0x5a: {  	_ =	shalt  }
0x5b: {  	_ =	shalt  }
0x5c: {  	_ =	shalt  }
0x5d: {  	_ =	shalt  }
0x5e: {  	_ =	shalt  }
0x5f: {  	_ =	shalt  }
0x60: {  	_ =	shalt  }
0x61: {  	_ =	shalt  }
0x62: {  	_ =	shalt  }
0x63: {  	_ =	shalt  }
0x64: {  	_ =	shalt  }
0x65: {  	_ =	shalt  }
0x66: {  	_ =	shalt  }
0x67: {  	_ =	shalt  }
0x68: {  	_ =	shalt  }
0x69: {  	_ =	shalt  }
0x6a: {  	_ =	shalt  }
0x6b: {  	_ =	shalt  }
0x6c: {  	_ =	shalt  }
0x6d: {  	_ =	shalt  }
0x6e: {  	_ =	shalt  }
0x6f: {  	_ =	shalt  }
0x70: {  	_ =	shalt  }
0x71: {  	_ =	shalt  }
0x72: {  	_ =	shalt  }
0x73: {  	_ =	shalt  }
0x74: {  	_ =	shalt  }
0x75: {  	_ =	shalt  }
0x76: {  	_ =	shalt  }
0x77: {  	_ =	shalt  }
0x78: {  	_ =	shalt  }
0x79: {  	_ =	shalt  }
0x7a: {  	_ =	shalt  }
0x7b: {  	_ =	shalt  }
0x7c: {  	_ =	shalt  }
0x7d: {  	_ =	shalt  }
0x7e: {  	_ =	shalt  }
0x7f: {  	_ =	shalt  }
0x80: {  	_ =	shalt  }
0x81: {  	_ =	shalt  }
0x82: {  	_ =	shalt  }
0x83: {  	_ =	shalt  }
0x84: {  	_ =	shalt  }
0x85: {  	_ =	shalt  }
0x86: {  	_ =	shalt  }
0x87: {  	_ =	shalt  }
.Lfunc_end0:
.L_simem_size_0:
called_computation_lowered:
.L_overlay_start_0:
0x88: {  	s2 =	sld [smem:$0x3FD9]  }
0x89: {  	s3 =	sld [smem:$0x3FFE];
	_ =	sdelay $0x1  }
0x8a: {  	s1 =	srdreg.scid  }
0x8b: {  	s0 =	sand.u32 $0x1, s1  }
0x8c: {  	s17 =	sshll.u32 s0, $0xA;
	s2 =	sadd.s32 s3, s2  }
0x8d: {  	s2 =	sadd.s32 s2, s17  }
0x8e: {  	[smem:$0x3FC0] =	sst s2  }
0x8f: {  	_ = 	snop  }
0x90: {  	s2 =	sld [smem:$0x3FD0];
	(tm) =	ssettm $0x1  }
0x91: {  	s18 =	sld [smem:$0x3FFB];
	_ =	sdelay $0x3  }
0x92: {  	_ =	strace s18  }
0x93: {  	s3 =	sld [smem:$0x3FFC];
	_ =	sdelay $0x3  }
0x94: {  	_ =	strace s3  }
0x95: {  	s3 =	sld [smem:$0x3FFD];
	_ =	sdelay $0x3  }
0x96: {  	_ =	strace s3  }
0x97: {  	_ =	strace $0x8FFFFFFF  }
0x98: {  	s19 =	sld [smem:$0x3FDB];
	_ =	sdelay $0x1  }
0x99: {  	s4 =	simm.s32 $_scs_section_size  }
0x9a: {  	s5 =	simm.s32 $_size__tile_overlayer_lowered;
	s6 =	simm.s32 $_tile_overlayer_lowered  }
0x9b: {  	s22 =	simm.s32 $0x1BFF;
	s21 =	sshll.u32 s6, $0x1;
	s3 =	sadd.s32 s4, s19  }
0x9c: {  	s7 =	simm.s32 $0x0;
	s20 =	sshll.u32 s5, $0x1;
	s5 =	sadd.s32 s21, s3  }
0x9d: {  	[timem:s7], [sflag:s22] =	dma.local [hbm:s5], s20  }
0x9e: {  	_ =	swait.ge [sflag:s22], s20  }
0x9f: {  	s4 =	ssub.s32 $0x0, s20;
	[sflag:s22] =	ssyncset.done $0x0  }
0xa0: {  	[sflag:s22] =	ssyncadd.s32 s4;
	_ =	sdelay $0x1  }
0xa1: {  	s23 =	simm.s32 $0x1B8B  }
0xa2: {  	_ =	swait.ge [sflag:s23], $0x1  }
0xa3: {  	[sflag:s23] =	ssyncset.done $0x0  }
0xa4: {  	s25 =	simm.s32 $0x1B8E;
	s24 =	sld [smem:$0x3FFE];
	[sflag:s23] =	ssyncadd.s32 $0xFFFFFFFF  }
0xa5: {  	s26 =	simm.s32 $execute0_lowered;
	[smem:$0x3FD2] =	sst s25  }
0xa6: {  	s5 =	sshll.u32 s26, $0x1;
	_ =	strace $0x80000046;
	[dreg:$0x1] =	wrdreg $0xFFFFFFFF  }
0xa7: {  	s28 =	simm.s32 $_size_execute0_lowered;
	s3 =	sadd.s32 s3, s5;
	[dreg:$0x0] =	wrdreg $0x0  }
0xa8: {  	s5 =	sshll.u32 s28, $0x1;
	[dreg:$0x2] =	wrdreg s3  }
0xa9: {  	[dreg:$0x3] =	wrdreg s5  }
0xaa: {  	[dreg:$0x4] =	wrdreg $0xC0  }
0xab: {  	_ =	task [dreg:s7], $0x5FFFF  }
0xac: {  	[dreg:$0x1] =	wrdreg $0xFFFFFFFF  }
0xad: {  	[dreg:$0x0] =	wrdreg $0x60  }
0xae: {  	[dreg:$0x2] =	wrdreg s2  }
0xaf: {  	[dreg:$0x3] =	wrdreg s24  }
0xb0: {  	[dreg:$0x4] =	wrdreg $0x0  }
0xb1: {  	[dreg:$0x5] =	wrdreg $0x1C4000  }
0xb2: {  	[dreg:$0x6] =	wrdreg $0x9  }
0xb3: {  	_ =	task.clear_ibuf [dreg:s7], $0x7FFFF;
	_ =	strace $0x90000046  }
0xb4: {  	s29 =	simm.s32 $0x9;
	_ =	strace $0x80000048  }
0xb5: {  	_ =	swait.ge [sflag:s29], $0x1  }
0xb6: {  	[sflag:s29] =	ssyncadd.s32 $0xFFFFFFFF  }
0xb7: {  	_ =	strace $0x90000048  }
0xb8: {  	_ =	sfence  }
0xb9: {  	s30 =	sld [smem:$0x0];
	_ =	sdelay $0x2  }
0xba: {  	s31 =	sshll.u32 s1, $0xD;
	s1 =	sshrl.u32 s1, $0x2  }
0xbb: {  	s3 =	sand.u32 $0x4000, s31;
	s1 =	sadd.s32 s1, s30  }
0xbc: {  	s0 =	sor.u32 s3, s0;
	s1 =	sshll.u32 s1, $0x11  }
0xbd: {  	s0 =	sor.u32 s1, s0  }
0xbe: {  	s0 =	sadd.s32 $0x8F2B, s0  }
0xbf: {  	[sflag:s0] =	ssyncadd.remote.s32 $0x1  }
0xc0: {  	_ =	sfence.sel $0xFFFF  }
0xc1: {  	[dreg:$0x0] =	wrdreg $0xFFFFFFFF;
	(pc) =	sbr.abs _section_cstart, $3  }
0xc2: {  	[dreg:$0x1] =	wrdreg $0xFFFFFFFF  }
0xc3: {  	_ =	task.clear_ibuf [dreg:s7], $0x2FFFF;
	_ =	strace $0x9FFFFFFF  }
0xc4: {  	(tm) =	ssettm $0x7FFFFFFF  }
0xc5: {  	_ =	shalt  }
tec
execute0_lowered:
.L_overlay_start_1:
0x0: {  	(tag) =	ssettag $0x1  }
0x1: {  	s1 =	rddreg [dreg:$0x0]  }
0x2: {  	s0 =	rddreg [dreg:$0x1]  }
0x3: {  	s2 =	rddreg [dreg:$0x2]  }
0x4: {  	s4 =	rddreg [dreg:$0x3]  }
0x5: {  	s5 =	simm.s32 $0x0;
	s6 =	stileid.u32;
	s3 =	srdreg.scid  }
0x6: {  	s31 =	simm.s32 $0x7;
	[smem:$0x7FF] =	sst s5;
	s7 =	smul.u32 $0x500, s6  }
0x7: {  	s3 =	sand.u32 $0x1, s3;
	s18 =	sadd.s32 $0x7C00, s0;
	s10 =	smul.u32 $0x280, s6  }
0x8: {  	s8 =	sshll.u32 s6, $0x4;
	s12 =	smul.u32 $0x50000, s6;
	s13 =	sadd.s32 $0x12600, s0  }
0x9: {  	s14 =	sshll.u32 s6, $0x8;
	s23 =	smul.u32 $0x14000, s6;
	s28 =	ssub.s32 $0x290, s6  }
0xa: {  	_ =	strace $0x80000047;
	s9 =	sshll.u32 s3, $0x7;
	s8 =	sadd.s32 s8, s0  }
0xb: {  	s11 =	ssub.s32 $0x2, s3;
	s17 =	smul.u32 $0x140000, s3;
	p0 =	seq.s32 s3, $0x1  }
0xc: {  	p1 =	sne.s32 s3, $0x0;
	[dreg:$0x5] =	wrdreg s18;
	s7 =	sor.u32 s9, s7  }
0xd: {  	s26 =	sshrl.u32 s11, $0x1;
	s29 =	sshrl.u32 s12, $0x2;
	s30 =	sshll.u32 s10, $0x7  }
0xe: {  	s9 =	sor.u32 s9, s14;
	s14 =	sadd.s32 $0x2C00, s8;
	p2 =	por !p0, !p0  }
0xf: {  	s7 =	sshrl.u32 s7, $0x3;
	s19 =	sadd.s32 s29, s2;
	s22 =	sadd.s32 $0x4000, s30  }
0x10: {  	s15 =	sadd.s32 $0x8000, s30;
	s16 =	sadd.s32 $0xC000, s30;
	s12 =	sadd.s32 $0x10000, s30  }
0x11: {  	s29 =	sshrl.u32 s9, $0x3;
	s30 =	sadd.s32 s23, s17;
	s0 =	sadd.s32 s7, s0  }
0x12: {  	s7 =	ssub.s32 s11, s26;
	s20 =	sadd.s32 s22, s2;
	s21 =	sadd.s32 s15, s2  }
0x13: {  	s26 =	sadd.s32 s10, s4;
	s10 =	sadd.s32 s18, s29;
	[dreg:$0x6] =	wrdreg s19  }
0x14: {  	s23 =	sadd.s32 s17, s15;
	s15 =	sor.u32 $0x4000, s9;
	[dreg:$0xc] =	wrdreg s10  }
0x15: {  	s24 =	sadd.s32 s16, s2;
	s25 =	sadd.s32 s12, s2;
	[dreg:$0x14] =	wrdreg s15  }
0x16: {  	s11 =	sadd.s32 s17, s22;
	s29 =	sadd.s32 s17, s16;
	[dreg:$0x7] =	wrdreg s20  }
0x17: {  	s16 =	sor.u32 $0x3000, s9;
	s10 =	sshrl.u32 s30, $0x3;
	[dreg:$0x8] =	wrdreg s21  }
0x18: {  	s11 =	sshrl.u32 s11, $0x3;
	s30 =	sadd.s32 s17, s12;
	[dreg:$0x9] =	wrdreg s24  }
0x19: {  	s0 =	sadd.s32 $0x11C00, s0;
	s17 =	sor.u32 $0x2000, s9;
	[dreg:$0xa] =	wrdreg s25  }
0x1a: {  	s15 =	simm.s32 $0x14100;
	[dreg:$0xb] =	wrdreg s26;
	s8 =	sadd.s32 s13, s10  }
0x1b: {  	s22 =	sadd.s32 s13, s11;
	s10 =	sshrl.u32 s29, $0x3;
	s11 =	sshrl.u32 s30, $0x3  }
0x1c: {  	[dreg:$0x12] =	wrdreg s0;
	s0 =	sshrl.u32 s16, $0x3;
	s3 =	sshrl.u32 s17, $0x3  }
0x1d: {  	s30 =	ssub.s32 $0x2A0, s6;
	s6 =	simm.s32 $0x14400;
	[dreg:$0xd] =	wrdreg s8  }
0x1e: {  	s17 =	simm.s32 $0x80;
	[dreg:$0xe] =	wrdreg s22;
	s8 =	sshrl.u32 s23, $0x3  }
0x1f: {  	s10 =	sadd.s32 s13, s10;
	s12 =	sadd.s32 s13, s11;
	[dreg:$0x18] =	wrdreg s30  }
0x20: {  	s22 =	sor.u32 $0x1000, s9;
	s0 =	sadd.s32 s0, s18;
	[dreg:$0x10] =	wrdreg s10  }
0x21: {  	s23 =	sadd.s32 s3, s18;
	s9 =	simm.s32 $0xB;
	[dreg:$0x11] =	wrdreg s12  }
0x22: {  	s3 =	simm.s32 $0x0;
	s8 =	sadd.s32 s13, s8;
	[dreg:$0x15] =	wrdreg s0  }
.Ltmp0:
0x23: {  	s13 =	smax.u32 s7, $0x1;
	[dreg:$0x16] =	wrdreg s23;
	(pc) =	sbr.rel .LBB2_1-.Ltmp0, $4  }
0x24: {  	s29 =	sshrl.u32 s22, $0x3;
	s10 =	simm.s32 $0x1C680;
	s22 =	simm.s32 $0x5  }
0x25: {  	s23 =	simm.s32 $0x3;
	s7 =	simm.s32 $0x4;
	[dreg:$0xf] =	wrdreg s8  }
0x26: {  	[dreg:$0x13] =	wrdreg s13;
	s0 =	sadd.s32 s29, s18;
	s13 =	simm.s32 $0x1  }
0x27: {  	v0 =	vimm.f32 $0.0e+00;
	v1 =	vimm.f32 $1.000000000e+00;
	s18 =	simm.s32 $0x2;
	s8 =	simm.s32 $0x8;
	[dreg:$0x17] =	wrdreg s0  }
.LBB2_7:
0x28: {  	s0 =	simm.s32 $0x6  }
0x29: {  	_ =	swait.ge [sflag:s0], $0x4000  }
0x2a: {  	[sflag:s0] =	ssyncset.done $0x0  }
0x2b: {  	s26 =	simm.s32 $0x18400;
	s3 =	simm.s32 $0x14380;
	[sflag:s0] =	ssyncadd.s32 $0xFFFFC000  }
0x2c: {  	[spmem:s2] =	stream.indirect.scatter.add.f32 [tilespmem:s26], [sflag:$0x8], $0x80, s3, s17, $0xb8;
	[tilespmem:$0x1C980] =	vst v63  }
0x2d: {  	s6 =	simm.s32 @p1 $0x1C900;
	s0 =	simm.s32 @p1 $0x80;
	s3 =	simm.s32 @p1 $0x14380  }
0x2e: {  	[spmem:s4] =	stream.indirect.scatter.add.f32 @p1 [tilespmem:s6], [sflag:$0xA], $0x1, s3, s0, $0xb8;
	[tilespmem:$0x1C980] =	vst v63  }
0x2f: {  	s0 =	simm.s32 @p1 $0x7  }
0x30: {  	_ =	swait.ge @p1 [sflag:s0], $0x4000  }
0x31: {  	[sflag:s0] =	ssyncset.done @p1 $0x0  }
0x32: {  	[sflag:s0] =	ssyncadd.s32 @p1 $0xFFFFC000;
	s0 =	simm.s32 @p1 $0x9  }
0x33: {  	_ =	swait.ge @p1 [sflag:s0], $0x80  }
0x34: {  	[sflag:s0] =	ssyncset.done @p1 $0x0  }
0x35: {  	[sflag:s0] =	ssyncadd.s32 @p1 $0xFFFFFF80;
	s0 =	simm.s32 @p1 $0x8  }
0x36: {  	_ =	swait.ge @p1 [sflag:s0], $0x4000  }
0x37: {  	[sflag:s0] =	ssyncset.done @p1 $0x0  }
0x38: {  	[sflag:s0] =	ssyncadd.s32 @p1 $0xFFFFC000;
	s0 =	simm.s32 @p1 $0xA  }
0x39: {  	_ =	swait.ge @p1 [sflag:s0], $0x80  }
0x3a: {  	[sflag:s0] =	ssyncset.done @p1 $0x0  }
0x3b: {  	[sflag:s0] =	ssyncadd.s32 @p1 $0xFFFFFF80;
	s0 =	simm.s32 @!p1 $0x7  }
0x3c: {  	_ =	swait.ge @!p1 [sflag:s0], $0x4000  }
0x3d: {  	[sflag:s0] =	ssyncset.done @!p1 $0x0  }
0x3e: {  	[sflag:s0] =	ssyncadd.s32 @!p1 $0xFFFFC000;
	s0 =	simm.s32 @!p1 $0x8  }
0x3f: {  	_ =	swait.ge @!p1 [sflag:s0], $0x4000  }
0x40: {  	[sflag:s0] =	ssyncset.done @!p1 $0x0  }
0x41: {  	[sflag:s0] =	ssyncadd.s32 @!p1 $0xFFFFC000  }
0x42: {  	[bflag:$0x0] =	sbarrier.arrive $0xFFFF  }
0x43: {  	s9 =	simm.s32 $0xB;
	s6 =	simm.s32 $0x14400;
	s19 =	rddreg [dreg:$0x6]  }
0x44: {  	[tilespmem:s6], [sflag:$0xB] =	stream.linear.gather [spmem:s19], $0x4000, $0x38;
	[tilespmem:$0x1C980] =	vst v63  }
0x45: {  	_ =	swait.ge [sflag:s9], $0x4000  }
0x46: {  	[sflag:s9] =	ssyncset.done $0x0  }
0x47: {  	s29 =	rddreg [dreg:$0xd];
	[sflag:s9] =	ssyncadd.s32 $0xFFFFC000  }
0x48: {  	[hbm4b:s29+s5] =	stream.linear.scatter [tilespmem:s6], [sflag:$0xB], $0x4000, $0x38;
	[tilespmem:$0x1C980] =	vst v63  }
0x49: {  	_ =	swait.ge [sflag:s9], $0x4000  }
0x4a: {  	[sflag:s9] =	ssyncset.done $0x0  }
0x4b: {  	s20 =	rddreg [dreg:$0x7];
	[sflag:s9] =	ssyncadd.s32 $0xFFFFC000  }
0x4c: {  	[tilespmem:s6], [sflag:$0xB] =	stream.linear.gather [spmem:s20], $0x4000, $0x38;
	[tilespmem:$0x1C980] =	vst v63  }
0x4d: {  	_ =	swait.ge [sflag:s9], $0x4000  }
0x4e: {  	[sflag:s9] =	ssyncset.done $0x0  }
0x4f: {  	s30 =	rddreg [dreg:$0xe];
	[sflag:s9] =	ssyncadd.s32 $0xFFFFC000  }
0x50: {  	[hbm4b:s30+s5] =	stream.linear.scatter [tilespmem:s6], [sflag:$0xB], $0x4000, $0x38;
	[tilespmem:$0x1C980] =	vst v63  }
0x51: {  	_ =	swait.ge [sflag:s9], $0x4000  }
0x52: {  	[sflag:s9] =	ssyncset.done $0x0  }
0x53: {  	s21 =	rddreg [dreg:$0x8];
	[sflag:s9] =	ssyncadd.s32 $0xFFFFC000  }
0x54: {  	[tilespmem:s6], [sflag:$0xB] =	stream.linear.gather [spmem:s21], $0x4000, $0x38;
	[tilespmem:$0x1C980] =	vst v63  }
0x55: {  	_ =	swait.ge [sflag:s9], $0x4000  }
0x56: {  	[sflag:s9] =	ssyncset.done $0x0  }
0x57: {  	s3 =	rddreg [dreg:$0xf];
	[sflag:s9] =	ssyncadd.s32 $0xFFFFC000  }
0x58: {  	[hbm4b:s3+s5] =	stream.linear.scatter [tilespmem:s6], [sflag:$0xB], $0x4000, $0x38;
	[tilespmem:$0x1C980] =	vst v63  }
0x59: {  	_ =	swait.ge [sflag:s9], $0x4000  }
0x5a: {  	[sflag:s9] =	ssyncset.done $0x0  }
0x5b: {  	s24 =	rddreg [dreg:$0x9];
	[sflag:s9] =	ssyncadd.s32 $0xFFFFC000  }
0x5c: {  	[tilespmem:s6], [sflag:$0xB] =	stream.linear.gather [spmem:s24], $0x4000, $0x38;
	[tilespmem:$0x1C980] =	vst v63  }
0x5d: {  	_ =	swait.ge [sflag:s9], $0x4000  }
0x5e: {  	[sflag:s9] =	ssyncset.done $0x0  }
0x5f: {  	s10 =	rddreg [dreg:$0x10];
	[sflag:s9] =	ssyncadd.s32 $0xFFFFC000  }
0x60: {  	[hbm4b:s10+s5] =	stream.linear.scatter [tilespmem:s6], [sflag:$0xB], $0x4000, $0x38;
	[tilespmem:$0x1C980] =	vst v63  }
0x61: {  	_ =	swait.ge [sflag:s9], $0x4000  }
0x62: {  	[sflag:s9] =	ssyncset.done $0x0  }
0x63: {  	s25 =	rddreg [dreg:$0xa];
	[sflag:s9] =	ssyncadd.s32 $0xFFFFC000  }
0x64: {  	[tilespmem:s6], [sflag:$0xB] =	stream.linear.gather [spmem:s25], $0x4000, $0x38;
	[tilespmem:$0x1C980] =	vst v63  }
0x65: {  	_ =	swait.ge [sflag:s9], $0x4000  }
0x66: {  	[sflag:s9] =	ssyncset.done $0x0  }
0x67: {  	s11 =	rddreg [dreg:$0x11];
	[sflag:s9] =	ssyncadd.s32 $0xFFFFC000  }
0x68: {  	[hbm4b:s11+s5] =	stream.linear.scatter [tilespmem:s6], [sflag:$0xB], $0x4000, $0x38;
	[tilespmem:$0x1C980] =	vst v63  }
0x69: {  	_ =	swait.ge [sflag:s9], $0x4000  }
0x6a: {  	[sflag:s9] =	ssyncset.done $0x0  }
0x6b: {  	s10 =	simm.s32 $0x1C680;
	s26 =	rddreg [dreg:$0xb];
	[sflag:s9] =	ssyncadd.s32 $0xFFFFC000  }
0x6c: {  	[tilespmem:s10], [sflag:$0xB] =	stream.linear.gather [spmem:s26], $0x280, $0x38;
	[tilespmem:$0x1C980] =	vst v63  }
0x6d: {  	_ =	swait.ge [sflag:s9], $0x280  }
0x6e: {  	[sflag:s9] =	ssyncset.done $0x0  }
0x6f: {  	s16 =	simm.s32 $0x100;
	s12 =	rddreg [dreg:$0x12];
	[sflag:s9] =	ssyncadd.s32 $0xFFFFFD80  }
0x70: {  	[hbm4b:s12+s17] =	stream.strided.scatter [tilespmem:s10], [sflag:$0xB], $0x280, s16, s17, $0x38;
	[tilespmem:$0x1C980] =	vst v63  }
0x71: {  	_ =	swait.ge [sflag:s9], $0x280  }
0x72: {  	s29 =	rddreg [dreg:$0x19]  }
0x73: {  	s30 =	rddreg [dreg:$0x13];
	s3 =	sadd.s32 $0x1, s29  }
0x74: {  	p3 =	sne.s32 s3, s30  }
.Ltmp1:
0x75: {  	_ = 	snop;
	(pc) =	sbr.rel @!p3 .LBB2_8-.Ltmp1, $3  }
0x76: {  	_ =	sdelay $0x1  }
0x77: {  	[sflag:s9] =	ssyncset.done $0x0  }
0x78: {  	[sflag:s9] =	ssyncadd.s32 $0xFFFFFD80  }
.LBB2_1:
0x79: {  	[dreg:$0x19] =	wrdreg s3;
	s0 =	simm.s32 $0x0;
	s3 =	simm.s32 $0x200  }
.LBB2_2:
0x7a: {  	p3 =	sne.s32 s3, $0xFE00;
	[tilespmem:s0+$0x14470] =	vst v0  }
0x7b: {  	[tilespmem:s0+$0x14400] =	vst v0  }
0x7c: {  	[tilespmem:s0+$0x14410] =	vst v0  }
.Ltmp2:
0x7d: {  	[tilespmem:s0+$0x14420] =	vst v0;
	(pc) =	sbr.rel @p3 .LBB2_2-.Ltmp2, $4  }
0x7e: {  	[tilespmem:s0+$0x14430] =	vst v0  }
0x7f: {  	[tilespmem:s0+$0x14440] =	vst v0  }
0x80: {  	[tilespmem:s0+$0x14450] =	vst v0  }
0x81: {  	[tilespmem:s0+$0x14460] =	vst v0;
	s0 =	sshra.s32 s3, $0x2;
	s3 =	sadd.s32 $0x200, s3  }
0x82: {  	[tilespmem:s0+$0x14470] =	vst v0  }
0x83: {  	[tilespmem:s0+$0x14400] =	vst v0  }
0x84: {  	[tilespmem:s0+$0x14410] =	vst v0  }
0x85: {  	[tilespmem:s0+$0x14420] =	vst v0  }
0x86: {  	[tilespmem:s0+$0x14430] =	vst v0  }
0x87: {  	[tilespmem:s0+$0x14440] =	vst v0  }
0x88: {  	[tilespmem:s0+$0x14450] =	vst v0  }
0x89: {  	[tilespmem:s0+$0x14460] =	vst v0  }
0x8a: {  	[spmem:s19] =	stream.linear.scatter [tilespmem:s6], [sflag:$0xB], $0x4000, $0x38;
	[tilespmem:$0x1C980] =	vst v63  }
0x8b: {  	_ =	swait.ge [sflag:s9], $0x4000  }
0x8c: {  	[sflag:s9] =	ssyncset.done $0x0  }
0x8d: {  	[sflag:s9] =	ssyncadd.s32 $0xFFFFC000  }
0x8e: {  	[spmem:s20] =	stream.linear.scatter [tilespmem:s6], [sflag:$0xB], $0x4000, $0x38;
	[tilespmem:$0x1C980] =	vst v63  }
0x8f: {  	_ =	swait.ge [sflag:s9], $0x4000  }
0x90: {  	[sflag:s9] =	ssyncset.done $0x0  }
0x91: {  	[sflag:s9] =	ssyncadd.s32 $0xFFFFC000  }
0x92: {  	[spmem:s21] =	stream.linear.scatter [tilespmem:s6], [sflag:$0xB], $0x4000, $0x38;
	[tilespmem:$0x1C980] =	vst v63  }
0x93: {  	_ =	swait.ge [sflag:s9], $0x4000  }
0x94: {  	[sflag:s9] =	ssyncset.done $0x0  }
0x95: {  	[sflag:s9] =	ssyncadd.s32 $0xFFFFC000  }
0x96: {  	[spmem:s24] =	stream.linear.scatter [tilespmem:s6], [sflag:$0xB], $0x4000, $0x38;
	[tilespmem:$0x1C980] =	vst v63  }
0x97: {  	_ =	swait.ge [sflag:s9], $0x4000  }
0x98: {  	[sflag:s9] =	ssyncset.done $0x0  }
0x99: {  	[sflag:s9] =	ssyncadd.s32 $0xFFFFC000  }
0x9a: {  	[spmem:s25] =	stream.linear.scatter [tilespmem:s6], [sflag:$0xB], $0x4000, $0x38;
	[tilespmem:$0x1C980] =	vst v63  }
0x9b: {  	_ =	swait.ge [sflag:s9], $0x4000  }
0x9c: {  	[sflag:s9] =	ssyncset.done $0x0  }
0x9d: {  	[sflag:s9] =	ssyncadd.s32 $0xFFFFC000  }
0x9e: {  	[tilespmem:$0x1C680] =	vst v0  }
0x9f: {  	[tilespmem:$0x1C690] =	vst v0  }
0xa0: {  	[tilespmem:$0x1C6A0] =	vst v0  }
0xa1: {  	[tilespmem:$0x1C6B0] =	vst v0  }
0xa2: {  	[tilespmem:$0x1C6C0] =	vst v0  }
0xa3: {  	[tilespmem:$0x1C6D0] =	vst v0  }
0xa4: {  	[tilespmem:$0x1C6E0] =	vst v0  }
0xa5: {  	[tilespmem:$0x1C6F0] =	vst v0  }
0xa6: {  	[tilespmem:$0x1C700] =	vst v0  }
0xa7: {  	[tilespmem:$0x1C710] =	vst v0  }
0xa8: {  	[tilespmem:$0x1C720] =	vst v0  }
0xa9: {  	[tilespmem:$0x1C730] =	vst v0  }
0xaa: {  	[tilespmem:$0x1C740] =	vst v0  }
0xab: {  	[tilespmem:$0x1C750] =	vst v0  }
0xac: {  	[tilespmem:$0x1C760] =	vst v0  }
0xad: {  	[tilespmem:$0x1C770] =	vst v0  }
0xae: {  	[tilespmem:$0x1C780] =	vst v0  }
0xaf: {  	[tilespmem:$0x1C790] =	vst v0  }
0xb0: {  	[tilespmem:$0x1C7A0] =	vst v0  }
0xb1: {  	[tilespmem:$0x1C7B0] =	vst v0  }
0xb2: {  	[tilespmem:$0x1C7C0] =	vst v0  }
0xb3: {  	[tilespmem:$0x1C7D0] =	vst v0  }
0xb4: {  	[tilespmem:$0x1C7E0] =	vst v0  }
0xb5: {  	[tilespmem:$0x1C7F0] =	vst v0  }
0xb6: {  	[tilespmem:$0x1C800] =	vst v0  }
0xb7: {  	[tilespmem:$0x1C810] =	vst v0  }
0xb8: {  	[tilespmem:$0x1C820] =	vst v0  }
0xb9: {  	[tilespmem:$0x1C830] =	vst v0  }
0xba: {  	[tilespmem:$0x1C840] =	vst v0  }
0xbb: {  	[tilespmem:$0x1C850] =	vst v0  }
0xbc: {  	[tilespmem:$0x1C860] =	vst v0  }
0xbd: {  	[tilespmem:$0x1C870] =	vst v0  }
0xbe: {  	[tilespmem:$0x1C880] =	vst v0  }
0xbf: {  	[tilespmem:$0x1C890] =	vst v0  }
0xc0: {  	[tilespmem:$0x1C8A0] =	vst v0  }
0xc1: {  	[tilespmem:$0x1C8B0] =	vst v0  }
0xc2: {  	[tilespmem:$0x1C8C0] =	vst v0  }
0xc3: {  	[tilespmem:$0x1C8D0] =	vst v0  }
0xc4: {  	[tilespmem:$0x1C8E0] =	vst v0  }
0xc5: {  	[tilespmem:$0x1C8F0] =	vst v0  }
0xc6: {  	[spmem:s26] =	stream.linear.scatter [tilespmem:s10], [sflag:$0xB], $0x280, $0x38;
	[tilespmem:$0x1C980] =	vst v63  }
0xc7: {  	_ =	swait.ge [sflag:s9], $0x280  }
0xc8: {  	[sflag:s9] =	ssyncset.done $0x0  }
0xc9: {  	[sflag:s9] =	ssyncadd.s32 $0xFFFFFD80  }
0xca: {  	[tilespmem:$0x1C900] =	vst v1  }
0xcb: {  	[tilespmem:$0x1C910] =	vst v1  }
0xcc: {  	[tilespmem:$0x1C920] =	vst v1  }
0xcd: {  	[tilespmem:$0x1C930] =	vst v1  }
0xce: {  	[tilespmem:$0x1C940] =	vst v1  }
0xcf: {  	[tilespmem:$0x1C950] =	vst v1  }
0xd0: {  	[tilespmem:$0x1C960] =	vst v1  }
0xd1: {  	[tilespmem:$0x1C970] =	vst v1  }
0xd2: {  	[bflag:$0x0] =	sbarrier.arrive $0xFFFF  }
0xd3: {  	s29 =	rddreg [dreg:$0xc]  }
0xd4: {  	s12 =	rddreg [dreg:$0x17]  }
.Ltmp3:
0xd5: {  	s11 =	simm.s32 $0x0;
	s10 =	rddreg [dreg:$0x16];
	(pc) =	sbr.rel .LBB2_4-.Ltmp3, $4  }
0xd6: {  	s3 =	simm.s32 $0x14000;
	s30 =	simm.s32 $0x14080;
	s16 =	rddreg [dreg:$0x15]  }
0xd7: {  	[tilespmem:s3], [sflag:$0x1] =	stream.linear.gather [hbm4b:s29+s11], $0x80, $0x38;
	[tilespmem:$0x1C980] =	vst v63  }
0xd8: {  	s20 =	simm.s32 $0x0;
	s24 =	simm.s32 $0x0;
	s19 =	rddreg [dreg:$0x14]  }
0xd9: {  	[tilespmem:s30], [sflag:$0x1] =	stream.linear.gather [hbm4b:s14+s11], $0x80, $0x38;
	[tilespmem:$0x1C980] =	vst v63  }
.LBB2_5:
0xda: {  	s3 =	rddreg [dreg:$0x18]  }
0xdb: {  	s26 =	simm.s32 $0x1;
	p4 =	slt.u32 s11, s3;
	s3 =	simm.s32 $0x1  }
0xdc: {  	_ =	swait.ge [sflag:s31], $0x4000;
	s3 =	simm.s32 @!p0 $0x0;
	s26 =	simm.s32 @!p4 $0x0  }
0xdd: {  	[sflag:s31] =	ssyncset.done $0x0;
	p4 =	seq.s32 s26, s3  }
0xde: {  	[sflag:s31] =	ssyncadd.s32 $0xFFFFC000;
	s26 =	simm.s32 @!p4 $0x9  }
0xdf: {  	_ =	swait.ge @!p4 [sflag:s26], $0x80  }
0xe0: {  	s6 =	simm.s32 $0x14400;
	[sflag:s26] =	ssyncset.done @!p4 $0x0  }
0xe1: {  	s9 =	simm.s32 $0x14000;
	s30 =	simm.s32 $0x6;
	[sflag:s26] =	ssyncadd.s32 @!p4 $0xFFFFFF80  }
0xe2: {  	[tilespmem:s6], [sflag:$0x5] =	stream.indirect.gather [hbm4b:s1+s17], $0x80, s9, s17, $0xb8;
	[tilespmem:$0x1C980] =	vst v63  }
0xe3: {  	p4 =	slt.u32 s11, s28;
	s26 =	simm.s32 $0x1;
	_ =	swait.ge [sflag:s30], $0x4000  }
0xe4: {  	s21 =	simm.s32 $0x18400;
	s26 =	simm.s32 @!p4 $0x0;
	[sflag:s30] =	ssyncset.done $0x0  }
0xe5: {  	s25 =	simm.s32 $0x14380;
	p4 =	seq.s32 s26, s3;
	[sflag:s30] =	ssyncadd.s32 $0xFFFFC000  }
0xe6: {  	[spmem:s2] =	stream.indirect.scatter.add.f32 [tilespmem:s21], [sflag:$0x8], $0x80, s25, s17, $0xb8;
	[tilespmem:$0x1C980] =	vst v63  }
0xe7: {  	s3 =	simm.s32 @!p4 $0x80;
	s26 =	simm.s32 @!p4 $0x14380;
	s30 =	simm.s32 @!p4 $0x1C900  }
0xe8: {  	[spmem:s4] =	stream.indirect.scatter.add.f32 @!p4 [tilespmem:s30], [sflag:$0xA], $0x1, s26, s3, $0xb8;
	[tilespmem:$0x1C980] =	vst v63  }
.LBB2_6:
0xe9: {  	_ =	swait.ge [sflag:s18], $0x80  }
0xea: {  	[sflag:s18] =	ssyncset.done $0x0  }
0xeb: {  	[sflag:s18] =	ssyncadd.s32 $0xFFFFFF80  }
0xec: {  	s3 =	simm.s32 $0x14200;
	_ =	swait.ge [sflag:s18], $0x80  }
0xed: {  	s30 =	sadd.s32 $0x200, s0;
	s9 =	simm.s32 $0x14280;
	[sflag:s18] =	ssyncset.done $0x0  }
0xee: {  	p4 =	slt.u32 @!p3 s11, s28;
	p5 =	por !p0, p3;
	[sflag:s18] =	ssyncadd.s32 $0xFFFFFF80  }
0xef: {  	[tilespmem:s3], [sflag:$0x3] =	stream.linear.gather [hbm4b:s10+s5], $0x80, $0x38;
	[tilespmem:$0x1C980] =	vst v63  }
0xf0: {  	s26 =	simm.s32 @!p3 $0x1;
	p4 =	por !p4, p3;
	s3 =	simm.s32 @!p3 $0x1  }
0xf1: {  	[tilespmem:s9], [sflag:$0x3] =	stream.linear.gather [hbm4b:s30+s5], $0x80, $0x38;
	[tilespmem:$0x1C980] =	vst v63  }
0xf2: {  	s26 =	simm.s32 @p5 $0x0;
	s3 =	simm.s32 @p4 $0x0;
	s30 =	simm.s32 @!p3 $0x8  }
0xf3: {  	p4 =	seq.s32 @!p3 s3, s26;
	_ =	swait.ge @!p3 [sflag:s30], $0x4000  }
0xf4: {  	p4 =	por p4, p3;
	[sflag:s30] =	ssyncset.done @!p3 $0x0  }
0xf5: {  	s3 =	simm.s32 @!p4 $0xA;
	[sflag:s30] =	ssyncadd.s32 @!p3 $0xFFFFC000  }
0xf6: {  	_ =	swait.ge @!p4 [sflag:s3], $0x80  }
0xf7: {  	[sflag:s3] =	ssyncset.done @!p4 $0x0  }
0xf8: {  	[sflag:s3] =	ssyncadd.s32 @!p4 $0xFFFFFF80  }
0xf9: {  	[tilespmem:s21], [sflag:$0x6] =	stream.indirect.gather [hbm4b:s1+s17], $0x80, s15, s17, $0xb8;
	[tilespmem:$0x1C980] =	vst v63  }
0xfa: {  	_ =	swait.ge [sflag:s22], $0x4000  }
0xfb: {  	p3 =	por p2, p2;
	p4 =	slt.u32 s24, $0xA;
	[sflag:s22] =	ssyncset.done $0x0  }
0xfc: {  	s26 =	simm.s32 $0x14080;
	p3 =	por @!p4 p0, p0;
	[sflag:s22] =	ssyncadd.s32 $0xFFFFC000  }
0xfd: {  	[spmem:s2] =	stream.indirect.scatter.add.f32 [tilespmem:s6], [sflag:$0x7], $0x80, s26, s17, $0xb8;
	[tilespmem:$0x1C980] =	vst v63  }
0xfe: {  	s3 =	simm.s32 @p3 $0x80;
	s30 =	simm.s32 @p3 $0x14080;
	s26 =	simm.s32 @p3 $0x1C900  }
0xff: {  	[spmem:s4] =	stream.indirect.scatter.add.f32 @p3 [tilespmem:s26], [sflag:$0x9], $0x1, s30, s3, $0xb8;
	[tilespmem:$0x1C980] =	vst v63  }
0x100: {  	_ =	swait.ge [sflag:s23], $0x80  }
0x101: {  	[sflag:s23] =	ssyncset.done $0x0  }
0x102: {  	[sflag:s23] =	ssyncadd.s32 $0xFFFFFF80  }
0x103: {  	_ =	swait.ge [sflag:s23], $0x80  }
0x104: {  	[sflag:s23] =	ssyncset.done $0x0  }
0x105: {  	s29 =	simm.s32 $0x14300;
	[sflag:s23] =	ssyncadd.s32 $0xFFFFFF80  }
0x106: {  	[tilespmem:s29], [sflag:$0x4] =	stream.linear.gather [hbm4b:s16+s5], $0x80, $0x38;
	[tilespmem:$0x1C980] =	vst v63  }
0x107: {  	s30 =	sadd.s32 $0x300, s0  }
0x108: {  	[tilespmem:s25], [sflag:$0x4] =	stream.linear.gather [hbm4b:s30+s5], $0x80, $0x38;
	[tilespmem:$0x1C980] =	vst v63  }
0x109: {  	_ =	swait.ge [sflag:s31], $0x4000  }
0x10a: {  	s21 =	simm.s32 @!p3 $0x14400;
	[sflag:s31] =	ssyncset.done $0x0  }
0x10b: {  	s0 =	simm.s32 @!p3 $0x80;
	s30 =	simm.s32 @!p3 $0x14200;
	[sflag:s31] =	ssyncadd.s32 $0xFFFFC000  }
0x10c: {  	[tilespmem:s21], [sflag:$0x5] =	stream.indirect.gather @!p3 [hbm4b:s1+s0], $0x80, s30, s0, $0xb8;
	[tilespmem:$0x1C980] =	vst v63  }
0x10d: {  	s30 =	simm.s32 @!p3 $0x6  }
0x10e: {  	_ =	swait.ge @!p3 [sflag:s30], $0x4000  }
0x10f: {  	[sflag:s30] =	ssyncset.done @!p3 $0x0  }
0x110: {  	s25 =	simm.s32 @!p3 $0x18400;
	[sflag:s30] =	ssyncadd.s32 @!p3 $0xFFFFC000;
	s30 =	simm.s32 @!p3 $0x14180  }
0x111: {  	[spmem:s2] =	stream.indirect.scatter.add.f32 @!p3 [tilespmem:s25], [sflag:$0x8], $0x80, s30, s0, $0xb8;
	[tilespmem:$0x1C980] =	vst v63  }
0x112: {  	s30 =	simm.s32 @p3 $0x9  }
0x113: {  	_ =	swait.ge @p3 [sflag:s30], $0x80  }
0x114: {  	[sflag:s30] =	ssyncset.done @p3 $0x0  }
0x115: {  	s6 =	simm.s32 @p3 $0x14400;
	[sflag:s30] =	ssyncadd.s32 @p3 $0xFFFFFF80;
	s30 =	simm.s32 @p3 $0x14200  }
0x116: {  	[tilespmem:s6], [sflag:$0x5] =	stream.indirect.gather @p3 [hbm4b:s1+s3], $0x80, s30, s3, $0xb8;
	[tilespmem:$0x1C980] =	vst v63  }
0x117: {  	s30 =	simm.s32 @p3 $0x6  }
0x118: {  	_ =	swait.ge @p3 [sflag:s30], $0x4000  }
0x119: {  	[sflag:s30] =	ssyncset.done @p3 $0x0  }
0x11a: {  	s15 =	simm.s32 @p3 $0x18400;
	[sflag:s30] =	ssyncadd.s32 @p3 $0xFFFFC000;
	s30 =	simm.s32 @p3 $0x14180  }
0x11b: {  	[spmem:s2] =	stream.indirect.scatter.add.f32 @p3 [tilespmem:s15], [sflag:$0x8], $0x80, s30, s3, $0xb8;
	[tilespmem:$0x1C980] =	vst v63  }
0x11c: {  	_ = 	snop  }
0x11d: {  	[spmem:s4] =	stream.indirect.scatter.add.f32 @p3 [tilespmem:s26], [sflag:$0xA], $0x1, s30, s3, $0xb8;
	[tilespmem:$0x1C980] =	vst v63  }
0x11e: {  	_ =	swait.ge [sflag:s7], $0x80  }
0x11f: {  	[sflag:s7] =	ssyncset.done $0x0  }
0x120: {  	p4 =	seq.s32 s20, $0x4C00;
	[sflag:s7] =	ssyncadd.s32 $0xFFFFFF80  }
0x121: {  	s29 =	simm.s32 @!p4 $0x14000;
	_ =	swait.ge [sflag:s7], $0x80  }
0x122: {  	s30 =	sshrl.u32 @!p4 s19, $0x3;
	[sflag:s7] =	ssyncset.done $0x0;
	s9 =	rddreg [dreg:$0x5]  }
0x123: {  	[sflag:s7] =	ssyncadd.s32 $0xFFFFFF80;
	s30 =	sadd.s32 @!p4 s9, s30;
	s9 =	simm.s32 @!p4 $0x0  }
0x124: {  	[tilespmem:s29], [sflag:$0x1] =	stream.linear.gather @!p4 [hbm4b:s30+s9], $0x80, $0x38;
	[tilespmem:$0x1C980] =	vst v63  }
0x125: {  	s29 =	sadd.s32 @!p4 s20, s14  }
0x126: {  	s30 =	simm.s32 @!p4 $0x14080;
	s29 =	sadd.s32 @!p4 $0x400, s29  }
0x127: {  	[tilespmem:s30], [sflag:$0x1] =	stream.linear.gather @!p4 [hbm4b:s29+s9], $0x80, $0x38;
	[tilespmem:$0x1C980] =	vst v63  }
0x128: {  	_ =	swait.ge [sflag:s8], $0x4000  }
0x129: {  	[sflag:s8] =	ssyncset.done $0x0  }
0x12a: {  	s9 =	simm.s32 @!p3 $0x14300;
	[sflag:s8] =	ssyncadd.s32 $0xFFFFC000  }
0x12b: {  	[tilespmem:s25], [sflag:$0x6] =	stream.indirect.gather @!p3 [hbm4b:s1+s0], $0x80, s9, s0, $0xb8;
	[tilespmem:$0x1C980] =	vst v63  }
0x12c: {  	s9 =	simm.s32 @!p3 $0x5  }
0x12d: {  	_ =	swait.ge @!p3 [sflag:s9], $0x4000  }
0x12e: {  	[sflag:s9] =	ssyncset.done @!p3 $0x0  }
0x12f: {  	[sflag:s9] =	ssyncadd.s32 @!p3 $0xFFFFC000;
	s9 =	simm.s32 @!p3 $0x14280  }
0x130: {  	[spmem:s2] =	stream.indirect.scatter.add.f32 @!p3 [tilespmem:s21], [sflag:$0x7], $0x80, s9, s0, $0xb8;
	[tilespmem:$0x1C980] =	vst v63  }
0x131: {  	s0 =	simm.s32 @p3 $0xA  }
0x132: {  	_ =	swait.ge @p3 [sflag:s0], $0x80  }
0x133: {  	[sflag:s0] =	ssyncset.done @p3 $0x0  }
0x134: {  	[sflag:s0] =	ssyncadd.s32 @p3 $0xFFFFFF80;
	s0 =	simm.s32 @p3 $0x14300  }
0x135: {  	[tilespmem:s15], [sflag:$0x6] =	stream.indirect.gather @p3 [hbm4b:s1+s3], $0x80, s0, s3, $0xb8;
	[tilespmem:$0x1C980] =	vst v63  }
0x136: {  	s0 =	simm.s32 @p3 $0x5  }
0x137: {  	_ =	swait.ge @p3 [sflag:s0], $0x4000  }
0x138: {  	[sflag:s0] =	ssyncset.done @p3 $0x0  }
0x139: {  	[sflag:s0] =	ssyncadd.s32 @p3 $0xFFFFC000;
	s0 =	simm.s32 @p3 $0x14280  }
0x13a: {  	[spmem:s2] =	stream.indirect.scatter.add.f32 @p3 [tilespmem:s6], [sflag:$0x7], $0x80, s0, s3, $0xb8;
	[tilespmem:$0x1C980] =	vst v63  }
0x13b: {  	s20 =	sadd.s32 $0x400, s20  }
0x13c: {  	[spmem:s4] =	stream.indirect.scatter.add.f32 @p3 [tilespmem:s26], [sflag:$0x9], $0x1, s0, s3, $0xb8;
	[tilespmem:$0x1C980] =	vst v63  }
0x13d: {  	p3 =	sne.s32 s20, $0x5000  }
.Ltmp4:
0x13e: {  	_ = 	snop;
	(pc) =	sbr.rel @!p3 .LBB2_7-.Ltmp4, $4  }
0x13f: {  	_ = 	snop  }
0x140: {  	s11 =	sadd.s32 $0x40, s11  }
0x141: {  	s12 =	sadd.s32 $0x800, s12;
	s10 =	sadd.s32 $0x800, s10;
	s24 =	sadd.s32 $0x1, s24  }
0x142: {  	s16 =	sadd.s32 $0x800, s16;
	s19 =	sadd.s32 $0x4000, s19;
	s15 =	simm.s32 $0x14100  }
.LBB2_4:
0x143: {  	_ =	swait.ge [sflag:s13], $0x80  }
0x144: {  	[sflag:s13] =	ssyncset.done $0x0  }
0x145: {  	[sflag:s13] =	ssyncadd.s32 $0xFFFFFF80  }
0x146: {  	p3 =	seq.s32 s20, $0x0;
	_ =	swait.ge [sflag:s13], $0x80  }
.Ltmp5:
0x147: {  	[sflag:s13] =	ssyncset.done $0x0;
	(pc) =	sbr.rel @!p3 .LBB2_5-.Ltmp5, $4  }
0x148: {  	s0 =	sadd.s32 s20, s14;
	[sflag:s13] =	ssyncadd.s32 $0xFFFFFF80  }
0x149: {  	[tilespmem:s15], [sflag:$0x2] =	stream.linear.gather [hbm4b:s12+s5], $0x80, $0x38;
	[tilespmem:$0x1C980] =	vst v63  }
0x14a: {  	s6 =	simm.s32 $0x14180;
	s3 =	sadd.s32 $0x100, s0  }
0x14b: {  	[tilespmem:s6], [sflag:$0x2] =	stream.linear.gather [hbm4b:s3+s5], $0x80, $0x38;
	[tilespmem:$0x1C980] =	vst v63  }
.Ltmp6:
0x14c: {  	(pc) =	sbr.rel .LBB2_6-.Ltmp6, $4  }
0x14d: {  	_ = 	snop  }
0x14e: {  	s6 =	simm.s32 $0x14400  }
0x14f: {  	s3 =	simm.s32 $0x14000;
	s21 =	simm.s32 $0x18400;
	s25 =	simm.s32 $0x14380  }
0x150: {  	[tilespmem:s6], [sflag:$0x5] =	stream.indirect.gather [hbm4b:s1+s17], $0x80, s3, s17, $0xb8;
	[tilespmem:$0x1C980] =	vst v63  }
.LBB2_8:
0x151: {  	_ =	sfence.sel $0x180000  }
0x152: {  	[bflag:$0x0] =	sbarrier.arrive $0xFFFF  }
0x153: {  	_ =	strace $0x90000047  }
0x154: {  	s0 =	stileid.u32;
	[bflag:$0x2] =	sbarrier.arrive $0xFFFF  }
0x155: {  	p0 =	sne.s32 s0, $0x0;
	s0 =	rddreg [dreg:$0x4]  }
0x156: {  	s0 =	sadd.s32 @!p0 $0x100000, s0  }
0x157: {  	[sflag:s0] =	ssyncadd.tile.s32 @!p0 $0x1;
	_ =	shalt  }
.Lfunc_end2:
_tile_overlayer_lowered:
.L_overlay_start_2:
0x158: {  	(tag) =	ssettag $0x2  }
0x159: {  	s0 =	rddreg [dreg:$0x0];
	s2 =	stileid.u32  }
0x15a: {  	s1 =	rddreg [dreg:$0x1];
	p0 =	sne.s32 s2, $0x0  }
0x15b: {  	s3 =	rddreg [dreg:$0x2];
	[bflag:$0x3] =	sbarrier.arrive $0xFFFF;
	s2 =	simm.s32 @!p0 $0x1C0B  }
0x15c: {  	[timem:s3], [sflag:s2] =	dma.local @!p0 [hbm:s0], s1  }
0x15d: {  	s0 =	simm.s32 @!p0 $0xB  }
0x15e: {  	_ =	swait.ge @!p0 [sflag:s0], s1  }
0x15f: {  	s1 =	ssub.s32 @!p0 $0x0, s1;
	[sflag:s0] =	ssyncset.done @!p0 $0x0  }
0x160: {  	[sflag:s0] =	ssyncadd.s32 @!p0 s1  }
0x161: {  	[bflag:$0x3] =	sbarrier.arrive $0xFFFF  }
0x162: {  	_ =	shalt  }

</sc_bundles>
